<compile_context>
chip_gen: v7x
topology: tpu7x:2x2x1
jax: 0.10.2.dev20260603
libtpu: 0.0.44.dev20260713+nightly
codegen_flags: <defaults>
</compile_context>

<pallas_src>
import jax
import jax.numpy as jnp
from jax import lax
from jax.experimental import pallas as pl
from jax.experimental.pallas import tpu as pltpu
from jax.experimental.pallas import tpu_sc as plsc

_N = 1048576
_GRID = 16
_NC = 2
_NS = 16
_L = 16
_NW = _NC * _NS
_CPW = _N // _NW
_CH = 4096
_NCH = _CPW // _CH
_TBL = _GRID * _GRID * 3
_PLANE = _GRID * _GRID


def _tile_body(a_hbm, b_hbm, coeffs_hbm, scale_hbm, out_hbm,
               tq_v, big_v, sc_v,
               a0_v, a1_v, b0_v, b1_v, o0_v, o1_v,
               sa0, sa1, sb0, sb1, so0, so1):
    wid = lax.axis_index("s") * _NC + lax.axis_index("c")
    base = wid * _CPW
    aa = [a0_v, a1_v]
    bb = [b0_v, b1_v]
    oo = [o0_v, o1_v]
    sa = [sa0, sa1]
    sb = [sb0, sb1]
    so = [so0, so1]

    ha = [None] * _NCH
    hb = [None] * _NCH
    ha[0] = pltpu.async_copy(a_hbm.at[pl.ds(base, _CH)], aa[0], sa[0])
    hb[0] = pltpu.async_copy(b_hbm.at[pl.ds(base, _CH)], bb[0], sb[0])

    pltpu.sync_copy(coeffs_hbm, tq_v.at[pl.ds(0, _TBL)])
    pltpu.sync_copy(scale_hbm, sc_v)
    sv = sc_v[...]

    def prep(i, carry):
        c = tq_v[pl.ds(i * _L, _L)]
        q = jnp.where(c > 0.3, 1.0, jnp.where(c < -0.3, -1.0, 0.0))
        tq_v[pl.ds(i * _L, _L)] = (c + (q - c)) * sv
        return carry

    lax.fori_loop(0, _TBL // _L, prep, 0)

    @plsc.parallel_loop(0, _TBL, unroll=8)
    def repl(r):
        p = r >> 8
        fl = r & (_PLANE - 1)
        val = tq_v[pl.ds(fl * 3 + p, _L)][0]
        big_v[pl.ds(r * _L, _L)] = jnp.broadcast_to(val, (_L,))

    lane = lax.iota(jnp.int32, _L)

    def compute_chunk(a_v, b_v, o_v):
        @plsc.parallel_loop(0, _CH // _L, unroll=4)
        def body(vi):
            off = vi * _L
            av = a_v[pl.ds(off, _L)]
            bv = b_v[pl.ds(off, _L)]
            xa = (av + 1.0) * 8.0
            xb = (bv + 1.0) * 8.0
            ia = jnp.minimum(jnp.maximum(xa.astype(jnp.int32), 0), _GRID - 1)
            ib = jnp.minimum(jnp.maximum(xb.astype(jnp.int32), 0), _GRID - 1)
            flat = (ia << 8) + (ib << 4) + lane
            q0 = plsc.load_gather(big_v, [flat])
            q1 = plsc.load_gather(big_v, [flat + _PLANE * _L])
            q2 = plsc.load_gather(big_v, [flat + 2 * _PLANE * _L])
            la = xa - ia.astype(jnp.float32)
            lb = xb - ib.astype(jnp.float32)
            o_v[pl.ds(off, _L)] = q0 + q1 * la + q2 * lb

    ho = [None, None]
    for k in range(_NCH):
        j = k % 2
        ha[k].wait()
        hb[k].wait()
        if k + 1 < _NCH:
            nj = (k + 1) % 2
            off = base + (k + 1) * _CH
            ha[k + 1] = pltpu.async_copy(a_hbm.at[pl.ds(off, _CH)], aa[nj], sa[nj])
            hb[k + 1] = pltpu.async_copy(b_hbm.at[pl.ds(off, _CH)], bb[nj], sb[nj])
        if ho[j] is not None:
            ho[j].wait()
        compute_chunk(aa[j], bb[j], oo[j])
        ho[j] = pltpu.async_copy(oo[j], out_hbm.at[pl.ds(base + k * _CH, _CH)], so[j])
    for h in ho:
        if h is not None:
            h.wait()


def kernel(a, b, coeffs, scale):
    mesh = plsc.VectorSubcoreMesh(core_axis_name="c", subcore_axis_name="s")
    run = pl.kernel(
        _tile_body,
        mesh=mesh,
        compiler_params=pltpu.CompilerParams(needs_layout_passes=False),
        out_type=jax.ShapeDtypeStruct((_N,), jnp.float32),
        scratch_types=[
            pltpu.VMEM((_TBL + _L,), jnp.float32),
            pltpu.VMEM((_TBL * _L,), jnp.float32),
            pltpu.VMEM((_L,), jnp.float32),
            pltpu.VMEM((_CH,), jnp.float32),
            pltpu.VMEM((_CH,), jnp.float32),
            pltpu.VMEM((_CH,), jnp.float32),
            pltpu.VMEM((_CH,), jnp.float32),
            pltpu.VMEM((_CH,), jnp.float32),
            pltpu.VMEM((_CH,), jnp.float32),
            pltpu.SemaphoreType.DMA,
            pltpu.SemaphoreType.DMA,
            pltpu.SemaphoreType.DMA,
            pltpu.SemaphoreType.DMA,
            pltpu.SemaphoreType.DMA,
            pltpu.SemaphoreType.DMA,
        ],
    )
    coeffs_flat = coeffs.reshape(_TBL)
    scale_vec = jnp.broadcast_to(scale, (_L,))
    return run(a, b, coeffs_flat, scale_vec)

# --- scband reference (transcript-rebuilt; emitter-appended) ---
"""Pipeline reference for scband-ternary-spline2-d-20547123544588 (READ-ONLY COPY).

The authoritative reference and input builder live on the scoring server;
editing this copy changes nothing except your own understanding.
"""

import jax, jax.numpy as jnp
import numpy as np

GRID = 16
N = 1048576

def setup_inputs(seed: int = 0) -> dict:
    key = jax.random.key(seed)
    k1, k2, k3 = jax.random.split(key, 3)
    a = jax.random.normal(k1, (N,), dtype=jnp.float32)
    b = jax.random.normal(k2, (N,), dtype=jnp.float32)
    coeffs = jax.random.normal(k3, (GRID, GRID, 3), dtype=jnp.float32) * 0.5
    scale = jnp.ones((1,), dtype=jnp.float32)
    return {"a": a, "b": b, "coeffs": coeffs, "scale": scale}

def reference(a, b, coeffs, scale):
    grid_size = GRID
    idx_a = jax.lax.stop_gradient(
        jnp.clip(((a + 1.0) / 2.0 * grid_size).astype(jnp.int32), 0, grid_size - 1))
    idx_b = jax.lax.stop_gradient(
        jnp.clip(((b + 1.0) / 2.0 * grid_size).astype(jnp.int32), 0, grid_size - 1))
    # straight-through ternary quantization: value = q, gradient = identity
    q = jnp.where(coeffs > 0.3, 1.0, jnp.where(coeffs < -0.3, -1.0, 0.0)).astype(jnp.float32)
    q_coeffs = coeffs + jax.lax.stop_gradient(q - coeffs)
    cell_coeffs = q_coeffs[idx_a, idx_b]  # [N, 3] gather from grid
    base = cell_coeffs[:, 0]
    slope_a = cell_coeffs[:, 1]
    slope_b = cell_coeffs[:, 2]
    cell_size = 2.0 / grid_size
    idx_a_f = jax.lax.stop_gradient(idx_a.astype(jnp.float32))
    idx_b_f = jax.lax.stop_gradient(idx_b.astype(jnp.float32))
    local_a = (a + 1.0 - idx_a_f * cell_size) / cell_size
    local_b = (b + 1.0 - idx_b_f * cell_size) / cell_size
    result = base + slope_a * local_a + slope_b * local_b
    return result * scale

if __name__ == "__main__":
    import jax
    _d = setup_inputs()
    print(jax.jit(kernel)(*tuple(_d.values())))

</pallas_src>

<mosaic_0001>
#map = affine_map<(d0, d1) -> (0)>
module attributes {stable_mosaic.version = 14 : i64} {
  func.func @_tile_body(%arg0: i32, %arg1: i32, %arg2: memref<1048576xf32, #tpu.memory_space<hbm>>, %arg3: memref<1048576xf32, #tpu.memory_space<hbm>>, %arg4: memref<768xf32, #tpu.memory_space<hbm>>, %arg5: memref<16xf32, #tpu.memory_space<hbm>>, %arg6: memref<1048576xf32, #tpu.memory_space<hbm>>, %arg7: memref<784xf32, #tpu.memory_space<vmem>>, %arg8: memref<12288xf32, #tpu.memory_space<vmem>>, %arg9: memref<16xf32, #tpu.memory_space<vmem>>, %arg10: memref<4096xf32, #tpu.memory_space<vmem>>, %arg11: memref<4096xf32, #tpu.memory_space<vmem>>, %arg12: memref<4096xf32, #tpu.memory_space<vmem>>, %arg13: memref<4096xf32, #tpu.memory_space<vmem>>, %arg14: memref<4096xf32, #tpu.memory_space<vmem>>, %arg15: memref<4096xf32, #tpu.memory_space<vmem>>, %arg16: memref<!tpu.dma_semaphore, #tpu.memory_space<semaphore_mem>>, %arg17: memref<!tpu.dma_semaphore, #tpu.memory_space<semaphore_mem>>, %arg18: memref<!tpu.dma_semaphore, #tpu.memory_space<semaphore_mem>>, %arg19: memref<!tpu.dma_semaphore, #tpu.memory_space<semaphore_mem>>, %arg20: memref<!tpu.dma_semaphore, #tpu.memory_space<semaphore_mem>>, %arg21: memref<!tpu.dma_semaphore, #tpu.memory_space<semaphore_mem>>) attributes {dimension_semantics = [#tpu.dimension_semantics<core_parallel>, #tpu.dimension_semantics<subcore_parallel>], iteration_bounds = array<i64: 2, 16>, scalar_prefetch = 0 : i64, scratch_operands = 15 : i64, tpu.core_type = #tpu.core_type<sc_vector_subcore>, window_params = [{transform_indices = #map}, {transform_indices = #map}, {transform_indices = #map}, {transform_indices = #map}, {transform_indices = #map}]} {
    %mul3A = arith.constant 2 : i32
    %mul3A_0 = arith.muli %arg1, %mul3A : i32
    %add3A = arith.addi %mul3A_0, %arg0 : i32
    %mul3A_1 = arith.constant 32768 : i32
    %mul3A_2 = arith.muli %add3A, %mul3A_1 : i32
    %dma_start3A = tpu.memref_slice %arg2[%mul3A_2] : memref<1048576xf32, #tpu.memory_space<hbm>> -> memref<4096xf32, #tpu.memory_space<hbm>>
    %dma_start3A_3 = tpu.memref_slice %arg2[%mul3A_2] : memref<1048576xf32, #tpu.memory_space<hbm>> -> memref<4096xf32, #tpu.memory_space<hbm>>
    tpu.enqueue_dma source(%dma_start3A_3 : memref<4096xf32, #tpu.memory_space<hbm>>) target(%arg10 : memref<4096xf32, #tpu.memory_space<vmem>>) target_semaphore(%arg16 : memref<!tpu.dma_semaphore, #tpu.memory_space<semaphore_mem>>)
    %dma_start3A_4 = tpu.memref_slice %arg3[%mul3A_2] : memref<1048576xf32, #tpu.memory_space<hbm>> -> memref<4096xf32, #tpu.memory_space<hbm>>
    %dma_start3A_5 = tpu.memref_slice %arg3[%mul3A_2] : memref<1048576xf32, #tpu.memory_space<hbm>> -> memref<4096xf32, #tpu.memory_space<hbm>>
    tpu.enqueue_dma source(%dma_start3A_5 : memref<4096xf32, #tpu.memory_space<hbm>>) target(%arg12 : memref<4096xf32, #tpu.memory_space<vmem>>) target_semaphore(%arg18 : memref<!tpu.dma_semaphore, #tpu.memory_space<semaphore_mem>>)
    "tpu.region"() ({
      %run_scoped3A = tpu.sem_alloc : memref<!tpu.dma_semaphore, #tpu.memory_space<semaphore_mem>>
      %dma_start3A_159 = arith.constant 0 : i32
      %dma_start3A_160 = tpu.memref_slice %arg7[%dma_start3A_159] : memref<784xf32, #tpu.memory_space<vmem>> -> memref<768xf32, #tpu.memory_space<vmem>>
      %dma_start3A_161 = arith.constant 0 : i32
      %dma_start3A_162 = tpu.memref_slice %arg7[%dma_start3A_161] : memref<784xf32, #tpu.memory_space<vmem>> -> memref<768xf32, #tpu.memory_space<vmem>>
      tpu.enqueue_dma source(%arg4 : memref<768xf32, #tpu.memory_space<hbm>>) target(%dma_start3A_162 : memref<768xf32, #tpu.memory_space<vmem>>) target_semaphore(%run_scoped3A : memref<!tpu.dma_semaphore, #tpu.memory_space<semaphore_mem>>)
      %dma_wait3A_163 = arith.constant 0 : i32
      %dma_wait3A_164 = tpu.memref_slice %arg7[%dma_wait3A_163] : memref<784xf32, #tpu.memory_space<vmem>> -> memref<768xf32, #tpu.memory_space<vmem>>
      %dma_wait3A_165 = arith.constant 0 : i32
      %dma_wait3A_166 = tpu.memref_slice %arg7[%dma_wait3A_165] : memref<784xf32, #tpu.memory_space<vmem>> -> memref<768xf32, #tpu.memory_space<vmem>>
      tpu.wait_dma2 semaphore(%run_scoped3A : memref<!tpu.dma_semaphore, #tpu.memory_space<semaphore_mem>>) src(%arg4 : memref<768xf32, #tpu.memory_space<hbm>>) dst(%dma_wait3A_166 : memref<768xf32, #tpu.memory_space<vmem>>)
      tpu.yield
    }) : () -> ()
    "tpu.region"() ({
      %run_scoped3A = tpu.sem_alloc : memref<!tpu.dma_semaphore, #tpu.memory_space<semaphore_mem>>
      tpu.enqueue_dma source(%arg5 : memref<16xf32, #tpu.memory_space<hbm>>) target(%arg9 : memref<16xf32, #tpu.memory_space<vmem>>) target_semaphore(%run_scoped3A : memref<!tpu.dma_semaphore, #tpu.memory_space<semaphore_mem>>)
      tpu.wait_dma2 semaphore(%run_scoped3A : memref<!tpu.dma_semaphore, #tpu.memory_space<semaphore_mem>>) src(%arg5 : memref<16xf32, #tpu.memory_space<hbm>>) dst(%arg9 : memref<16xf32, #tpu.memory_space<vmem>>)
      tpu.yield
    }) : () -> ()
    %get3A = arith.constant 0 : index
    %get3A_6 = tpu.vector_load %arg9[%get3A] {strides = array<i32>} : memref<16xf32, #tpu.memory_space<vmem>>, vector<16xf32>,
    %scan3A = arith.constant 0 : i32
    %scan3A_7 = arith.constant 0 : i32
    %scan3A_8 = arith.constant 48 : i32
    %scan3A_9 = arith.addi %scan3A_7, %scan3A_8 : i32
    %scan3A_10 = arith.constant 1 : i32
    scf.for %scan3A_159 = %scan3A_7 to %scan3A_9 step %scan3A_10  : i32 {
      %mul3A_160 = arith.constant 16 : i32
      %mul3A_161 = arith.muli %scan3A_159, %mul3A_160 : i32
      %get3A_162 = arith.index_cast %mul3A_161 : i32 to index
      %get3A_163 = tpu.vector_load %arg7[%get3A_162] {strides = array<i32>} : memref<784xf32, #tpu.memory_space<vmem>>, vector<16xf32>,
      %gt3A = arith.constant 3.000000e-01 : f32
      %gt3A_164 = vector.broadcast %gt3A : f32 to vector<16xf32>
      %gt3A_165 = arith.cmpf ogt, %get3A_163, %gt3A_164 : vector<16xf32>
      %lt3A = arith.constant -3.000000e-01 : f32
      %lt3A_166 = vector.broadcast %lt3A : f32 to vector<16xf32>
      %lt3A_167 = arith.cmpf olt, %get3A_163, %lt3A_166 : vector<16xf32>
      %jit3A = arith.constant -1.000000e+00 : f32
      %jit3A_168 = arith.constant 0.000000e+00 : f32
      %broadcast_in_dim3A = vector.broadcast %jit3A : f32 to vector<16xf32>
      %broadcast_in_dim3A_169 = vector.broadcast %jit3A_168 : f32 to vector<16xf32>
      %select_n3A = arith.select %lt3A_167, %broadcast_in_dim3A, %broadcast_in_dim3A_169 : vector<16xi1>, vector<16xf32>
      %jit3A_170 = arith.constant 1.000000e+00 : f32
      %broadcast_in_dim3A_171 = vector.broadcast %jit3A_170 : f32 to vector<16xf32>
      %select_n3A_172 = arith.select %gt3A_165, %broadcast_in_dim3A_171, %select_n3A : vector<16xi1>, vector<16xf32>
      %sub3A = arith.subf %select_n3A_172, %get3A_163 : vector<16xf32>
      %add3A_173 = arith.addf %get3A_163, %sub3A : vector<16xf32>
      %mul3A_174 = arith.mulf %add3A_173, %get3A_6 : vector<16xf32>
      %mul3A_175 = arith.constant 16 : i32
      %mul3A_176 = arith.muli %scan3A_159, %mul3A_175 : i32
      %swap3A = arith.index_cast %mul3A_176 : i32 to index
      %swap3A_177 = tpu.vector_load %arg7[%swap3A] {strides = array<i32>} : memref<784xf32, #tpu.memory_space<vmem>>, vector<16xf32>,
      tpu.vector_store %arg7[%swap3A], %mul3A_174 {strides = array<i32>} : memref<784xf32, #tpu.memory_space<vmem>>, vector<16xf32>,
    }
    %scan3A_11 = arith.constant 48 : i32
    %parallel_loop3A = arith.constant 0 : i32
    %parallel_loop3A_12 = arith.constant 768 : i32
    %parallel_loop3A_13 = arith.constant 1 : i32
    scf.for %parallel_loop3A_159 = %parallel_loop3A to %parallel_loop3A_12 step %parallel_loop3A_13  : i32 {
      %parallel_loop3A_160 = arith.constant 8 : i32
      %parallel_loop3A_161 = arith.shrsi %parallel_loop3A_159, %parallel_loop3A_160 : i32
      %parallel_loop3A_162 = arith.constant 255 : i32
      %parallel_loop3A_163 = arith.andi %parallel_loop3A_159, %parallel_loop3A_162 : i32
      %parallel_loop3A_164 = arith.constant 3 : i32
      %parallel_loop3A_165 = arith.muli %parallel_loop3A_163, %parallel_loop3A_164 : i32
      %parallel_loop3A_166 = arith.addi %parallel_loop3A_165, %parallel_loop3A_161 : i32
      %parallel_loop3A_167 = arith.index_cast %parallel_loop3A_166 : i32 to index
      %parallel_loop3A_168 = tpu.vector_load %arg7[%parallel_loop3A_167] {strides = array<i32>} : memref<784xf32, #tpu.memory_space<vmem>>, vector<16xf32>,
      %parallel_loop3A_169 = vector.extract_strided_slice %parallel_loop3A_168 {offsets = [0], sizes = [1], strides = [1]} : vector<16xf32> to vector<1xf32>
      %parallel_loop3A_170 = vector.extract %parallel_loop3A_169[0] : f32 from vector<1xf32>
      %parallel_loop3A_171 = vector.broadcast %parallel_loop3A_170 : f32 to vector<16xf32>
      %parallel_loop3A_172 = arith.constant 16 : i32
      %parallel_loop3A_173 = arith.muli %parallel_loop3A_159, %parallel_loop3A_172 : i32
      %parallel_loop3A_174 = arith.index_cast %parallel_loop3A_173 : i32 to index
      %parallel_loop3A_175 = tpu.vector_load %arg8[%parallel_loop3A_174] {strides = array<i32>} : memref<12288xf32, #tpu.memory_space<vmem>>, vector<16xf32>,
      tpu.vector_store %arg8[%parallel_loop3A_174], %parallel_loop3A_171 {strides = array<i32>} : memref<12288xf32, #tpu.memory_space<vmem>>, vector<16xf32>,
    } {sc.loop_unroll_factor = 8 : i64, sc.parallel_access}
    %iota3A = tpu.iota {dimensions = array<i32: 0>} : vector<16xi32>
    %dma_wait3A = tpu.memref_slice %arg2[%mul3A_2] : memref<1048576xf32, #tpu.memory_space<hbm>> -> memref<4096xf32, #tpu.memory_space<hbm>>
    %dma_wait3A_14 = tpu.memref_slice %arg2[%mul3A_2] : memref<1048576xf32, #tpu.memory_space<hbm>> -> memref<4096xf32, #tpu.memory_space<hbm>>
    tpu.wait_dma2 semaphore(%arg16 : memref<!tpu.dma_semaphore, #tpu.memory_space<semaphore_mem>>) src(%dma_wait3A_14 : memref<4096xf32, #tpu.memory_space<hbm>>) dst(%arg10 : memref<4096xf32, #tpu.memory_space<vmem>>)
    %dma_wait3A_15 = tpu.memref_slice %arg3[%mul3A_2] : memref<1048576xf32, #tpu.memory_space<hbm>> -> memref<4096xf32, #tpu.memory_space<hbm>>
    %dma_wait3A_16 = tpu.memref_slice %arg3[%mul3A_2] : memref<1048576xf32, #tpu.memory_space<hbm>> -> memref<4096xf32, #tpu.memory_space<hbm>>
    tpu.wait_dma2 semaphore(%arg18 : memref<!tpu.dma_semaphore, #tpu.memory_space<semaphore_mem>>) src(%dma_wait3A_16 : memref<4096xf32, #tpu.memory_space<hbm>>) dst(%arg12 : memref<4096xf32, #tpu.memory_space<vmem>>)
    %add3A_17 = arith.constant 4096 : i32
    %add3A_18 = arith.addi %mul3A_2, %add3A_17 : i32
    %dma_start3A_19 = tpu.memref_slice %arg2[%add3A_18] : memref<1048576xf32, #tpu.memory_space<hbm>> -> memref<4096xf32, #tpu.memory_space<hbm>>
    %dma_start3A_20 = tpu.memref_slice %arg2[%add3A_18] : memref<1048576xf32, #tpu.memory_space<hbm>> -> memref<4096xf32, #tpu.memory_space<hbm>>
    tpu.enqueue_dma source(%dma_start3A_20 : memref<4096xf32, #tpu.memory_space<hbm>>) target(%arg11 : memref<4096xf32, #tpu.memory_space<vmem>>) target_semaphore(%arg17 : memref<!tpu.dma_semaphore, #tpu.memory_space<semaphore_mem>>)
    %dma_start3A_21 = tpu.memref_slice %arg3[%add3A_18] : memref<1048576xf32, #tpu.memory_space<hbm>> -> memref<4096xf32, #tpu.memory_space<hbm>>
    %dma_start3A_22 = tpu.memref_slice %arg3[%add3A_18] : memref<1048576xf32, #tpu.memory_space<hbm>> -> memref<4096xf32, #tpu.memory_space<hbm>>
    tpu.enqueue_dma source(%dma_start3A_22 : memref<4096xf32, #tpu.memory_space<hbm>>) target(%arg13 : memref<4096xf32, #tpu.memory_space<vmem>>) target_semaphore(%arg19 : memref<!tpu.dma_semaphore, #tpu.memory_space<semaphore_mem>>)
    %parallel_loop3A_23 = arith.constant 0 : i32
    %parallel_loop3A_24 = arith.constant 256 : i32
    %parallel_loop3A_25 = arith.constant 1 : i32
    scf.for %parallel_loop3A_159 = %parallel_loop3A_23 to %parallel_loop3A_24 step %parallel_loop3A_25  : i32 {
      %parallel_loop3A_160 = arith.constant 16 : i32
      %parallel_loop3A_161 = arith.muli %parallel_loop3A_159, %parallel_loop3A_160 : i32
      %parallel_loop3A_162 = arith.index_cast %parallel_loop3A_161 : i32 to index
      %parallel_loop3A_163 = tpu.vector_load %arg10[%parallel_loop3A_162] {strides = array<i32>} : memref<4096xf32, #tpu.memory_space<vmem>>, vector<16xf32>,
      %parallel_loop3A_164 = arith.index_cast %parallel_loop3A_161 : i32 to index
      %parallel_loop3A_165 = tpu.vector_load %arg12[%parallel_loop3A_164] {strides = array<i32>} : memref<4096xf32, #tpu.memory_space<vmem>>, vector<16xf32>,
      %parallel_loop3A_166 = arith.constant 1.000000e+00 : f32
      %parallel_loop3A_167 = vector.broadcast %parallel_loop3A_166 : f32 to vector<16xf32>
      %parallel_loop3A_168 = arith.addf %parallel_loop3A_163, %parallel_loop3A_167 : vector<16xf32>
      %parallel_loop3A_169 = arith.constant 8.000000e+00 : f32
      %parallel_loop3A_170 = vector.broadcast %parallel_loop3A_169 : f32 to vector<16xf32>
      %parallel_loop3A_171 = arith.mulf %parallel_loop3A_168, %parallel_loop3A_170 : vector<16xf32>
      %parallel_loop3A_172 = arith.constant 1.000000e+00 : f32
      %parallel_loop3A_173 = vector.broadcast %parallel_loop3A_172 : f32 to vector<16xf32>
      %parallel_loop3A_174 = arith.addf %parallel_loop3A_165, %parallel_loop3A_173 : vector<16xf32>
      %parallel_loop3A_175 = arith.constant 8.000000e+00 : f32
      %parallel_loop3A_176 = vector.broadcast %parallel_loop3A_175 : f32 to vector<16xf32>
      %parallel_loop3A_177 = arith.mulf %parallel_loop3A_174, %parallel_loop3A_176 : vector<16xf32>
      %parallel_loop3A_178 = arith.fptosi %parallel_loop3A_171 : vector<16xf32> to vector<16xi32>
      %parallel_loop3A_179 = arith.constant 0 : i32
      %parallel_loop3A_180 = vector.broadcast %parallel_loop3A_179 : i32 to vector<16xi32>
      %parallel_loop3A_181 = arith.maxsi %parallel_loop3A_178, %parallel_loop3A_180 : vector<16xi32>
      %parallel_loop3A_182 = arith.constant 15 : i32
      %parallel_loop3A_183 = vector.broadcast %parallel_loop3A_182 : i32 to vector<16xi32>
      %parallel_loop3A_184 = arith.minsi %parallel_loop3A_181, %parallel_loop3A_183 : vector<16xi32>
      %parallel_loop3A_185 = arith.fptosi %parallel_loop3A_177 : vector<16xf32> to vector<16xi32>
      %parallel_loop3A_186 = arith.constant 0 : i32
      %parallel_loop3A_187 = vector.broadcast %parallel_loop3A_186 : i32 to vector<16xi32>
      %parallel_loop3A_188 = arith.maxsi %parallel_loop3A_185, %parallel_loop3A_187 : vector<16xi32>
      %parallel_loop3A_189 = arith.constant 15 : i32
      %parallel_loop3A_190 = vector.broadcast %parallel_loop3A_189 : i32 to vector<16xi32>
      %parallel_loop3A_191 = arith.minsi %parallel_loop3A_188, %parallel_loop3A_190 : vector<16xi32>
      %parallel_loop3A_192 = arith.constant 8 : i32
      %parallel_loop3A_193 = vector.broadcast %parallel_loop3A_192 : i32 to vector<16xi32>
      %parallel_loop3A_194 = arith.shli %parallel_loop3A_184, %parallel_loop3A_193 : vector<16xi32>
      %parallel_loop3A_195 = arith.constant 4 : i32
      %parallel_loop3A_196 = vector.broadcast %parallel_loop3A_195 : i32 to vector<16xi32>
      %parallel_loop3A_197 = arith.shli %parallel_loop3A_191, %parallel_loop3A_196 : vector<16xi32>
      %parallel_loop3A_198 = arith.addi %parallel_loop3A_194, %parallel_loop3A_197 : vector<16xi32>
      %parallel_loop3A_199 = arith.addi %parallel_loop3A_198, %iota3A : vector<16xi32>
      %parallel_loop3A_200 = tpu.vector_load_idx %arg8[%parallel_loop3A_199] : memref<12288xf32, #tpu.memory_space<vmem>>[vector<16xi32>], vector<16xf32>,
      %parallel_loop3A_201 = arith.constant 4096 : i32
      %parallel_loop3A_202 = vector.broadcast %parallel_loop3A_201 : i32 to vector<16xi32>
      %parallel_loop3A_203 = arith.addi %parallel_loop3A_199, %parallel_loop3A_202 : vector<16xi32>
      %parallel_loop3A_204 = tpu.vector_load_idx %arg8[%parallel_loop3A_203] : memref<12288xf32, #tpu.memory_space<vmem>>[vector<16xi32>], vector<16xf32>,
      %parallel_loop3A_205 = arith.constant 8192 : i32
      %parallel_loop3A_206 = vector.broadcast %parallel_loop3A_205 : i32 to vector<16xi32>
      %parallel_loop3A_207 = arith.addi %parallel_loop3A_199, %parallel_loop3A_206 : vector<16xi32>
      %parallel_loop3A_208 = tpu.vector_load_idx %arg8[%parallel_loop3A_207] : memref<12288xf32, #tpu.memory_space<vmem>>[vector<16xi32>], vector<16xf32>,
      %parallel_loop3A_209 = arith.sitofp %parallel_loop3A_184 : vector<16xi32> to vector<16xf32>
      %parallel_loop3A_210 = arith.subf %parallel_loop3A_171, %parallel_loop3A_209 : vector<16xf32>
      %parallel_loop3A_211 = arith.sitofp %parallel_loop3A_191 : vector<16xi32> to vector<16xf32>
      %parallel_loop3A_212 = arith.subf %parallel_loop3A_177, %parallel_loop3A_211 : vector<16xf32>
      %parallel_loop3A_213 = arith.mulf %parallel_loop3A_204, %parallel_loop3A_210 : vector<16xf32>
      %parallel_loop3A_214 = arith.addf %parallel_loop3A_200, %parallel_loop3A_213 : vector<16xf32>
      %parallel_loop3A_215 = arith.mulf %parallel_loop3A_208, %parallel_loop3A_212 : vector<16xf32>
      %parallel_loop3A_216 = arith.addf %parallel_loop3A_214, %parallel_loop3A_215 : vector<16xf32>
      %parallel_loop3A_217 = arith.index_cast %parallel_loop3A_161 : i32 to index
      %parallel_loop3A_218 = tpu.vector_load %arg14[%parallel_loop3A_217] {strides = array<i32>} : memref<4096xf32, #tpu.memory_space<vmem>>, vector<16xf32>,
      tpu.vector_store %arg14[%parallel_loop3A_217], %parallel_loop3A_216 {strides = array<i32>} : memref<4096xf32, #tpu.memory_space<vmem>>, vector<16xf32>,
    } {sc.loop_unroll_factor = 4 : i64, sc.parallel_access}
    %add3A_26 = arith.constant 0 : i32
    %add3A_27 = arith.addi %mul3A_2, %add3A_26 : i32
    %dma_start3A_28 = tpu.memref_slice %arg6[%add3A_27] : memref<1048576xf32, #tpu.memory_space<hbm>> -> memref<4096xf32, #tpu.memory_space<hbm>>
    %dma_start3A_29 = tpu.memref_slice %arg6[%add3A_27] : memref<1048576xf32, #tpu.memory_space<hbm>> -> memref<4096xf32, #tpu.memory_space<hbm>>
    tpu.enqueue_dma source(%arg14 : memref<4096xf32, #tpu.memory_space<vmem>>) target(%dma_start3A_29 : memref<4096xf32, #tpu.memory_space<hbm>>) target_semaphore(%arg20 : memref<!tpu.dma_semaphore, #tpu.memory_space<semaphore_mem>>)
    %dma_wait3A_30 = tpu.memref_slice %arg2[%add3A_18] : memref<1048576xf32, #tpu.memory_space<hbm>> -> memref<4096xf32, #tpu.memory_space<hbm>>
    %dma_wait3A_31 = tpu.memref_slice %arg2[%add3A_18] : memref<1048576xf32, #tpu.memory_space<hbm>> -> memref<4096xf32, #tpu.memory_space<hbm>>
    tpu.wait_dma2 semaphore(%arg17 : memref<!tpu.dma_semaphore, #tpu.memory_space<semaphore_mem>>) src(%dma_wait3A_31 : memref<4096xf32, #tpu.memory_space<hbm>>) dst(%arg11 : memref<4096xf32, #tpu.memory_space<vmem>>)
    %dma_wait3A_32 = tpu.memref_slice %arg3[%add3A_18] : memref<1048576xf32, #tpu.memory_space<hbm>> -> memref<4096xf32, #tpu.memory_space<hbm>>
    %dma_wait3A_33 = tpu.memref_slice %arg3[%add3A_18] : memref<1048576xf32, #tpu.memory_space<hbm>> -> memref<4096xf32, #tpu.memory_space<hbm>>
    tpu.wait_dma2 semaphore(%arg19 : memref<!tpu.dma_semaphore, #tpu.memory_space<semaphore_mem>>) src(%dma_wait3A_33 : memref<4096xf32, #tpu.memory_space<hbm>>) dst(%arg13 : memref<4096xf32, #tpu.memory_space<vmem>>)
    %add3A_34 = arith.constant 8192 : i32
    %add3A_35 = arith.addi %mul3A_2, %add3A_34 : i32
    %dma_start3A_36 = tpu.memref_slice %arg2[%add3A_35] : memref<1048576xf32, #tpu.memory_space<hbm>> -> memref<4096xf32, #tpu.memory_space<hbm>>
    %dma_start3A_37 = tpu.memref_slice %arg2[%add3A_35] : memref<1048576xf32, #tpu.memory_space<hbm>> -> memref<4096xf32, #tpu.memory_space<hbm>>
    tpu.enqueue_dma source(%dma_start3A_37 : memref<4096xf32, #tpu.memory_space<hbm>>) target(%arg10 : memref<4096xf32, #tpu.memory_space<vmem>>) target_semaphore(%arg16 : memref<!tpu.dma_semaphore, #tpu.memory_space<semaphore_mem>>)
    %dma_start3A_38 = tpu.memref_slice %arg3[%add3A_35] : memref<1048576xf32, #tpu.memory_space<hbm>> -> memref<4096xf32, #tpu.memory_space<hbm>>
    %dma_start3A_39 = tpu.memref_slice %arg3[%add3A_35] : memref<1048576xf32, #tpu.memory_space<hbm>> -> memref<4096xf32, #tpu.memory_space<hbm>>
    tpu.enqueue_dma source(%dma_start3A_39 : memref<4096xf32, #tpu.memory_space<hbm>>) target(%arg12 : memref<4096xf32, #tpu.memory_space<vmem>>) target_semaphore(%arg18 : memref<!tpu.dma_semaphore, #tpu.memory_space<semaphore_mem>>)
    %parallel_loop3A_40 = arith.constant 0 : i32
    %parallel_loop3A_41 = arith.constant 256 : i32
    %parallel_loop3A_42 = arith.constant 1 : i32
    scf.for %parallel_loop3A_159 = %parallel_loop3A_40 to %parallel_loop3A_41 step %parallel_loop3A_42  : i32 {
      %parallel_loop3A_160 = arith.constant 16 : i32
      %parallel_loop3A_161 = arith.muli %parallel_loop3A_159, %parallel_loop3A_160 : i32
      %parallel_loop3A_162 = arith.index_cast %parallel_loop3A_161 : i32 to index
      %parallel_loop3A_163 = tpu.vector_load %arg11[%parallel_loop3A_162] {strides = array<i32>} : memref<4096xf32, #tpu.memory_space<vmem>>, vector<16xf32>,
      %parallel_loop3A_164 = arith.index_cast %parallel_loop3A_161 : i32 to index
      %parallel_loop3A_165 = tpu.vector_load %arg13[%parallel_loop3A_164] {strides = array<i32>} : memref<4096xf32, #tpu.memory_space<vmem>>, vector<16xf32>,
      %parallel_loop3A_166 = arith.constant 1.000000e+00 : f32
      %parallel_loop3A_167 = vector.broadcast %parallel_loop3A_166 : f32 to vector<16xf32>
      %parallel_loop3A_168 = arith.addf %parallel_loop3A_163, %parallel_loop3A_167 : vector<16xf32>
      %parallel_loop3A_169 = arith.constant 8.000000e+00 : f32
      %parallel_loop3A_170 = vector.broadcast %parallel_loop3A_169 : f32 to vector<16xf32>
      %parallel_loop3A_171 = arith.mulf %parallel_loop3A_168, %parallel_loop3A_170 : vector<16xf32>
      %parallel_loop3A_172 = arith.constant 1.000000e+00 : f32
      %parallel_loop3A_173 = vector.broadcast %parallel_loop3A_172 : f32 to vector<16xf32>
      %parallel_loop3A_174 = arith.addf %parallel_loop3A_165, %parallel_loop3A_173 : vector<16xf32>
      %parallel_loop3A_175 = arith.constant 8.000000e+00 : f32
      %parallel_loop3A_176 = vector.broadcast %parallel_loop3A_175 : f32 to vector<16xf32>
      %parallel_loop3A_177 = arith.mulf %parallel_loop3A_174, %parallel_loop3A_176 : vector<16xf32>
      %parallel_loop3A_178 = arith.fptosi %parallel_loop3A_171 : vector<16xf32> to vector<16xi32>
      %parallel_loop3A_179 = arith.constant 0 : i32
      %parallel_loop3A_180 = vector.broadcast %parallel_loop3A_179 : i32 to vector<16xi32>
      %parallel_loop3A_181 = arith.maxsi %parallel_loop3A_178, %parallel_loop3A_180 : vector<16xi32>
      %parallel_loop3A_182 = arith.constant 15 : i32
      %parallel_loop3A_183 = vector.broadcast %parallel_loop3A_182 : i32 to vector<16xi32>
      %parallel_loop3A_184 = arith.minsi %parallel_loop3A_181, %parallel_loop3A_183 : vector<16xi32>
      %parallel_loop3A_185 = arith.fptosi %parallel_loop3A_177 : vector<16xf32> to vector<16xi32>
      %parallel_loop3A_186 = arith.constant 0 : i32
      %parallel_loop3A_187 = vector.broadcast %parallel_loop3A_186 : i32 to vector<16xi32>
      %parallel_loop3A_188 = arith.maxsi %parallel_loop3A_185, %parallel_loop3A_187 : vector<16xi32>
      %parallel_loop3A_189 = arith.constant 15 : i32
      %parallel_loop3A_190 = vector.broadcast %parallel_loop3A_189 : i32 to vector<16xi32>
      %parallel_loop3A_191 = arith.minsi %parallel_loop3A_188, %parallel_loop3A_190 : vector<16xi32>
      %parallel_loop3A_192 = arith.constant 8 : i32
      %parallel_loop3A_193 = vector.broadcast %parallel_loop3A_192 : i32 to vector<16xi32>
      %parallel_loop3A_194 = arith.shli %parallel_loop3A_184, %parallel_loop3A_193 : vector<16xi32>
      %parallel_loop3A_195 = arith.constant 4 : i32
      %parallel_loop3A_196 = vector.broadcast %parallel_loop3A_195 : i32 to vector<16xi32>
      %parallel_loop3A_197 = arith.shli %parallel_loop3A_191, %parallel_loop3A_196 : vector<16xi32>
      %parallel_loop3A_198 = arith.addi %parallel_loop3A_194, %parallel_loop3A_197 : vector<16xi32>
      %parallel_loop3A_199 = arith.addi %parallel_loop3A_198, %iota3A : vector<16xi32>
      %parallel_loop3A_200 = tpu.vector_load_idx %arg8[%parallel_loop3A_199] : memref<12288xf32, #tpu.memory_space<vmem>>[vector<16xi32>], vector<16xf32>,
      %parallel_loop3A_201 = arith.constant 4096 : i32
      %parallel_loop3A_202 = vector.broadcast %parallel_loop3A_201 : i32 to vector<16xi32>
      %parallel_loop3A_203 = arith.addi %parallel_loop3A_199, %parallel_loop3A_202 : vector<16xi32>
      %parallel_loop3A_204 = tpu.vector_load_idx %arg8[%parallel_loop3A_203] : memref<12288xf32, #tpu.memory_space<vmem>>[vector<16xi32>], vector<16xf32>,
      %parallel_loop3A_205 = arith.constant 8192 : i32
      %parallel_loop3A_206 = vector.broadcast %parallel_loop3A_205 : i32 to vector<16xi32>
      %parallel_loop3A_207 = arith.addi %parallel_loop3A_199, %parallel_loop3A_206 : vector<16xi32>
      %parallel_loop3A_208 = tpu.vector_load_idx %arg8[%parallel_loop3A_207] : memref<12288xf32, #tpu.memory_space<vmem>>[vector<16xi32>], vector<16xf32>,
      %parallel_loop3A_209 = arith.sitofp %parallel_loop3A_184 : vector<16xi32> to vector<16xf32>
      %parallel_loop3A_210 = arith.subf %parallel_loop3A_171, %parallel_loop3A_209 : vector<16xf32>
      %parallel_loop3A_211 = arith.sitofp %parallel_loop3A_191 : vector<16xi32> to vector<16xf32>
      %parallel_loop3A_212 = arith.subf %parallel_loop3A_177, %parallel_loop3A_211 : vector<16xf32>
      %parallel_loop3A_213 = arith.mulf %parallel_loop3A_204, %parallel_loop3A_210 : vector<16xf32>
      %parallel_loop3A_214 = arith.addf %parallel_loop3A_200, %parallel_loop3A_213 : vector<16xf32>
      %parallel_loop3A_215 = arith.mulf %parallel_loop3A_208, %parallel_loop3A_212 : vector<16xf32>
      %parallel_loop3A_216 = arith.addf %parallel_loop3A_214, %parallel_loop3A_215 : vector<16xf32>
      %parallel_loop3A_217 = arith.index_cast %parallel_loop3A_161 : i32 to index
      %parallel_loop3A_218 = tpu.vector_load %arg15[%parallel_loop3A_217] {strides = array<i32>} : memref<4096xf32, #tpu.memory_space<vmem>>, vector<16xf32>,
      tpu.vector_store %arg15[%parallel_loop3A_217], %parallel_loop3A_216 {strides = array<i32>} : memref<4096xf32, #tpu.memory_space<vmem>>, vector<16xf32>,
    } {sc.loop_unroll_factor = 4 : i64, sc.parallel_access}
    %add3A_43 = arith.constant 4096 : i32
    %add3A_44 = arith.addi %mul3A_2, %add3A_43 : i32
    %dma_start3A_45 = tpu.memref_slice %arg6[%add3A_44] : memref<1048576xf32, #tpu.memory_space<hbm>> -> memref<4096xf32, #tpu.memory_space<hbm>>
    %dma_start3A_46 = tpu.memref_slice %arg6[%add3A_44] : memref<1048576xf32, #tpu.memory_space<hbm>> -> memref<4096xf32, #tpu.memory_space<hbm>>
    tpu.enqueue_dma source(%arg15 : memref<4096xf32, #tpu.memory_space<vmem>>) target(%dma_start3A_46 : memref<4096xf32, #tpu.memory_space<hbm>>) target_semaphore(%arg21 : memref<!tpu.dma_semaphore, #tpu.memory_space<semaphore_mem>>)
    %dma_wait3A_47 = tpu.memref_slice %arg2[%add3A_35] : memref<1048576xf32, #tpu.memory_space<hbm>> -> memref<4096xf32, #tpu.memory_space<hbm>>
    %dma_wait3A_48 = tpu.memref_slice %arg2[%add3A_35] : memref<1048576xf32, #tpu.memory_space<hbm>> -> memref<4096xf32, #tpu.memory_space<hbm>>
    tpu.wait_dma2 semaphore(%arg16 : memref<!tpu.dma_semaphore, #tpu.memory_space<semaphore_mem>>) src(%dma_wait3A_48 : memref<4096xf32, #tpu.memory_space<hbm>>) dst(%arg10 : memref<4096xf32, #tpu.memory_space<vmem>>)
    %dma_wait3A_49 = tpu.memref_slice %arg3[%add3A_35] : memref<1048576xf32, #tpu.memory_space<hbm>> -> memref<4096xf32, #tpu.memory_space<hbm>>
    %dma_wait3A_50 = tpu.memref_slice %arg3[%add3A_35] : memref<1048576xf32, #tpu.memory_space<hbm>> -> memref<4096xf32, #tpu.memory_space<hbm>>
    tpu.wait_dma2 semaphore(%arg18 : memref<!tpu.dma_semaphore, #tpu.memory_space<semaphore_mem>>) src(%dma_wait3A_50 : memref<4096xf32, #tpu.memory_space<hbm>>) dst(%arg12 : memref<4096xf32, #tpu.memory_space<vmem>>)
    %add3A_51 = arith.constant 12288 : i32
    %add3A_52 = arith.addi %mul3A_2, %add3A_51 : i32
    %dma_start3A_53 = tpu.memref_slice %arg2[%add3A_52] : memref<1048576xf32, #tpu.memory_space<hbm>> -> memref<4096xf32, #tpu.memory_space<hbm>>
    %dma_start3A_54 = tpu.memref_slice %arg2[%add3A_52] : memref<1048576xf32, #tpu.memory_space<hbm>> -> memref<4096xf32, #tpu.memory_space<hbm>>
    tpu.enqueue_dma source(%dma_start3A_54 : memref<4096xf32, #tpu.memory_space<hbm>>) target(%arg11 : memref<4096xf32, #tpu.memory_space<vmem>>) target_semaphore(%arg17 : memref<!tpu.dma_semaphore, #tpu.memory_space<semaphore_mem>>)
    %dma_start3A_55 = tpu.memref_slice %arg3[%add3A_52] : memref<1048576xf32, #tpu.memory_space<hbm>> -> memref<4096xf32, #tpu.memory_space<hbm>>
    %dma_start3A_56 = tpu.memref_slice %arg3[%add3A_52] : memref<1048576xf32, #tpu.memory_space<hbm>> -> memref<4096xf32, #tpu.memory_space<hbm>>
    tpu.enqueue_dma source(%dma_start3A_56 : memref<4096xf32, #tpu.memory_space<hbm>>) target(%arg13 : memref<4096xf32, #tpu.memory_space<vmem>>) target_semaphore(%arg19 : memref<!tpu.dma_semaphore, #tpu.memory_space<semaphore_mem>>)
    %dma_wait3A_57 = tpu.memref_slice %arg6[%add3A_27] : memref<1048576xf32, #tpu.memory_space<hbm>> -> memref<4096xf32, #tpu.memory_space<hbm>>
    %dma_wait3A_58 = tpu.memref_slice %arg6[%add3A_27] : memref<1048576xf32, #tpu.memory_space<hbm>> -> memref<4096xf32, #tpu.memory_space<hbm>>
    tpu.wait_dma2 semaphore(%arg20 : memref<!tpu.dma_semaphore, #tpu.memory_space<semaphore_mem>>) src(%arg14 : memref<4096xf32, #tpu.memory_space<vmem>>) dst(%dma_wait3A_58 : memref<4096xf32, #tpu.memory_space<hbm>>)
    %parallel_loop3A_59 = arith.constant 0 : i32
    %parallel_loop3A_60 = arith.constant 256 : i32
    %parallel_loop3A_61 = arith.constant 1 : i32
    scf.for %parallel_loop3A_159 = %parallel_loop3A_59 to %parallel_loop3A_60 step %parallel_loop3A_61  : i32 {
      %parallel_loop3A_160 = arith.constant 16 : i32
      %parallel_loop3A_161 = arith.muli %parallel_loop3A_159, %parallel_loop3A_160 : i32
      %parallel_loop3A_162 = arith.index_cast %parallel_loop3A_161 : i32 to index
      %parallel_loop3A_163 = tpu.vector_load %arg10[%parallel_loop3A_162] {strides = array<i32>} : memref<4096xf32, #tpu.memory_space<vmem>>, vector<16xf32>,
      %parallel_loop3A_164 = arith.index_cast %parallel_loop3A_161 : i32 to index
      %parallel_loop3A_165 = tpu.vector_load %arg12[%parallel_loop3A_164] {strides = array<i32>} : memref<4096xf32, #tpu.memory_space<vmem>>, vector<16xf32>,
      %parallel_loop3A_166 = arith.constant 1.000000e+00 : f32
      %parallel_loop3A_167 = vector.broadcast %parallel_loop3A_166 : f32 to vector<16xf32>
      %parallel_loop3A_168 = arith.addf %parallel_loop3A_163, %parallel_loop3A_167 : vector<16xf32>
      %parallel_loop3A_169 = arith.constant 8.000000e+00 : f32
      %parallel_loop3A_170 = vector.broadcast %parallel_loop3A_169 : f32 to vector<16xf32>
      %parallel_loop3A_171 = arith.mulf %parallel_loop3A_168, %parallel_loop3A_170 : vector<16xf32>
      %parallel_loop3A_172 = arith.constant 1.000000e+00 : f32
      %parallel_loop3A_173 = vector.broadcast %parallel_loop3A_172 : f32 to vector<16xf32>
      %parallel_loop3A_174 = arith.addf %parallel_loop3A_165, %parallel_loop3A_173 : vector<16xf32>
      %parallel_loop3A_175 = arith.constant 8.000000e+00 : f32
      %parallel_loop3A_176 = vector.broadcast %parallel_loop3A_175 : f32 to vector<16xf32>
      %parallel_loop3A_177 = arith.mulf %parallel_loop3A_174, %parallel_loop3A_176 : vector<16xf32>
      %parallel_loop3A_178 = arith.fptosi %parallel_loop3A_171 : vector<16xf32> to vector<16xi32>
      %parallel_loop3A_179 = arith.constant 0 : i32
      %parallel_loop3A_180 = vector.broadcast %parallel_loop3A_179 : i32 to vector<16xi32>
      %parallel_loop3A_181 = arith.maxsi %parallel_loop3A_178, %parallel_loop3A_180 : vector<16xi32>
      %parallel_loop3A_182 = arith.constant 15 : i32
      %parallel_loop3A_183 = vector.broadcast %parallel_loop3A_182 : i32 to vector<16xi32>
      %parallel_loop3A_184 = arith.minsi %parallel_loop3A_181, %parallel_loop3A_183 : vector<16xi32>
      %parallel_loop3A_185 = arith.fptosi %parallel_loop3A_177 : vector<16xf32> to vector<16xi32>
      %parallel_loop3A_186 = arith.constant 0 : i32
      %parallel_loop3A_187 = vector.broadcast %parallel_loop3A_186 : i32 to vector<16xi32>
      %parallel_loop3A_188 = arith.maxsi %parallel_loop3A_185, %parallel_loop3A_187 : vector<16xi32>
      %parallel_loop3A_189 = arith.constant 15 : i32
      %parallel_loop3A_190 = vector.broadcast %parallel_loop3A_189 : i32 to vector<16xi32>
      %parallel_loop3A_191 = arith.minsi %parallel_loop3A_188, %parallel_loop3A_190 : vector<16xi32>
      %parallel_loop3A_192 = arith.constant 8 : i32
      %parallel_loop3A_193 = vector.broadcast %parallel_loop3A_192 : i32 to vector<16xi32>
      %parallel_loop3A_194 = arith.shli %parallel_loop3A_184, %parallel_loop3A_193 : vector<16xi32>
      %parallel_loop3A_195 = arith.constant 4 : i32
      %parallel_loop3A_196 = vector.broadcast %parallel_loop3A_195 : i32 to vector<16xi32>
      %parallel_loop3A_197 = arith.shli %parallel_loop3A_191, %parallel_loop3A_196 : vector<16xi32>
      %parallel_loop3A_198 = arith.addi %parallel_loop3A_194, %parallel_loop3A_197 : vector<16xi32>
      %parallel_loop3A_199 = arith.addi %parallel_loop3A_198, %iota3A : vector<16xi32>
      %parallel_loop3A_200 = tpu.vector_load_idx %arg8[%parallel_loop3A_199] : memref<12288xf32, #tpu.memory_space<vmem>>[vector<16xi32>], vector<16xf32>,
      %parallel_loop3A_201 = arith.constant 4096 : i32
      %parallel_loop3A_202 = vector.broadcast %parallel_loop3A_201 : i32 to vector<16xi32>
      %parallel_loop3A_203 = arith.addi %parallel_loop3A_199, %parallel_loop3A_202 : vector<16xi32>
      %parallel_loop3A_204 = tpu.vector_load_idx %arg8[%parallel_loop3A_203] : memref<12288xf32, #tpu.memory_space<vmem>>[vector<16xi32>], vector<16xf32>,
      %parallel_loop3A_205 = arith.constant 8192 : i32
      %parallel_loop3A_206 = vector.broadcast %parallel_loop3A_205 : i32 to vector<16xi32>
      %parallel_loop3A_207 = arith.addi %parallel_loop3A_199, %parallel_loop3A_206 : vector<16xi32>
      %parallel_loop3A_208 = tpu.vector_load_idx %arg8[%parallel_loop3A_207] : memref<12288xf32, #tpu.memory_space<vmem>>[vector<16xi32>], vector<16xf32>,
      %parallel_loop3A_209 = arith.sitofp %parallel_loop3A_184 : vector<16xi32> to vector<16xf32>
      %parallel_loop3A_210 = arith.subf %parallel_loop3A_171, %parallel_loop3A_209 : vector<16xf32>
      %parallel_loop3A_211 = arith.sitofp %parallel_loop3A_191 : vector<16xi32> to vector<16xf32>
      %parallel_loop3A_212 = arith.subf %parallel_loop3A_177, %parallel_loop3A_211 : vector<16xf32>
      %parallel_loop3A_213 = arith.mulf %parallel_loop3A_204, %parallel_loop3A_210 : vector<16xf32>
      %parallel_loop3A_214 = arith.addf %parallel_loop3A_200, %parallel_loop3A_213 : vector<16xf32>
      %parallel_loop3A_215 = arith.mulf %parallel_loop3A_208, %parallel_loop3A_212 : vector<16xf32>
      %parallel_loop3A_216 = arith.addf %parallel_loop3A_214, %parallel_loop3A_215 : vector<16xf32>
      %parallel_loop3A_217 = arith.index_cast %parallel_loop3A_161 : i32 to index
      %parallel_loop3A_218 = tpu.vector_load %arg14[%parallel_loop3A_217] {strides = array<i32>} : memref<4096xf32, #tpu.memory_space<vmem>>, vector<16xf32>,
      tpu.vector_store %arg14[%parallel_loop3A_217], %parallel_loop3A_216 {strides = array<i32>} : memref<4096xf32, #tpu.memory_space<vmem>>, vector<16xf32>,
    } {sc.loop_unroll_factor = 4 : i64, sc.parallel_access}
    %add3A_62 = arith.constant 8192 : i32
    %add3A_63 = arith.addi %mul3A_2, %add3A_62 : i32
    %dma_start3A_64 = tpu.memref_slice %arg6[%add3A_63] : memref<1048576xf32, #tpu.memory_space<hbm>> -> memref<4096xf32, #tpu.memory_space<hbm>>
    %dma_start3A_65 = tpu.memref_slice %arg6[%add3A_63] : memref<1048576xf32, #tpu.memory_space<hbm>> -> memref<4096xf32, #tpu.memory_space<hbm>>
    tpu.enqueue_dma source(%arg14 : memref<4096xf32, #tpu.memory_space<vmem>>) target(%dma_start3A_65 : memref<4096xf32, #tpu.memory_space<hbm>>) target_semaphore(%arg20 : memref<!tpu.dma_semaphore, #tpu.memory_space<semaphore_mem>>)
    %dma_wait3A_66 = tpu.memref_slice %arg2[%add3A_52] : memref<1048576xf32, #tpu.memory_space<hbm>> -> memref<4096xf32, #tpu.memory_space<hbm>>
    %dma_wait3A_67 = tpu.memref_slice %arg2[%add3A_52] : memref<1048576xf32, #tpu.memory_space<hbm>> -> memref<4096xf32, #tpu.memory_space<hbm>>
    tpu.wait_dma2 semaphore(%arg17 : memref<!tpu.dma_semaphore, #tpu.memory_space<semaphore_mem>>) src(%dma_wait3A_67 : memref<4096xf32, #tpu.memory_space<hbm>>) dst(%arg11 : memref<4096xf32, #tpu.memory_space<vmem>>)
    %dma_wait3A_68 = tpu.memref_slice %arg3[%add3A_52] : memref<1048576xf32, #tpu.memory_space<hbm>> -> memref<4096xf32, #tpu.memory_space<hbm>>
    %dma_wait3A_69 = tpu.memref_slice %arg3[%add3A_52] : memref<1048576xf32, #tpu.memory_space<hbm>> -> memref<4096xf32, #tpu.memory_space<hbm>>
    tpu.wait_dma2 semaphore(%arg19 : memref<!tpu.dma_semaphore, #tpu.memory_space<semaphore_mem>>) src(%dma_wait3A_69 : memref<4096xf32, #tpu.memory_space<hbm>>) dst(%arg13 : memref<4096xf32, #tpu.memory_space<vmem>>)
    %add3A_70 = arith.constant 16384 : i32
    %add3A_71 = arith.addi %mul3A_2, %add3A_70 : i32
    %dma_start3A_72 = tpu.memref_slice %arg2[%add3A_71] : memref<1048576xf32, #tpu.memory_space<hbm>> -> memref<4096xf32, #tpu.memory_space<hbm>>
    %dma_start3A_73 = tpu.memref_slice %arg2[%add3A_71] : memref<1048576xf32, #tpu.memory_space<hbm>> -> memref<4096xf32, #tpu.memory_space<hbm>>
    tpu.enqueue_dma source(%dma_start3A_73 : memref<4096xf32, #tpu.memory_space<hbm>>) target(%arg10 : memref<4096xf32, #tpu.memory_space<vmem>>) target_semaphore(%arg16 : memref<!tpu.dma_semaphore, #tpu.memory_space<semaphore_mem>>)
    %dma_start3A_74 = tpu.memref_slice %arg3[%add3A_71] : memref<1048576xf32, #tpu.memory_space<hbm>> -> memref<4096xf32, #tpu.memory_space<hbm>>
    %dma_start3A_75 = tpu.memref_slice %arg3[%add3A_71] : memref<1048576xf32, #tpu.memory_space<hbm>> -> memref<4096xf32, #tpu.memory_space<hbm>>
    tpu.enqueue_dma source(%dma_start3A_75 : memref<4096xf32, #tpu.memory_space<hbm>>) target(%arg12 : memref<4096xf32, #tpu.memory_space<vmem>>) target_semaphore(%arg18 : memref<!tpu.dma_semaphore, #tpu.memory_space<semaphore_mem>>)
    %dma_wait3A_76 = tpu.memref_slice %arg6[%add3A_44] : memref<1048576xf32, #tpu.memory_space<hbm>> -> memref<4096xf32, #tpu.memory_space<hbm>>
    %dma_wait3A_77 = tpu.memref_slice %arg6[%add3A_44] : memref<1048576xf32, #tpu.memory_space<hbm>> -> memref<4096xf32, #tpu.memory_space<hbm>>
    tpu.wait_dma2 semaphore(%arg21 : memref<!tpu.dma_semaphore, #tpu.memory_space<semaphore_mem>>) src(%arg15 : memref<4096xf32, #tpu.memory_space<vmem>>) dst(%dma_wait3A_77 : memref<4096xf32, #tpu.memory_space<hbm>>)
    %parallel_loop3A_78 = arith.constant 0 : i32
    %parallel_loop3A_79 = arith.constant 256 : i32
    %parallel_loop3A_80 = arith.constant 1 : i32
    scf.for %parallel_loop3A_159 = %parallel_loop3A_78 to %parallel_loop3A_79 step %parallel_loop3A_80  : i32 {
      %parallel_loop3A_160 = arith.constant 16 : i32
      %parallel_loop3A_161 = arith.muli %parallel_loop3A_159, %parallel_loop3A_160 : i32
      %parallel_loop3A_162 = arith.index_cast %parallel_loop3A_161 : i32 to index
      %parallel_loop3A_163 = tpu.vector_load %arg11[%parallel_loop3A_162] {strides = array<i32>} : memref<4096xf32, #tpu.memory_space<vmem>>, vector<16xf32>,
      %parallel_loop3A_164 = arith.index_cast %parallel_loop3A_161 : i32 to index
      %parallel_loop3A_165 = tpu.vector_load %arg13[%parallel_loop3A_164] {strides = array<i32>} : memref<4096xf32, #tpu.memory_space<vmem>>, vector<16xf32>,
      %parallel_loop3A_166 = arith.constant 1.000000e+00 : f32
      %parallel_loop3A_167 = vector.broadcast %parallel_loop3A_166 : f32 to vector<16xf32>
      %parallel_loop3A_168 = arith.addf %parallel_loop3A_163, %parallel_loop3A_167 : vector<16xf32>
      %parallel_loop3A_169 = arith.constant 8.000000e+00 : f32
      %parallel_loop3A_170 = vector.broadcast %parallel_loop3A_169 : f32 to vector<16xf32>
      %parallel_loop3A_171 = arith.mulf %parallel_loop3A_168, %parallel_loop3A_170 : vector<16xf32>
      %parallel_loop3A_172 = arith.constant 1.000000e+00 : f32
      %parallel_loop3A_173 = vector.broadcast %parallel_loop3A_172 : f32 to vector<16xf32>
      %parallel_loop3A_174 = arith.addf %parallel_loop3A_165, %parallel_loop3A_173 : vector<16xf32>
      %parallel_loop3A_175 = arith.constant 8.000000e+00 : f32
      %parallel_loop3A_176 = vector.broadcast %parallel_loop3A_175 : f32 to vector<16xf32>
      %parallel_loop3A_177 = arith.mulf %parallel_loop3A_174, %parallel_loop3A_176 : vector<16xf32>
      %parallel_loop3A_178 = arith.fptosi %parallel_loop3A_171 : vector<16xf32> to vector<16xi32>
      %parallel_loop3A_179 = arith.constant 0 : i32
      %parallel_loop3A_180 = vector.broadcast %parallel_loop3A_179 : i32 to vector<16xi32>
      %parallel_loop3A_181 = arith.maxsi %parallel_loop3A_178, %parallel_loop3A_180 : vector<16xi32>
      %parallel_loop3A_182 = arith.constant 15 : i32
      %parallel_loop3A_183 = vector.broadcast %parallel_loop3A_182 : i32 to vector<16xi32>
      %parallel_loop3A_184 = arith.minsi %parallel_loop3A_181, %parallel_loop3A_183 : vector<16xi32>
      %parallel_loop3A_185 = arith.fptosi %parallel_loop3A_177 : vector<16xf32> to vector<16xi32>
      %parallel_loop3A_186 = arith.constant 0 : i32
      %parallel_loop3A_187 = vector.broadcast %parallel_loop3A_186 : i32 to vector<16xi32>
      %parallel_loop3A_188 = arith.maxsi %parallel_loop3A_185, %parallel_loop3A_187 : vector<16xi32>
      %parallel_loop3A_189 = arith.constant 15 : i32
      %parallel_loop3A_190 = vector.broadcast %parallel_loop3A_189 : i32 to vector<16xi32>
      %parallel_loop3A_191 = arith.minsi %parallel_loop3A_188, %parallel_loop3A_190 : vector<16xi32>
      %parallel_loop3A_192 = arith.constant 8 : i32
      %parallel_loop3A_193 = vector.broadcast %parallel_loop3A_192 : i32 to vector<16xi32>
      %parallel_loop3A_194 = arith.shli %parallel_loop3A_184, %parallel_loop3A_193 : vector<16xi32>
      %parallel_loop3A_195 = arith.constant 4 : i32
      %parallel_loop3A_196 = vector.broadcast %parallel_loop3A_195 : i32 to vector<16xi32>
      %parallel_loop3A_197 = arith.shli %parallel_loop3A_191, %parallel_loop3A_196 : vector<16xi32>
      %parallel_loop3A_198 = arith.addi %parallel_loop3A_194, %parallel_loop3A_197 : vector<16xi32>
      %parallel_loop3A_199 = arith.addi %parallel_loop3A_198, %iota3A : vector<16xi32>
      %parallel_loop3A_200 = tpu.vector_load_idx %arg8[%parallel_loop3A_199] : memref<12288xf32, #tpu.memory_space<vmem>>[vector<16xi32>], vector<16xf32>,
      %parallel_loop3A_201 = arith.constant 4096 : i32
      %parallel_loop3A_202 = vector.broadcast %parallel_loop3A_201 : i32 to vector<16xi32>
      %parallel_loop3A_203 = arith.addi %parallel_loop3A_199, %parallel_loop3A_202 : vector<16xi32>
      %parallel_loop3A_204 = tpu.vector_load_idx %arg8[%parallel_loop3A_203] : memref<12288xf32, #tpu.memory_space<vmem>>[vector<16xi32>], vector<16xf32>,
      %parallel_loop3A_205 = arith.constant 8192 : i32
      %parallel_loop3A_206 = vector.broadcast %parallel_loop3A_205 : i32 to vector<16xi32>
      %parallel_loop3A_207 = arith.addi %parallel_loop3A_199, %parallel_loop3A_206 : vector<16xi32>
      %parallel_loop3A_208 = tpu.vector_load_idx %arg8[%parallel_loop3A_207] : memref<12288xf32, #tpu.memory_space<vmem>>[vector<16xi32>], vector<16xf32>,
      %parallel_loop3A_209 = arith.sitofp %parallel_loop3A_184 : vector<16xi32> to vector<16xf32>
      %parallel_loop3A_210 = arith.subf %parallel_loop3A_171, %parallel_loop3A_209 : vector<16xf32>
      %parallel_loop3A_211 = arith.sitofp %parallel_loop3A_191 : vector<16xi32> to vector<16xf32>
      %parallel_loop3A_212 = arith.subf %parallel_loop3A_177, %parallel_loop3A_211 : vector<16xf32>
      %parallel_loop3A_213 = arith.mulf %parallel_loop3A_204, %parallel_loop3A_210 : vector<16xf32>
      %parallel_loop3A_214 = arith.addf %parallel_loop3A_200, %parallel_loop3A_213 : vector<16xf32>
      %parallel_loop3A_215 = arith.mulf %parallel_loop3A_208, %parallel_loop3A_212 : vector<16xf32>
      %parallel_loop3A_216 = arith.addf %parallel_loop3A_214, %parallel_loop3A_215 : vector<16xf32>
      %parallel_loop3A_217 = arith.index_cast %parallel_loop3A_161 : i32 to index
      %parallel_loop3A_218 = tpu.vector_load %arg15[%parallel_loop3A_217] {strides = array<i32>} : memref<4096xf32, #tpu.memory_space<vmem>>, vector<16xf32>,
      tpu.vector_store %arg15[%parallel_loop3A_217], %parallel_loop3A_216 {strides = array<i32>} : memref<4096xf32, #tpu.memory_space<vmem>>, vector<16xf32>,
    } {sc.loop_unroll_factor = 4 : i64, sc.parallel_access}
    %add3A_81 = arith.constant 12288 : i32
    %add3A_82 = arith.addi %mul3A_2, %add3A_81 : i32
    %dma_start3A_83 = tpu.memref_slice %arg6[%add3A_82] : memref<1048576xf32, #tpu.memory_space<hbm>> -> memref<4096xf32, #tpu.memory_space<hbm>>
    %dma_start3A_84 = tpu.memref_slice %arg6[%add3A_82] : memref<1048576xf32, #tpu.memory_space<hbm>> -> memref<4096xf32, #tpu.memory_space<hbm>>
    tpu.enqueue_dma source(%arg15 : memref<4096xf32, #tpu.memory_space<vmem>>) target(%dma_start3A_84 : memref<4096xf32, #tpu.memory_space<hbm>>) target_semaphore(%arg21 : memref<!tpu.dma_semaphore, #tpu.memory_space<semaphore_mem>>)
    %dma_wait3A_85 = tpu.memref_slice %arg2[%add3A_71] : memref<1048576xf32, #tpu.memory_space<hbm>> -> memref<4096xf32, #tpu.memory_space<hbm>>
    %dma_wait3A_86 = tpu.memref_slice %arg2[%add3A_71] : memref<1048576xf32, #tpu.memory_space<hbm>> -> memref<4096xf32, #tpu.memory_space<hbm>>
    tpu.wait_dma2 semaphore(%arg16 : memref<!tpu.dma_semaphore, #tpu.memory_space<semaphore_mem>>) src(%dma_wait3A_86 : memref<4096xf32, #tpu.memory_space<hbm>>) dst(%arg10 : memref<4096xf32, #tpu.memory_space<vmem>>)
    %dma_wait3A_87 = tpu.memref_slice %arg3[%add3A_71] : memref<1048576xf32, #tpu.memory_space<hbm>> -> memref<4096xf32, #tpu.memory_space<hbm>>
    %dma_wait3A_88 = tpu.memref_slice %arg3[%add3A_71] : memref<1048576xf32, #tpu.memory_space<hbm>> -> memref<4096xf32, #tpu.memory_space<hbm>>
    tpu.wait_dma2 semaphore(%arg18 : memref<!tpu.dma_semaphore, #tpu.memory_space<semaphore_mem>>) src(%dma_wait3A_88 : memref<4096xf32, #tpu.memory_space<hbm>>) dst(%arg12 : memref<4096xf32, #tpu.memory_space<vmem>>)
    %add3A_89 = arith.constant 20480 : i32
    %add3A_90 = arith.addi %mul3A_2, %add3A_89 : i32
    %dma_start3A_91 = tpu.memref_slice %arg2[%add3A_90] : memref<1048576xf32, #tpu.memory_space<hbm>> -> memref<4096xf32, #tpu.memory_space<hbm>>
    %dma_start3A_92 = tpu.memref_slice %arg2[%add3A_90] : memref<1048576xf32, #tpu.memory_space<hbm>> -> memref<4096xf32, #tpu.memory_space<hbm>>
    tpu.enqueue_dma source(%dma_start3A_92 : memref<4096xf32, #tpu.memory_space<hbm>>) target(%arg11 : memref<4096xf32, #tpu.memory_space<vmem>>) target_semaphore(%arg17 : memref<!tpu.dma_semaphore, #tpu.memory_space<semaphore_mem>>)
    %dma_start3A_93 = tpu.memref_slice %arg3[%add3A_90] : memref<1048576xf32, #tpu.memory_space<hbm>> -> memref<4096xf32, #tpu.memory_space<hbm>>
    %dma_start3A_94 = tpu.memref_slice %arg3[%add3A_90] : memref<1048576xf32, #tpu.memory_space<hbm>> -> memref<4096xf32, #tpu.memory_space<hbm>>
    tpu.enqueue_dma source(%dma_start3A_94 : memref<4096xf32, #tpu.memory_space<hbm>>) target(%arg13 : memref<4096xf32, #tpu.memory_space<vmem>>) target_semaphore(%arg19 : memref<!tpu.dma_semaphore, #tpu.memory_space<semaphore_mem>>)
    %dma_wait3A_95 = tpu.memref_slice %arg6[%add3A_63] : memref<1048576xf32, #tpu.memory_space<hbm>> -> memref<4096xf32, #tpu.memory_space<hbm>>
    %dma_wait3A_96 = tpu.memref_slice %arg6[%add3A_63] : memref<1048576xf32, #tpu.memory_space<hbm>> -> memref<4096xf32, #tpu.memory_space<hbm>>
    tpu.wait_dma2 semaphore(%arg20 : memref<!tpu.dma_semaphore, #tpu.memory_space<semaphore_mem>>) src(%arg14 : memref<4096xf32, #tpu.memory_space<vmem>>) dst(%dma_wait3A_96 : memref<4096xf32, #tpu.memory_space<hbm>>)
    %parallel_loop3A_97 = arith.constant 0 : i32
    %parallel_loop3A_98 = arith.constant 256 : i32
    %parallel_loop3A_99 = arith.constant 1 : i32
    scf.for %parallel_loop3A_159 = %parallel_loop3A_97 to %parallel_loop3A_98 step %parallel_loop3A_99  : i32 {
      %parallel_loop3A_160 = arith.constant 16 : i32
      %parallel_loop3A_161 = arith.muli %parallel_loop3A_159, %parallel_loop3A_160 : i32
      %parallel_loop3A_162 = arith.index_cast %parallel_loop3A_161 : i32 to index
      %parallel_loop3A_163 = tpu.vector_load %arg10[%parallel_loop3A_162] {strides = array<i32>} : memref<4096xf32, #tpu.memory_space<vmem>>, vector<16xf32>,
      %parallel_loop3A_164 = arith.index_cast %parallel_loop3A_161 : i32 to index
      %parallel_loop3A_165 = tpu.vector_load %arg12[%parallel_loop3A_164] {strides = array<i32>} : memref<4096xf32, #tpu.memory_space<vmem>>, vector<16xf32>,
      %parallel_loop3A_166 = arith.constant 1.000000e+00 : f32
      %parallel_loop3A_167 = vector.broadcast %parallel_loop3A_166 : f32 to vector<16xf32>
      %parallel_loop3A_168 = arith.addf %parallel_loop3A_163, %parallel_loop3A_167 : vector<16xf32>
      %parallel_loop3A_169 = arith.constant 8.000000e+00 : f32
      %parallel_loop3A_170 = vector.broadcast %parallel_loop3A_169 : f32 to vector<16xf32>
      %parallel_loop3A_171 = arith.mulf %parallel_loop3A_168, %parallel_loop3A_170 : vector<16xf32>
      %parallel_loop3A_172 = arith.constant 1.000000e+00 : f32
      %parallel_loop3A_173 = vector.broadcast %parallel_loop3A_172 : f32 to vector<16xf32>
      %parallel_loop3A_174 = arith.addf %parallel_loop3A_165, %parallel_loop3A_173 : vector<16xf32>
      %parallel_loop3A_175 = arith.constant 8.000000e+00 : f32
      %parallel_loop3A_176 = vector.broadcast %parallel_loop3A_175 : f32 to vector<16xf32>
      %parallel_loop3A_177 = arith.mulf %parallel_loop3A_174, %parallel_loop3A_176 : vector<16xf32>
      %parallel_loop3A_178 = arith.fptosi %parallel_loop3A_171 : vector<16xf32> to vector<16xi32>
      %parallel_loop3A_179 = arith.constant 0 : i32
      %parallel_loop3A_180 = vector.broadcast %parallel_loop3A_179 : i32 to vector<16xi32>
      %parallel_loop3A_181 = arith.maxsi %parallel_loop3A_178, %parallel_loop3A_180 : vector<16xi32>
      %parallel_loop3A_182 = arith.constant 15 : i32
      %parallel_loop3A_183 = vector.broadcast %parallel_loop3A_182 : i32 to vector<16xi32>
      %parallel_loop3A_184 = arith.minsi %parallel_loop3A_181, %parallel_loop3A_183 : vector<16xi32>
      %parallel_loop3A_185 = arith.fptosi %parallel_loop3A_177 : vector<16xf32> to vector<16xi32>
      %parallel_loop3A_186 = arith.constant 0 : i32
      %parallel_loop3A_187 = vector.broadcast %parallel_loop3A_186 : i32 to vector<16xi32>
      %parallel_loop3A_188 = arith.maxsi %parallel_loop3A_185, %parallel_loop3A_187 : vector<16xi32>
      %parallel_loop3A_189 = arith.constant 15 : i32
      %parallel_loop3A_190 = vector.broadcast %parallel_loop3A_189 : i32 to vector<16xi32>
      %parallel_loop3A_191 = arith.minsi %parallel_loop3A_188, %parallel_loop3A_190 : vector<16xi32>
      %parallel_loop3A_192 = arith.constant 8 : i32
      %parallel_loop3A_193 = vector.broadcast %parallel_loop3A_192 : i32 to vector<16xi32>
      %parallel_loop3A_194 = arith.shli %parallel_loop3A_184, %parallel_loop3A_193 : vector<16xi32>
      %parallel_loop3A_195 = arith.constant 4 : i32
      %parallel_loop3A_196 = vector.broadcast %parallel_loop3A_195 : i32 to vector<16xi32>
      %parallel_loop3A_197 = arith.shli %parallel_loop3A_191, %parallel_loop3A_196 : vector<16xi32>
      %parallel_loop3A_198 = arith.addi %parallel_loop3A_194, %parallel_loop3A_197 : vector<16xi32>
      %parallel_loop3A_199 = arith.addi %parallel_loop3A_198, %iota3A : vector<16xi32>
      %parallel_loop3A_200 = tpu.vector_load_idx %arg8[%parallel_loop3A_199] : memref<12288xf32, #tpu.memory_space<vmem>>[vector<16xi32>], vector<16xf32>,
      %parallel_loop3A_201 = arith.constant 4096 : i32
      %parallel_loop3A_202 = vector.broadcast %parallel_loop3A_201 : i32 to vector<16xi32>
      %parallel_loop3A_203 = arith.addi %parallel_loop3A_199, %parallel_loop3A_202 : vector<16xi32>
      %parallel_loop3A_204 = tpu.vector_load_idx %arg8[%parallel_loop3A_203] : memref<12288xf32, #tpu.memory_space<vmem>>[vector<16xi32>], vector<16xf32>,
      %parallel_loop3A_205 = arith.constant 8192 : i32
      %parallel_loop3A_206 = vector.broadcast %parallel_loop3A_205 : i32 to vector<16xi32>
      %parallel_loop3A_207 = arith.addi %parallel_loop3A_199, %parallel_loop3A_206 : vector<16xi32>
      %parallel_loop3A_208 = tpu.vector_load_idx %arg8[%parallel_loop3A_207] : memref<12288xf32, #tpu.memory_space<vmem>>[vector<16xi32>], vector<16xf32>,
      %parallel_loop3A_209 = arith.sitofp %parallel_loop3A_184 : vector<16xi32> to vector<16xf32>
      %parallel_loop3A_210 = arith.subf %parallel_loop3A_171, %parallel_loop3A_209 : vector<16xf32>
      %parallel_loop3A_211 = arith.sitofp %parallel_loop3A_191 : vector<16xi32> to vector<16xf32>
      %parallel_loop3A_212 = arith.subf %parallel_loop3A_177, %parallel_loop3A_211 : vector<16xf32>
      %parallel_loop3A_213 = arith.mulf %parallel_loop3A_204, %parallel_loop3A_210 : vector<16xf32>
      %parallel_loop3A_214 = arith.addf %parallel_loop3A_200, %parallel_loop3A_213 : vector<16xf32>
      %parallel_loop3A_215 = arith.mulf %parallel_loop3A_208, %parallel_loop3A_212 : vector<16xf32>
      %parallel_loop3A_216 = arith.addf %parallel_loop3A_214, %parallel_loop3A_215 : vector<16xf32>
      %parallel_loop3A_217 = arith.index_cast %parallel_loop3A_161 : i32 to index
      %parallel_loop3A_218 = tpu.vector_load %arg14[%parallel_loop3A_217] {strides = array<i32>} : memref<4096xf32, #tpu.memory_space<vmem>>, vector<16xf32>,
      tpu.vector_store %arg14[%parallel_loop3A_217], %parallel_loop3A_216 {strides = array<i32>} : memref<4096xf32, #tpu.memory_space<vmem>>, vector<16xf32>,
    } {sc.loop_unroll_factor = 4 : i64, sc.parallel_access}
    %add3A_100 = arith.constant 16384 : i32
    %add3A_101 = arith.addi %mul3A_2, %add3A_100 : i32
    %dma_start3A_102 = tpu.memref_slice %arg6[%add3A_101] : memref<1048576xf32, #tpu.memory_space<hbm>> -> memref<4096xf32, #tpu.memory_space<hbm>>
    %dma_start3A_103 = tpu.memref_slice %arg6[%add3A_101] : memref<1048576xf32, #tpu.memory_space<hbm>> -> memref<4096xf32, #tpu.memory_space<hbm>>
    tpu.enqueue_dma source(%arg14 : memref<4096xf32, #tpu.memory_space<vmem>>) target(%dma_start3A_103 : memref<4096xf32, #tpu.memory_space<hbm>>) target_semaphore(%arg20 : memref<!tpu.dma_semaphore, #tpu.memory_space<semaphore_mem>>)
    %dma_wait3A_104 = tpu.memref_slice %arg2[%add3A_90] : memref<1048576xf32, #tpu.memory_space<hbm>> -> memref<4096xf32, #tpu.memory_space<hbm>>
    %dma_wait3A_105 = tpu.memref_slice %arg2[%add3A_90] : memref<1048576xf32, #tpu.memory_space<hbm>> -> memref<4096xf32, #tpu.memory_space<hbm>>
    tpu.wait_dma2 semaphore(%arg17 : memref<!tpu.dma_semaphore, #tpu.memory_space<semaphore_mem>>) src(%dma_wait3A_105 : memref<4096xf32, #tpu.memory_space<hbm>>) dst(%arg11 : memref<4096xf32, #tpu.memory_space<vmem>>)
    %dma_wait3A_106 = tpu.memref_slice %arg3[%add3A_90] : memref<1048576xf32, #tpu.memory_space<hbm>> -> memref<4096xf32, #tpu.memory_space<hbm>>
    %dma_wait3A_107 = tpu.memref_slice %arg3[%add3A_90] : memref<1048576xf32, #tpu.memory_space<hbm>> -> memref<4096xf32, #tpu.memory_space<hbm>>
    tpu.wait_dma2 semaphore(%arg19 : memref<!tpu.dma_semaphore, #tpu.memory_space<semaphore_mem>>) src(%dma_wait3A_107 : memref<4096xf32, #tpu.memory_space<hbm>>) dst(%arg13 : memref<4096xf32, #tpu.memory_space<vmem>>)
    %add3A_108 = arith.constant 24576 : i32
    %add3A_109 = arith.addi %mul3A_2, %add3A_108 : i32
    %dma_start3A_110 = tpu.memref_slice %arg2[%add3A_109] : memref<1048576xf32, #tpu.memory_space<hbm>> -> memref<4096xf32, #tpu.memory_space<hbm>>
    %dma_start3A_111 = tpu.memref_slice %arg2[%add3A_109] : memref<1048576xf32, #tpu.memory_space<hbm>> -> memref<4096xf32, #tpu.memory_space<hbm>>
    tpu.enqueue_dma source(%dma_start3A_111 : memref<4096xf32, #tpu.memory_space<hbm>>) target(%arg10 : memref<4096xf32, #tpu.memory_space<vmem>>) target_semaphore(%arg16 : memref<!tpu.dma_semaphore, #tpu.memory_space<semaphore_mem>>)
    %dma_start3A_112 = tpu.memref_slice %arg3[%add3A_109] : memref<1048576xf32, #tpu.memory_space<hbm>> -> memref<4096xf32, #tpu.memory_space<hbm>>
    %dma_start3A_113 = tpu.memref_slice %arg3[%add3A_109] : memref<1048576xf32, #tpu.memory_space<hbm>> -> memref<4096xf32, #tpu.memory_space<hbm>>
    tpu.enqueue_dma source(%dma_start3A_113 : memref<4096xf32, #tpu.memory_space<hbm>>) target(%arg12 : memref<4096xf32, #tpu.memory_space<vmem>>) target_semaphore(%arg18 : memref<!tpu.dma_semaphore, #tpu.memory_space<semaphore_mem>>)
    %dma_wait3A_114 = tpu.memref_slice %arg6[%add3A_82] : memref<1048576xf32, #tpu.memory_space<hbm>> -> memref<4096xf32, #tpu.memory_space<hbm>>
    %dma_wait3A_115 = tpu.memref_slice %arg6[%add3A_82] : memref<1048576xf32, #tpu.memory_space<hbm>> -> memref<4096xf32, #tpu.memory_space<hbm>>
    tpu.wait_dma2 semaphore(%arg21 : memref<!tpu.dma_semaphore, #tpu.memory_space<semaphore_mem>>) src(%arg15 : memref<4096xf32, #tpu.memory_space<vmem>>) dst(%dma_wait3A_115 : memref<4096xf32, #tpu.memory_space<hbm>>)
    %parallel_loop3A_116 = arith.constant 0 : i32
    %parallel_loop3A_117 = arith.constant 256 : i32
    %parallel_loop3A_118 = arith.constant 1 : i32
    scf.for %parallel_loop3A_159 = %parallel_loop3A_116 to %parallel_loop3A_117 step %parallel_loop3A_118  : i32 {
      %parallel_loop3A_160 = arith.constant 16 : i32
      %parallel_loop3A_161 = arith.muli %parallel_loop3A_159, %parallel_loop3A_160 : i32
      %parallel_loop3A_162 = arith.index_cast %parallel_loop3A_161 : i32 to index
      %parallel_loop3A_163 = tpu.vector_load %arg11[%parallel_loop3A_162] {strides = array<i32>} : memref<4096xf32, #tpu.memory_space<vmem>>, vector<16xf32>,
      %parallel_loop3A_164 = arith.index_cast %parallel_loop3A_161 : i32 to index
      %parallel_loop3A_165 = tpu.vector_load %arg13[%parallel_loop3A_164] {strides = array<i32>} : memref<4096xf32, #tpu.memory_space<vmem>>, vector<16xf32>,
      %parallel_loop3A_166 = arith.constant 1.000000e+00 : f32
      %parallel_loop3A_167 = vector.broadcast %parallel_loop3A_166 : f32 to vector<16xf32>
      %parallel_loop3A_168 = arith.addf %parallel_loop3A_163, %parallel_loop3A_167 : vector<16xf32>
      %parallel_loop3A_169 = arith.constant 8.000000e+00 : f32
      %parallel_loop3A_170 = vector.broadcast %parallel_loop3A_169 : f32 to vector<16xf32>
      %parallel_loop3A_171 = arith.mulf %parallel_loop3A_168, %parallel_loop3A_170 : vector<16xf32>
      %parallel_loop3A_172 = arith.constant 1.000000e+00 : f32
      %parallel_loop3A_173 = vector.broadcast %parallel_loop3A_172 : f32 to vector<16xf32>
      %parallel_loop3A_174 = arith.addf %parallel_loop3A_165, %parallel_loop3A_173 : vector<16xf32>
      %parallel_loop3A_175 = arith.constant 8.000000e+00 : f32
      %parallel_loop3A_176 = vector.broadcast %parallel_loop3A_175 : f32 to vector<16xf32>
      %parallel_loop3A_177 = arith.mulf %parallel_loop3A_174, %parallel_loop3A_176 : vector<16xf32>
      %parallel_loop3A_178 = arith.fptosi %parallel_loop3A_171 : vector<16xf32> to vector<16xi32>
      %parallel_loop3A_179 = arith.constant 0 : i32
      %parallel_loop3A_180 = vector.broadcast %parallel_loop3A_179 : i32 to vector<16xi32>
      %parallel_loop3A_181 = arith.maxsi %parallel_loop3A_178, %parallel_loop3A_180 : vector<16xi32>
      %parallel_loop3A_182 = arith.constant 15 : i32
      %parallel_loop3A_183 = vector.broadcast %parallel_loop3A_182 : i32 to vector<16xi32>
      %parallel_loop3A_184 = arith.minsi %parallel_loop3A_181, %parallel_loop3A_183 : vector<16xi32>
      %parallel_loop3A_185 = arith.fptosi %parallel_loop3A_177 : vector<16xf32> to vector<16xi32>
      %parallel_loop3A_186 = arith.constant 0 : i32
      %parallel_loop3A_187 = vector.broadcast %parallel_loop3A_186 : i32 to vector<16xi32>
      %parallel_loop3A_188 = arith.maxsi %parallel_loop3A_185, %parallel_loop3A_187 : vector<16xi32>
      %parallel_loop3A_189 = arith.constant 15 : i32
      %parallel_loop3A_190 = vector.broadcast %parallel_loop3A_189 : i32 to vector<16xi32>
      %parallel_loop3A_191 = arith.minsi %parallel_loop3A_188, %parallel_loop3A_190 : vector<16xi32>
      %parallel_loop3A_192 = arith.constant 8 : i32
      %parallel_loop3A_193 = vector.broadcast %parallel_loop3A_192 : i32 to vector<16xi32>
      %parallel_loop3A_194 = arith.shli %parallel_loop3A_184, %parallel_loop3A_193 : vector<16xi32>
      %parallel_loop3A_195 = arith.constant 4 : i32
      %parallel_loop3A_196 = vector.broadcast %parallel_loop3A_195 : i32 to vector<16xi32>
      %parallel_loop3A_197 = arith.shli %parallel_loop3A_191, %parallel_loop3A_196 : vector<16xi32>
      %parallel_loop3A_198 = arith.addi %parallel_loop3A_194, %parallel_loop3A_197 : vector<16xi32>
      %parallel_loop3A_199 = arith.addi %parallel_loop3A_198, %iota3A : vector<16xi32>
      %parallel_loop3A_200 = tpu.vector_load_idx %arg8[%parallel_loop3A_199] : memref<12288xf32, #tpu.memory_space<vmem>>[vector<16xi32>], vector<16xf32>,
      %parallel_loop3A_201 = arith.constant 4096 : i32
      %parallel_loop3A_202 = vector.broadcast %parallel_loop3A_201 : i32 to vector<16xi32>
      %parallel_loop3A_203 = arith.addi %parallel_loop3A_199, %parallel_loop3A_202 : vector<16xi32>
      %parallel_loop3A_204 = tpu.vector_load_idx %arg8[%parallel_loop3A_203] : memref<12288xf32, #tpu.memory_space<vmem>>[vector<16xi32>], vector<16xf32>,
      %parallel_loop3A_205 = arith.constant 8192 : i32
      %parallel_loop3A_206 = vector.broadcast %parallel_loop3A_205 : i32 to vector<16xi32>
      %parallel_loop3A_207 = arith.addi %parallel_loop3A_199, %parallel_loop3A_206 : vector<16xi32>
      %parallel_loop3A_208 = tpu.vector_load_idx %arg8[%parallel_loop3A_207] : memref<12288xf32, #tpu.memory_space<vmem>>[vector<16xi32>], vector<16xf32>,
      %parallel_loop3A_209 = arith.sitofp %parallel_loop3A_184 : vector<16xi32> to vector<16xf32>
      %parallel_loop3A_210 = arith.subf %parallel_loop3A_171, %parallel_loop3A_209 : vector<16xf32>
      %parallel_loop3A_211 = arith.sitofp %parallel_loop3A_191 : vector<16xi32> to vector<16xf32>
      %parallel_loop3A_212 = arith.subf %parallel_loop3A_177, %parallel_loop3A_211 : vector<16xf32>
      %parallel_loop3A_213 = arith.mulf %parallel_loop3A_204, %parallel_loop3A_210 : vector<16xf32>
      %parallel_loop3A_214 = arith.addf %parallel_loop3A_200, %parallel_loop3A_213 : vector<16xf32>
      %parallel_loop3A_215 = arith.mulf %parallel_loop3A_208, %parallel_loop3A_212 : vector<16xf32>
      %parallel_loop3A_216 = arith.addf %parallel_loop3A_214, %parallel_loop3A_215 : vector<16xf32>
      %parallel_loop3A_217 = arith.index_cast %parallel_loop3A_161 : i32 to index
      %parallel_loop3A_218 = tpu.vector_load %arg15[%parallel_loop3A_217] {strides = array<i32>} : memref<4096xf32, #tpu.memory_space<vmem>>, vector<16xf32>,
      tpu.vector_store %arg15[%parallel_loop3A_217], %parallel_loop3A_216 {strides = array<i32>} : memref<4096xf32, #tpu.memory_space<vmem>>, vector<16xf32>,
    } {sc.loop_unroll_factor = 4 : i64, sc.parallel_access}
    %add3A_119 = arith.constant 20480 : i32
    %add3A_120 = arith.addi %mul3A_2, %add3A_119 : i32
    %dma_start3A_121 = tpu.memref_slice %arg6[%add3A_120] : memref<1048576xf32, #tpu.memory_space<hbm>> -> memref<4096xf32, #tpu.memory_space<hbm>>
    %dma_start3A_122 = tpu.memref_slice %arg6[%add3A_120] : memref<1048576xf32, #tpu.memory_space<hbm>> -> memref<4096xf32, #tpu.memory_space<hbm>>
    tpu.enqueue_dma source(%arg15 : memref<4096xf32, #tpu.memory_space<vmem>>) target(%dma_start3A_122 : memref<4096xf32, #tpu.memory_space<hbm>>) target_semaphore(%arg21 : memref<!tpu.dma_semaphore, #tpu.memory_space<semaphore_mem>>)
    %dma_wait3A_123 = tpu.memref_slice %arg2[%add3A_109] : memref<1048576xf32, #tpu.memory_space<hbm>> -> memref<4096xf32, #tpu.memory_space<hbm>>
    %dma_wait3A_124 = tpu.memref_slice %arg2[%add3A_109] : memref<1048576xf32, #tpu.memory_space<hbm>> -> memref<4096xf32, #tpu.memory_space<hbm>>
    tpu.wait_dma2 semaphore(%arg16 : memref<!tpu.dma_semaphore, #tpu.memory_space<semaphore_mem>>) src(%dma_wait3A_124 : memref<4096xf32, #tpu.memory_space<hbm>>) dst(%arg10 : memref<4096xf32, #tpu.memory_space<vmem>>)
    %dma_wait3A_125 = tpu.memref_slice %arg3[%add3A_109] : memref<1048576xf32, #tpu.memory_space<hbm>> -> memref<4096xf32, #tpu.memory_space<hbm>>
    %dma_wait3A_126 = tpu.memref_slice %arg3[%add3A_109] : memref<1048576xf32, #tpu.memory_space<hbm>> -> memref<4096xf32, #tpu.memory_space<hbm>>
    tpu.wait_dma2 semaphore(%arg18 : memref<!tpu.dma_semaphore, #tpu.memory_space<semaphore_mem>>) src(%dma_wait3A_126 : memref<4096xf32, #tpu.memory_space<hbm>>) dst(%arg12 : memref<4096xf32, #tpu.memory_space<vmem>>)
    %add3A_127 = arith.constant 28672 : i32
    %add3A_128 = arith.addi %mul3A_2, %add3A_127 : i32
    %dma_start3A_129 = tpu.memref_slice %arg2[%add3A_128] : memref<1048576xf32, #tpu.memory_space<hbm>> -> memref<4096xf32, #tpu.memory_space<hbm>>
    %dma_start3A_130 = tpu.memref_slice %arg2[%add3A_128] : memref<1048576xf32, #tpu.memory_space<hbm>> -> memref<4096xf32, #tpu.memory_space<hbm>>
    tpu.enqueue_dma source(%dma_start3A_130 : memref<4096xf32, #tpu.memory_space<hbm>>) target(%arg11 : memref<4096xf32, #tpu.memory_space<vmem>>) target_semaphore(%arg17 : memref<!tpu.dma_semaphore, #tpu.memory_space<semaphore_mem>>)
    %dma_start3A_131 = tpu.memref_slice %arg3[%add3A_128] : memref<1048576xf32, #tpu.memory_space<hbm>> -> memref<4096xf32, #tpu.memory_space<hbm>>
    %dma_start3A_132 = tpu.memref_slice %arg3[%add3A_128] : memref<1048576xf32, #tpu.memory_space<hbm>> -> memref<4096xf32, #tpu.memory_space<hbm>>
    tpu.enqueue_dma source(%dma_start3A_132 : memref<4096xf32, #tpu.memory_space<hbm>>) target(%arg13 : memref<4096xf32, #tpu.memory_space<vmem>>) target_semaphore(%arg19 : memref<!tpu.dma_semaphore, #tpu.memory_space<semaphore_mem>>)
    %dma_wait3A_133 = tpu.memref_slice %arg6[%add3A_101] : memref<1048576xf32, #tpu.memory_space<hbm>> -> memref<4096xf32, #tpu.memory_space<hbm>>
    %dma_wait3A_134 = tpu.memref_slice %arg6[%add3A_101] : memref<1048576xf32, #tpu.memory_space<hbm>> -> memref<4096xf32, #tpu.memory_space<hbm>>
    tpu.wait_dma2 semaphore(%arg20 : memref<!tpu.dma_semaphore, #tpu.memory_space<semaphore_mem>>) src(%arg14 : memref<4096xf32, #tpu.memory_space<vmem>>) dst(%dma_wait3A_134 : memref<4096xf32, #tpu.memory_space<hbm>>)
    %parallel_loop3A_135 = arith.constant 0 : i32
    %parallel_loop3A_136 = arith.constant 256 : i32
    %parallel_loop3A_137 = arith.constant 1 : i32
    scf.for %parallel_loop3A_159 = %parallel_loop3A_135 to %parallel_loop3A_136 step %parallel_loop3A_137  : i32 {
      %parallel_loop3A_160 = arith.constant 16 : i32
      %parallel_loop3A_161 = arith.muli %parallel_loop3A_159, %parallel_loop3A_160 : i32
      %parallel_loop3A_162 = arith.index_cast %parallel_loop3A_161 : i32 to index
      %parallel_loop3A_163 = tpu.vector_load %arg10[%parallel_loop3A_162] {strides = array<i32>} : memref<4096xf32, #tpu.memory_space<vmem>>, vector<16xf32>,
      %parallel_loop3A_164 = arith.index_cast %parallel_loop3A_161 : i32 to index
      %parallel_loop3A_165 = tpu.vector_load %arg12[%parallel_loop3A_164] {strides = array<i32>} : memref<4096xf32, #tpu.memory_space<vmem>>, vector<16xf32>,
      %parallel_loop3A_166 = arith.constant 1.000000e+00 : f32
      %parallel_loop3A_167 = vector.broadcast %parallel_loop3A_166 : f32 to vector<16xf32>
      %parallel_loop3A_168 = arith.addf %parallel_loop3A_163, %parallel_loop3A_167 : vector<16xf32>
      %parallel_loop3A_169 = arith.constant 8.000000e+00 : f32
      %parallel_loop3A_170 = vector.broadcast %parallel_loop3A_169 : f32 to vector<16xf32>
      %parallel_loop3A_171 = arith.mulf %parallel_loop3A_168, %parallel_loop3A_170 : vector<16xf32>
      %parallel_loop3A_172 = arith.constant 1.000000e+00 : f32
      %parallel_loop3A_173 = vector.broadcast %parallel_loop3A_172 : f32 to vector<16xf32>
      %parallel_loop3A_174 = arith.addf %parallel_loop3A_165, %parallel_loop3A_173 : vector<16xf32>
      %parallel_loop3A_175 = arith.constant 8.000000e+00 : f32
      %parallel_loop3A_176 = vector.broadcast %parallel_loop3A_175 : f32 to vector<16xf32>
      %parallel_loop3A_177 = arith.mulf %parallel_loop3A_174, %parallel_loop3A_176 : vector<16xf32>
      %parallel_loop3A_178 = arith.fptosi %parallel_loop3A_171 : vector<16xf32> to vector<16xi32>
      %parallel_loop3A_179 = arith.constant 0 : i32
      %parallel_loop3A_180 = vector.broadcast %parallel_loop3A_179 : i32 to vector<16xi32>
      %parallel_loop3A_181 = arith.maxsi %parallel_loop3A_178, %parallel_loop3A_180 : vector<16xi32>
      %parallel_loop3A_182 = arith.constant 15 : i32
      %parallel_loop3A_183 = vector.broadcast %parallel_loop3A_182 : i32 to vector<16xi32>
      %parallel_loop3A_184 = arith.minsi %parallel_loop3A_181, %parallel_loop3A_183 : vector<16xi32>
      %parallel_loop3A_185 = arith.fptosi %parallel_loop3A_177 : vector<16xf32> to vector<16xi32>
      %parallel_loop3A_186 = arith.constant 0 : i32
      %parallel_loop3A_187 = vector.broadcast %parallel_loop3A_186 : i32 to vector<16xi32>
      %parallel_loop3A_188 = arith.maxsi %parallel_loop3A_185, %parallel_loop3A_187 : vector<16xi32>
      %parallel_loop3A_189 = arith.constant 15 : i32
      %parallel_loop3A_190 = vector.broadcast %parallel_loop3A_189 : i32 to vector<16xi32>
      %parallel_loop3A_191 = arith.minsi %parallel_loop3A_188, %parallel_loop3A_190 : vector<16xi32>
      %parallel_loop3A_192 = arith.constant 8 : i32
      %parallel_loop3A_193 = vector.broadcast %parallel_loop3A_192 : i32 to vector<16xi32>
      %parallel_loop3A_194 = arith.shli %parallel_loop3A_184, %parallel_loop3A_193 : vector<16xi32>
      %parallel_loop3A_195 = arith.constant 4 : i32
      %parallel_loop3A_196 = vector.broadcast %parallel_loop3A_195 : i32 to vector<16xi32>
      %parallel_loop3A_197 = arith.shli %parallel_loop3A_191, %parallel_loop3A_196 : vector<16xi32>
      %parallel_loop3A_198 = arith.addi %parallel_loop3A_194, %parallel_loop3A_197 : vector<16xi32>
      %parallel_loop3A_199 = arith.addi %parallel_loop3A_198, %iota3A : vector<16xi32>
      %parallel_loop3A_200 = tpu.vector_load_idx %arg8[%parallel_loop3A_199] : memref<12288xf32, #tpu.memory_space<vmem>>[vector<16xi32>], vector<16xf32>,
      %parallel_loop3A_201 = arith.constant 4096 : i32
      %parallel_loop3A_202 = vector.broadcast %parallel_loop3A_201 : i32 to vector<16xi32>
      %parallel_loop3A_203 = arith.addi %parallel_loop3A_199, %parallel_loop3A_202 : vector<16xi32>
      %parallel_loop3A_204 = tpu.vector_load_idx %arg8[%parallel_loop3A_203] : memref<12288xf32, #tpu.memory_space<vmem>>[vector<16xi32>], vector<16xf32>,
      %parallel_loop3A_205 = arith.constant 8192 : i32
      %parallel_loop3A_206 = vector.broadcast %parallel_loop3A_205 : i32 to vector<16xi32>
      %parallel_loop3A_207 = arith.addi %parallel_loop3A_199, %parallel_loop3A_206 : vector<16xi32>
      %parallel_loop3A_208 = tpu.vector_load_idx %arg8[%parallel_loop3A_207] : memref<12288xf32, #tpu.memory_space<vmem>>[vector<16xi32>], vector<16xf32>,
      %parallel_loop3A_209 = arith.sitofp %parallel_loop3A_184 : vector<16xi32> to vector<16xf32>
      %parallel_loop3A_210 = arith.subf %parallel_loop3A_171, %parallel_loop3A_209 : vector<16xf32>
      %parallel_loop3A_211 = arith.sitofp %parallel_loop3A_191 : vector<16xi32> to vector<16xf32>
      %parallel_loop3A_212 = arith.subf %parallel_loop3A_177, %parallel_loop3A_211 : vector<16xf32>
      %parallel_loop3A_213 = arith.mulf %parallel_loop3A_204, %parallel_loop3A_210 : vector<16xf32>
      %parallel_loop3A_214 = arith.addf %parallel_loop3A_200, %parallel_loop3A_213 : vector<16xf32>
      %parallel_loop3A_215 = arith.mulf %parallel_loop3A_208, %parallel_loop3A_212 : vector<16xf32>
      %parallel_loop3A_216 = arith.addf %parallel_loop3A_214, %parallel_loop3A_215 : vector<16xf32>
      %parallel_loop3A_217 = arith.index_cast %parallel_loop3A_161 : i32 to index
      %parallel_loop3A_218 = tpu.vector_load %arg14[%parallel_loop3A_217] {strides = array<i32>} : memref<4096xf32, #tpu.memory_space<vmem>>, vector<16xf32>,
      tpu.vector_store %arg14[%parallel_loop3A_217], %parallel_loop3A_216 {strides = array<i32>} : memref<4096xf32, #tpu.memory_space<vmem>>, vector<16xf32>,
    } {sc.loop_unroll_factor = 4 : i64, sc.parallel_access}
    %add3A_138 = arith.constant 24576 : i32
    %add3A_139 = arith.addi %mul3A_2, %add3A_138 : i32
    %dma_start3A_140 = tpu.memref_slice %arg6[%add3A_139] : memref<1048576xf32, #tpu.memory_space<hbm>> -> memref<4096xf32, #tpu.memory_space<hbm>>
    %dma_start3A_141 = tpu.memref_slice %arg6[%add3A_139] : memref<1048576xf32, #tpu.memory_space<hbm>> -> memref<4096xf32, #tpu.memory_space<hbm>>
    tpu.enqueue_dma source(%arg14 : memref<4096xf32, #tpu.memory_space<vmem>>) target(%dma_start3A_141 : memref<4096xf32, #tpu.memory_space<hbm>>) target_semaphore(%arg20 : memref<!tpu.dma_semaphore, #tpu.memory_space<semaphore_mem>>)
    %dma_wait3A_142 = tpu.memref_slice %arg2[%add3A_128] : memref<1048576xf32, #tpu.memory_space<hbm>> -> memref<4096xf32, #tpu.memory_space<hbm>>
    %dma_wait3A_143 = tpu.memref_slice %arg2[%add3A_128] : memref<1048576xf32, #tpu.memory_space<hbm>> -> memref<4096xf32, #tpu.memory_space<hbm>>
    tpu.wait_dma2 semaphore(%arg17 : memref<!tpu.dma_semaphore, #tpu.memory_space<semaphore_mem>>) src(%dma_wait3A_143 : memref<4096xf32, #tpu.memory_space<hbm>>) dst(%arg11 : memref<4096xf32, #tpu.memory_space<vmem>>)
    %dma_wait3A_144 = tpu.memref_slice %arg3[%add3A_128] : memref<1048576xf32, #tpu.memory_space<hbm>> -> memref<4096xf32, #tpu.memory_space<hbm>>
    %dma_wait3A_145 = tpu.memref_slice %arg3[%add3A_128] : memref<1048576xf32, #tpu.memory_space<hbm>> -> memref<4096xf32, #tpu.memory_space<hbm>>
    tpu.wait_dma2 semaphore(%arg19 : memref<!tpu.dma_semaphore, #tpu.memory_space<semaphore_mem>>) src(%dma_wait3A_145 : memref<4096xf32, #tpu.memory_space<hbm>>) dst(%arg13 : memref<4096xf32, #tpu.memory_space<vmem>>)
    %dma_wait3A_146 = tpu.memref_slice %arg6[%add3A_120] : memref<1048576xf32, #tpu.memory_space<hbm>> -> memref<4096xf32, #tpu.memory_space<hbm>>
    %dma_wait3A_147 = tpu.memref_slice %arg6[%add3A_120] : memref<1048576xf32, #tpu.memory_space<hbm>> -> memref<4096xf32, #tpu.memory_space<hbm>>
    tpu.wait_dma2 semaphore(%arg21 : memref<!tpu.dma_semaphore, #tpu.memory_space<semaphore_mem>>) src(%arg15 : memref<4096xf32, #tpu.memory_space<vmem>>) dst(%dma_wait3A_147 : memref<4096xf32, #tpu.memory_space<hbm>>)
    %parallel_loop3A_148 = arith.constant 0 : i32
    %parallel_loop3A_149 = arith.constant 256 : i32
    %parallel_loop3A_150 = arith.constant 1 : i32
    scf.for %parallel_loop3A_159 = %parallel_loop3A_148 to %parallel_loop3A_149 step %parallel_loop3A_150  : i32 {
      %parallel_loop3A_160 = arith.constant 16 : i32
      %parallel_loop3A_161 = arith.muli %parallel_loop3A_159, %parallel_loop3A_160 : i32
      %parallel_loop3A_162 = arith.index_cast %parallel_loop3A_161 : i32 to index
      %parallel_loop3A_163 = tpu.vector_load %arg11[%parallel_loop3A_162] {strides = array<i32>} : memref<4096xf32, #tpu.memory_space<vmem>>, vector<16xf32>,
      %parallel_loop3A_164 = arith.index_cast %parallel_loop3A_161 : i32 to index
      %parallel_loop3A_165 = tpu.vector_load %arg13[%parallel_loop3A_164] {strides = array<i32>} : memref<4096xf32, #tpu.memory_space<vmem>>, vector<16xf32>,
      %parallel_loop3A_166 = arith.constant 1.000000e+00 : f32
      %parallel_loop3A_167 = vector.broadcast %parallel_loop3A_166 : f32 to vector<16xf32>
      %parallel_loop3A_168 = arith.addf %parallel_loop3A_163, %parallel_loop3A_167 : vector<16xf32>
      %parallel_loop3A_169 = arith.constant 8.000000e+00 : f32
      %parallel_loop3A_170 = vector.broadcast %parallel_loop3A_169 : f32 to vector<16xf32>
      %parallel_loop3A_171 = arith.mulf %parallel_loop3A_168, %parallel_loop3A_170 : vector<16xf32>
      %parallel_loop3A_172 = arith.constant 1.000000e+00 : f32
      %parallel_loop3A_173 = vector.broadcast %parallel_loop3A_172 : f32 to vector<16xf32>
      %parallel_loop3A_174 = arith.addf %parallel_loop3A_165, %parallel_loop3A_173 : vector<16xf32>
      %parallel_loop3A_175 = arith.constant 8.000000e+00 : f32
      %parallel_loop3A_176 = vector.broadcast %parallel_loop3A_175 : f32 to vector<16xf32>
      %parallel_loop3A_177 = arith.mulf %parallel_loop3A_174, %parallel_loop3A_176 : vector<16xf32>
      %parallel_loop3A_178 = arith.fptosi %parallel_loop3A_171 : vector<16xf32> to vector<16xi32>
      %parallel_loop3A_179 = arith.constant 0 : i32
      %parallel_loop3A_180 = vector.broadcast %parallel_loop3A_179 : i32 to vector<16xi32>
      %parallel_loop3A_181 = arith.maxsi %parallel_loop3A_178, %parallel_loop3A_180 : vector<16xi32>
      %parallel_loop3A_182 = arith.constant 15 : i32
      %parallel_loop3A_183 = vector.broadcast %parallel_loop3A_182 : i32 to vector<16xi32>
      %parallel_loop3A_184 = arith.minsi %parallel_loop3A_181, %parallel_loop3A_183 : vector<16xi32>
      %parallel_loop3A_185 = arith.fptosi %parallel_loop3A_177 : vector<16xf32> to vector<16xi32>
      %parallel_loop3A_186 = arith.constant 0 : i32
      %parallel_loop3A_187 = vector.broadcast %parallel_loop3A_186 : i32 to vector<16xi32>
      %parallel_loop3A_188 = arith.maxsi %parallel_loop3A_185, %parallel_loop3A_187 : vector<16xi32>
      %parallel_loop3A_189 = arith.constant 15 : i32
      %parallel_loop3A_190 = vector.broadcast %parallel_loop3A_189 : i32 to vector<16xi32>
      %parallel_loop3A_191 = arith.minsi %parallel_loop3A_188, %parallel_loop3A_190 : vector<16xi32>
      %parallel_loop3A_192 = arith.constant 8 : i32
      %parallel_loop3A_193 = vector.broadcast %parallel_loop3A_192 : i32 to vector<16xi32>
      %parallel_loop3A_194 = arith.shli %parallel_loop3A_184, %parallel_loop3A_193 : vector<16xi32>
      %parallel_loop3A_195 = arith.constant 4 : i32
      %parallel_loop3A_196 = vector.broadcast %parallel_loop3A_195 : i32 to vector<16xi32>
      %parallel_loop3A_197 = arith.shli %parallel_loop3A_191, %parallel_loop3A_196 : vector<16xi32>
      %parallel_loop3A_198 = arith.addi %parallel_loop3A_194, %parallel_loop3A_197 : vector<16xi32>
      %parallel_loop3A_199 = arith.addi %parallel_loop3A_198, %iota3A : vector<16xi32>
      %parallel_loop3A_200 = tpu.vector_load_idx %arg8[%parallel_loop3A_199] : memref<12288xf32, #tpu.memory_space<vmem>>[vector<16xi32>], vector<16xf32>,
      %parallel_loop3A_201 = arith.constant 4096 : i32
      %parallel_loop3A_202 = vector.broadcast %parallel_loop3A_201 : i32 to vector<16xi32>
      %parallel_loop3A_203 = arith.addi %parallel_loop3A_199, %parallel_loop3A_202 : vector<16xi32>
      %parallel_loop3A_204 = tpu.vector_load_idx %arg8[%parallel_loop3A_203] : memref<12288xf32, #tpu.memory_space<vmem>>[vector<16xi32>], vector<16xf32>,
      %parallel_loop3A_205 = arith.constant 8192 : i32
      %parallel_loop3A_206 = vector.broadcast %parallel_loop3A_205 : i32 to vector<16xi32>
      %parallel_loop3A_207 = arith.addi %parallel_loop3A_199, %parallel_loop3A_206 : vector<16xi32>
      %parallel_loop3A_208 = tpu.vector_load_idx %arg8[%parallel_loop3A_207] : memref<12288xf32, #tpu.memory_space<vmem>>[vector<16xi32>], vector<16xf32>,
      %parallel_loop3A_209 = arith.sitofp %parallel_loop3A_184 : vector<16xi32> to vector<16xf32>
      %parallel_loop3A_210 = arith.subf %parallel_loop3A_171, %parallel_loop3A_209 : vector<16xf32>
      %parallel_loop3A_211 = arith.sitofp %parallel_loop3A_191 : vector<16xi32> to vector<16xf32>
      %parallel_loop3A_212 = arith.subf %parallel_loop3A_177, %parallel_loop3A_211 : vector<16xf32>
      %parallel_loop3A_213 = arith.mulf %parallel_loop3A_204, %parallel_loop3A_210 : vector<16xf32>
      %parallel_loop3A_214 = arith.addf %parallel_loop3A_200, %parallel_loop3A_213 : vector<16xf32>
      %parallel_loop3A_215 = arith.mulf %parallel_loop3A_208, %parallel_loop3A_212 : vector<16xf32>
      %parallel_loop3A_216 = arith.addf %parallel_loop3A_214, %parallel_loop3A_215 : vector<16xf32>
      %parallel_loop3A_217 = arith.index_cast %parallel_loop3A_161 : i32 to index
      %parallel_loop3A_218 = tpu.vector_load %arg15[%parallel_loop3A_217] {strides = array<i32>} : memref<4096xf32, #tpu.memory_space<vmem>>, vector<16xf32>,
      tpu.vector_store %arg15[%parallel_loop3A_217], %parallel_loop3A_216 {strides = array<i32>} : memref<4096xf32, #tpu.memory_space<vmem>>, vector<16xf32>,
    } {sc.loop_unroll_factor = 4 : i64, sc.parallel_access}
    %add3A_151 = arith.constant 28672 : i32
    %add3A_152 = arith.addi %mul3A_2, %add3A_151 : i32
    %dma_start3A_153 = tpu.memref_slice %arg6[%add3A_152] : memref<1048576xf32, #tpu.memory_space<hbm>> -> memref<4096xf32, #tpu.memory_space<hbm>>
    %dma_start3A_154 = tpu.memref_slice %arg6[%add3A_152] : memref<1048576xf32, #tpu.memory_space<hbm>> -> memref<4096xf32, #tpu.memory_space<hbm>>
    tpu.enqueue_dma source(%arg15 : memref<4096xf32, #tpu.memory_space<vmem>>) target(%dma_start3A_154 : memref<4096xf32, #tpu.memory_space<hbm>>) target_semaphore(%arg21 : memref<!tpu.dma_semaphore, #tpu.memory_space<semaphore_mem>>)
    %dma_wait3A_155 = tpu.memref_slice %arg6[%add3A_139] : memref<1048576xf32, #tpu.memory_space<hbm>> -> memref<4096xf32, #tpu.memory_space<hbm>>
    %dma_wait3A_156 = tpu.memref_slice %arg6[%add3A_139] : memref<1048576xf32, #tpu.memory_space<hbm>> -> memref<4096xf32, #tpu.memory_space<hbm>>
    tpu.wait_dma2 semaphore(%arg20 : memref<!tpu.dma_semaphore, #tpu.memory_space<semaphore_mem>>) src(%arg14 : memref<4096xf32, #tpu.memory_space<vmem>>) dst(%dma_wait3A_156 : memref<4096xf32, #tpu.memory_space<hbm>>)
    %dma_wait3A_157 = tpu.memref_slice %arg6[%add3A_152] : memref<1048576xf32, #tpu.memory_space<hbm>> -> memref<4096xf32, #tpu.memory_space<hbm>>
    %dma_wait3A_158 = tpu.memref_slice %arg6[%add3A_152] : memref<1048576xf32, #tpu.memory_space<hbm>> -> memref<4096xf32, #tpu.memory_space<hbm>>
    tpu.wait_dma2 semaphore(%arg21 : memref<!tpu.dma_semaphore, #tpu.memory_space<semaphore_mem>>) src(%arg15 : memref<4096xf32, #tpu.memory_space<vmem>>) dst(%dma_wait3A_158 : memref<4096xf32, #tpu.memory_space<hbm>>)
    return
  }
}

</mosaic_0001>

<sc_bundles>
// kernel: kernel.3.cloned.1.call-start
scs
__scs_entry_jumppad:
0x0: {  	(pc) =	sbr.rel $0x88, $3  }
0x1: {  	(tag) =	ssettag $0x0;
	lr =	simm.s32 $0x1  }
0x2: {  	[smem:$0x3F9D] =	sst lr;
	_ =	strace $0xD0000000  }
0x3: {  	_ = 	snop  }
0x4: {  	_ = 	snop  }
0x5: {  	_ = 	snop  }
0x6: {  	_ = 	snop  }
0x7: {  	_ = 	snop  }
__scs_overlays_trampoline_lowered:
0x8: {  	[smem:$0x3FAC] =	sst s0  }
0x9: {  	[smem:$0x3FAD] =	sst s1  }
0xa: {  	[smem:$0x3FAE] =	sst s2  }
0xb: {  	[smem:$0x3FAF] =	sst s3  }
0xc: {  	[smem:$0x3FB0] =	sst s4  }
0xd: {  	[smem:$0x3FB1] =	sst s5  }
0xe: {  	[smem:$0x3FB2] =	sst s6  }
0xf: {  	[smem:$0x3FB3] =	sst s7  }
0x10: {  	[smem:$0x3FB4] =	sst s8  }
0x11: {  	[smem:$0x3FB5] =	sst s9;
	s0 =	simm.s32 @!p0 $0x0  }
0x12: {  	s1 =	sld [smem:$0x3F9B];
	s0 =	simm.s32 @p0 $0x1  }
0x13: {  	[smem:$0x3FB6] =	sst s0;
	s0 =	simm.s32 @!p1 $0x0  }
0x14: {  	s2 =	sld [smem:$0x3F9A];
	s0 =	simm.s32 @p1 $0x1  }
0x15: {  	[smem:$0x3FB7] =	sst s0;
	s0 =	simm.s32 @!p2 $0x0  }
0x16: {  	s3 =	sld [smem:$0x3FDB];
	s0 =	simm.s32 @p2 $0x1  }
0x17: {  	s4 =	simm.s32 $0x1BF5;
	[smem:$0x3FB9] =	sst s0  }
0x18: {  	s0 =	sld [smem:$0x3F9C];
	_ =	swait.ge [sflag:s4], $0x0  }
0x19: {  	s7 =	sld [smem:$0x3F9D]  }
0x1a: {  	s8 =	sadd.s32 $0xFFFFE003, lr  }
0x1b: {  	s9 =	sadd.s32 $0xFFFFFEF7, lr;
	s5 =	simm.s32 $0xFFFFFFFF;
	p2 =	slt.u32 s8, $0xFFFFF086  }
0x1c: {  	p1 =	slt.u32 s9, $0xF7A;
	s5 =	simm.s32 @!p2 $0x0  }
0x1d: {  	s5 =	simm.s32 @p1 $0x1;
	p0 =	seq.s32 s7, s2  }
0x1e: {  	s7 =	smul.u32 @!p0 $0xF7A, s2;
	p2 =	seq.s32 @!p0 s5, $0x0  }
0x1f: {  	s9 =	smul.u32 $0xF7A, s1;
	s8 =	simm.s32 @!p0 $0x1BF5;
	p2 =	por !p2, p0  }
0x20: {  	[sflag:s8] =	ssyncset.s32 @!p0 $0xFFFFF086;
	s6 =	sadd.s32 @!p0 s3, s7;
	s7 =	simm.s32 @!p0 $0x108  }
0x21: {  	s3 =	sadd.s32 s3, s9;
	s6 =	sadd.s32 @!p0 $0x88, s6;
	s7 =	simm.s32 @p2 $0x1082  }
0x22: {  	[simem:s7], [sflag:s8] =	dma.local @!p0 [hbm:s6], $0xF7A  }
0x23: {  	s9 =	sor.u32 $0xD0000000, s2;
	s6 =	simm.s32 $0x108;
	_ =	swait.ge @!p0 [sflag:s8], $0x0  }
0x24: {  	s3 =	sadd.s32 $0x88, s3;
	s6 =	simm.s32 @!p1 $0x1082;
	[sflag:s4] =	ssyncset.s32 $0xFFFFF086  }
0x25: {  	[simem:s6], [sflag:s4] =	dma.local [hbm:s3], $0xF7A  }
0x26: {  	[smem:$0x3F9D] =	sst s1;
	(tag) =	ssettag s2;
	_ =	strace s9  }
0x27: {  	s1 =	sld [smem:$0x3FAD]  }
0x28: {  	s2 =	sld [smem:$0x3FAE]  }
0x29: {  	s4 =	sld [smem:$0x3FB0]  }
0x2a: {  	p0 =	seq.s32 s5, $0x0;
	s5 =	sld [smem:$0x3FB1]  }
0x2b: {  	s6 =	sld [smem:$0x3FB2]  }
0x2c: {  	s7 =	sld [smem:$0x3FB3]  }
0x2d: {  	s3 =	simm.s32 $0x108;
	s8 =	sld [smem:$0x3FB4]  }
0x2e: {  	s3 =	simm.s32 @!p0 $0x1082;
	s9 =	sld [smem:$0x3FB5]  }
0x2f: {  	lr =	sadd.s32 s0, s3;
	s0 =	sld [smem:$0x3FAC]  }
0x30: {  	s3 =	sld [smem:$0x3FAF]  }
0x31: {  	[smem:$0x3FB8] =	sst s10  }
0x32: {  	s10 =	sld [smem:$0x3FB6];
	_ =	sdelay $0x3  }
0x33: {  	p0 =	seq.s32 s10, $0x1;
	s10 =	sld [smem:$0x3FB8];
	_ =	sdelay $0x3  }
0x34: {  	[smem:$0x3FB8] =	sst s10  }
0x35: {  	s10 =	sld [smem:$0x3FB7];
	_ =	sdelay $0x3  }
0x36: {  	p1 =	seq.s32 s10, $0x1;
	s10 =	sld [smem:$0x3FB8];
	_ =	sdelay $0x3  }
0x37: {  	[smem:$0x3FB8] =	sst s10  }
0x38: {  	s10 =	sld [smem:$0x3FB9]  }
0x39: {  	_ = 	snop;
	(pc) =	sbr.ind lr, $3  }
0x3a: {  	_ = 	snop  }
0x3b: {  	_ = 	snop  }
0x3c: {  	p2 =	seq.s32 s10, $0x1;
	s10 =	sld [smem:$0x3FB8]  }
0x3d: {  	_ =	shalt  }
0x3e: {  	_ =	shalt  }
0x3f: {  	_ =	shalt  }
0x40: {  	_ =	shalt  }
0x41: {  	_ =	shalt  }
0x42: {  	_ =	shalt  }
0x43: {  	_ =	shalt  }
0x44: {  	_ =	shalt  }
0x45: {  	_ =	shalt  }
0x46: {  	_ =	shalt  }
0x47: {  	_ =	shalt  }
0x48: {  	_ =	shalt  }
0x49: {  	_ =	shalt  }
0x4a: {  	_ =	shalt  }
0x4b: {  	_ =	shalt  }
0x4c: {  	_ =	shalt  }
0x4d: {  	_ =	shalt  }
0x4e: {  	_ =	shalt  }
0x4f: {  	_ =	shalt  }
0x50: {  	_ =	shalt  }
0x51: {  	_ =	shalt  }
0x52: {  	_ =	shalt  }
0x53: {  	_ =	shalt  }
0x54: {  	_ =	shalt  }
0x55: {  	_ =	shalt  }
0x56: {  	_ =	shalt  }
0x57: {  	_ =	shalt  }
0x58: {  	_ =	shalt  }
0x59: {  	_ =	shalt  }
0x5a: {  	_ =	shalt  }
0x5b: {  	_ =	shalt  }
0x5c: {  	_ =	shalt  }
0x5d: {  	_ =	shalt  }
0x5e: {  	_ =	shalt  }
0x5f: {  	_ =	shalt  }
0x60: {  	_ =	shalt  }
0x61: {  	_ =	shalt  }
0x62: {  	_ =	shalt  }
0x63: {  	_ =	shalt  }
0x64: {  	_ =	shalt  }
0x65: {  	_ =	shalt  }
0x66: {  	_ =	shalt  }
0x67: {  	_ =	shalt  }
0x68: {  	_ =	shalt  }
0x69: {  	_ =	shalt  }
0x6a: {  	_ =	shalt  }
0x6b: {  	_ =	shalt  }
0x6c: {  	_ =	shalt  }
0x6d: {  	_ =	shalt  }
0x6e: {  	_ =	shalt  }
0x6f: {  	_ =	shalt  }
0x70: {  	_ =	shalt  }
0x71: {  	_ =	shalt  }
0x72: {  	_ =	shalt  }
0x73: {  	_ =	shalt  }
0x74: {  	_ =	shalt  }
0x75: {  	_ =	shalt  }
0x76: {  	_ =	shalt  }
0x77: {  	_ =	shalt  }
0x78: {  	_ =	shalt  }
0x79: {  	_ =	shalt  }
0x7a: {  	_ =	shalt  }
0x7b: {  	_ =	shalt  }
0x7c: {  	_ =	shalt  }
0x7d: {  	_ =	shalt  }
0x7e: {  	_ =	shalt  }
0x7f: {  	_ =	shalt  }
0x80: {  	_ =	shalt  }
0x81: {  	_ =	shalt  }
0x82: {  	_ =	shalt  }
0x83: {  	_ =	shalt  }
0x84: {  	_ =	shalt  }
0x85: {  	_ =	shalt  }
0x86: {  	_ =	shalt  }
0x87: {  	_ =	shalt  }
.Lfunc_end0:
.L_simem_size_0:
called_computation_lowered:
.L_overlay_start_0:
0x88: {  	s2 =	sld [smem:$0x3FD9]  }
0x89: {  	s3 =	sld [smem:$0x3FFE];
	_ =	sdelay $0x1  }
0x8a: {  	s1 =	srdreg.scid  }
0x8b: {  	s0 =	sand.u32 $0x1, s1  }
0x8c: {  	s17 =	sshll.u32 s0, $0xA;
	s2 =	sadd.s32 s3, s2  }
0x8d: {  	s2 =	sadd.s32 s2, s17  }
0x8e: {  	[smem:$0x3FC4] =	sst s2  }
0x8f: {  	_ = 	snop  }
0x90: {  	s2 =	sld [smem:$0x3FC9]  }
0x91: {  	s18 =	sld [smem:$0x3FC8]  }
0x92: {  	s4 =	sld [smem:$0x3FD0];
	(tm) =	ssettm $0x1  }
0x93: {  	s5 =	sld [smem:$0x3FFB];
	_ =	sdelay $0x3  }
0x94: {  	_ =	strace s5  }
0x95: {  	s5 =	sld [smem:$0x3FFC];
	_ =	sdelay $0x3  }
0x96: {  	_ =	strace s5  }
0x97: {  	s5 =	sld [smem:$0x3FFD];
	_ =	sdelay $0x3  }
0x98: {  	_ =	strace s5  }
0x99: {  	_ =	strace $0x8FFFFFFF  }
0x9a: {  	s19 =	sld [smem:$0x3FDB];
	_ =	sdelay $0x1  }
0x9b: {  	s6 =	simm.s32 $_scs_section_size  }
0x9c: {  	s7 =	simm.s32 $_size__tile_overlayer_lowered;
	s8 =	simm.s32 $_tile_overlayer_lowered  }
0x9d: {  	s22 =	simm.s32 $0x1BFF;
	s21 =	sshll.u32 s8, $0x1;
	s5 =	sadd.s32 s6, s19  }
0x9e: {  	s9 =	simm.s32 $0x0;
	s20 =	sshll.u32 s7, $0x1;
	s7 =	sadd.s32 s21, s5  }
0x9f: {  	[timem:s9], [sflag:s22] =	dma.local [hbm:s7], s20  }
0xa0: {  	_ =	swait.ge [sflag:s22], s20  }
0xa1: {  	s6 =	ssub.s32 $0x0, s20;
	[sflag:s22] =	ssyncset.done $0x0  }
0xa2: {  	[sflag:s22] =	ssyncadd.s32 s6;
	_ =	sdelay $0x1  }
0xa3: {  	s23 =	simm.s32 $0x1B8B  }
0xa4: {  	_ =	swait.ge [sflag:s23], $0x1  }
0xa5: {  	[sflag:s23] =	ssyncset.done $0x0  }
0xa6: {  	s25 =	simm.s32 $0x1B8E;
	s24 =	sld [smem:$0x3FFE];
	[sflag:s23] =	ssyncadd.s32 $0xFFFFFFFF  }
0xa7: {  	s26 =	simm.s32 $execute0_lowered;
	[smem:$0x3FD2] =	sst s25  }
0xa8: {  	s7 =	sshll.u32 s26, $0x1;
	_ =	strace $0x80000046;
	[dreg:$0x1] =	wrdreg $0xFFFFFFFF  }
0xa9: {  	s28 =	simm.s32 $_size_execute0_lowered;
	s5 =	sadd.s32 s5, s7;
	[dreg:$0x0] =	wrdreg $0x0  }
0xaa: {  	s7 =	sshll.u32 s28, $0x1;
	[dreg:$0x2] =	wrdreg s5  }
0xab: {  	[dreg:$0x3] =	wrdreg s7  }
0xac: {  	[dreg:$0x4] =	wrdreg $0xC0  }
0xad: {  	_ =	task [dreg:s9], $0x5FFFF  }
0xae: {  	[dreg:$0x1] =	wrdreg $0xFFFFFFFF  }
0xaf: {  	[dreg:$0x0] =	wrdreg $0x60  }
0xb0: {  	[dreg:$0x2] =	wrdreg s2  }
0xb1: {  	[dreg:$0x3] =	wrdreg s18  }
0xb2: {  	[dreg:$0x4] =	wrdreg s24  }
0xb3: {  	[dreg:$0x5] =	wrdreg s4  }
0xb4: {  	[dreg:$0x6] =	wrdreg $0x9  }
0xb5: {  	_ =	task.clear_ibuf [dreg:s9], $0x7FFFF;
	_ =	strace $0x90000046  }
0xb6: {  	s29 =	simm.s32 $0x9;
	_ =	strace $0x80000048  }
0xb7: {  	_ =	swait.ge [sflag:s29], $0x1  }
0xb8: {  	[sflag:s29] =	ssyncadd.s32 $0xFFFFFFFF  }
0xb9: {  	_ =	strace $0x90000048  }
0xba: {  	_ =	sfence  }
0xbb: {  	s30 =	sld [smem:$0x0];
	_ =	sdelay $0x2  }
0xbc: {  	s31 =	sshll.u32 s1, $0xD;
	s1 =	sshrl.u32 s1, $0x2  }
0xbd: {  	s3 =	sand.u32 $0x4000, s31;
	s1 =	sadd.s32 s1, s30  }
0xbe: {  	s0 =	sor.u32 s3, s0;
	s1 =	sshll.u32 s1, $0x11  }
0xbf: {  	s0 =	sor.u32 s1, s0  }
0xc0: {  	s0 =	sadd.s32 $0x8F2B, s0  }
0xc1: {  	[sflag:s0] =	ssyncadd.remote.s32 $0x1  }
0xc2: {  	_ =	sfence.sel $0xFFFF  }
0xc3: {  	[dreg:$0x0] =	wrdreg $0xFFFFFFFF;
	(pc) =	sbr.abs _section_cstart, $3  }
0xc4: {  	[dreg:$0x1] =	wrdreg $0xFFFFFFFF  }
0xc5: {  	_ =	task.clear_ibuf [dreg:s9], $0x2FFFF;
	_ =	strace $0x9FFFFFFF  }
0xc6: {  	(tm) =	ssettm $0x7FFFFFFF  }
0xc7: {  	_ =	shalt  }
tec
execute0_lowered:
.L_overlay_start_1:
0x0: {  	(tag) =	ssettag $0x1  }
0x1: {  	s0 =	rddreg [dreg:$0x0]  }
0x2: {  	s2 =	rddreg [dreg:$0x1]  }
0x3: {  	s3 =	rddreg [dreg:$0x3];
	s4 =	srdreg.scid;
	s1 =	simm.s32 $0x0  }
0x4: {  	s6 =	stileid.u32;
	s20 =	rddreg [dreg:$0x2];
	s31 =	simm.s32 $0x3400  }
0x5: {  	s4 =	sand.u32 $0x1, s4;
	s6 =	sshll.u32 s6, $0xD;
	[smem:$0x7FF] =	sst s1  }
0x6: {  	s28 =	sadd.s32 $0x400, s20;
	s5 =	ssub.s32 $0x2, s4;
	s4 =	sshll.u32 s4, $0xC  }
0x7: {  	s29 =	sadd.s32 $0x600, s20;
	s7 =	sshrl.u32 s5, $0x1;
	s4 =	sor.u32 s4, s6  }
0x8: {  	s20 =	simm.s32 $0x5400;
	s5 =	ssub.s32 s5, s7;
	s6 =	sadd.s32 s0, s4  }
0x9: {  	s21 =	sor.u32 $0x200, s4;
	s22 =	sadd.s32 s2, s4;
	[dreg:$0x5] =	wrdreg s6  }
0xa: {  	s24 =	sor.u32 $0x400, s4;
	s25 =	sadd.s32 s3, s4;
	[dreg:$0x6] =	wrdreg s22  }
0xb: {  	s10 =	sor.u32 $0x600, s4;
	s23 =	sadd.s32 s0, s21;
	[dreg:$0x9] =	wrdreg s25  }
0xc: {  	s13 =	sor.u32 $0x800, s4;
	s8 =	sadd.s32 s2, s21;
	[dreg:$0x7] =	wrdreg s23  }
0xd: {  	s15 =	sor.u32 $0xA00, s4;
	s26 =	sadd.s32 s0, s24;
	[dreg:$0x8] =	wrdreg s8  }
0xe: {  	s19 =	sor.u32 $0xC00, s4;
	s9 =	sadd.s32 s2, s24;
	[dreg:$0xa] =	wrdreg s26  }
0xf: {  	s4 =	sor.u32 $0xE00, s4;
	s6 =	sadd.s32 s3, s21;
	[dreg:$0xb] =	wrdreg s9  }
0x10: {  	s11 =	sadd.s32 s0, s10;
	s12 =	sadd.s32 s2, s10;
	[dreg:$0xc] =	wrdreg s6  }
0x11: {  	s7 =	sadd.s32 s3, s24;
	s14 =	sadd.s32 s0, s13;
	[dreg:$0xd] =	wrdreg s11  }
0x12: {  	s16 =	sadd.s32 s0, s15;
	s17 =	sadd.s32 s2, s15;
	[dreg:$0xe] =	wrdreg s12  }
0x13: {  	s18 =	sadd.s32 s3, s13;
	s21 =	sadd.s32 s0, s19;
	[dreg:$0xf] =	wrdreg s7  }
0x14: {  	s22 =	sadd.s32 s0, s4;
	s24 =	sadd.s32 s2, s4;
	[dreg:$0x10] =	wrdreg s14  }
0x15: {  	s25 =	sadd.s32 s3, s19;
	s30 =	smax.u32 s5, $0x1;
	[dreg:$0x13] =	wrdreg s16  }
0x16: {  	s0 =	simm.s32 $0x7;
	s5 =	simm.s32 $0x6400;
	[dreg:$0x14] =	wrdreg s17  }
0x17: {  	s9 =	sadd.s32 s2, s13;
	s6 =	sadd.s32 s3, s10;
	[dreg:$0x15] =	wrdreg s18  }
0x18: {  	s7 =	sadd.s32 s3, s15;
	s23 =	sadd.s32 s2, s19;
	s26 =	sadd.s32 s3, s4  }
0x19: {  	s2 =	simm.s32 $0x1;
	s3 =	simm.s32 $0x3;
	s4 =	simm.s32 $0x4400  }
0x1a: {  	s8 =	simm.s32 $0x2;
	s10 =	simm.s32 $0x8400;
	[dreg:$0x11] =	wrdreg s9  }
0x1b: {  	s11 =	simm.s32 $0x5;
	s12 =	simm.s32 $0x6;
	[dreg:$0x12] =	wrdreg s6  }
0x1c: {  	v0 =	vlaneseq.u32;
	s13 =	simm.s32 $0x0;
	[dreg:$0x16] =	wrdreg s7;
	s6 =	simm.s32 $0x380  }
0x1d: {  	v1 =	vimm.f32 $0.0e+00;
	v2 =	vor.u32 $0x1000, v0;
	v3 =	vor.u32 $0x2000, v0;
	s7 =	simm.s32 $0x7400;
	s9 =	simm.s32 $0x4;
	_ =	strace $0x80000047  }
.LBB2_1:
0x1e: {  	s14 =	rddreg [dreg:$0x5]  }
0x1f: {  	[tilespmem:s31], [sflag:$0x1] =	stream.linear.gather [hbm4b:s14+s1], $0x1000, $0x38;
	[tilespmem:$0x9400] =	vst v63  }
0x20: {  	s18 =	rddreg [dreg:$0x6]  }
0x21: {  	[tilespmem:s20], [sflag:$0x3] =	stream.linear.gather [hbm4b:s18+s1], $0x1000, $0x38;
	[tilespmem:$0x9400] =	vst v63  }
0x22: {  	_ = 	snop  }
0x23: {  	[tilespmem:s1], [sflag:$0x7] =	stream.linear.gather [hbm4b:s28+s1], $0x300, $0x38;
	[tilespmem:$0x9400] =	vst v63  }
0x24: {  	_ =	swait.ge [sflag:s0], $0x300  }
0x25: {  	[sflag:s0] =	ssyncset.done $0x0  }
0x26: {  	s19 =	simm.s32 $0x3380;
	[sflag:s0] =	ssyncadd.s32 $0xFFFFFD00  }
0x27: {  	[tilespmem:s19], [sflag:$0x7] =	stream.linear.gather [hbm4b:s29+s1], $0x80, $0x38;
	[tilespmem:$0x9400] =	vst v63  }
0x28: {  	_ =	swait.ge [sflag:s0], $0x80  }
0x29: {  	[sflag:s0] =	ssyncset.done $0x0  }
0x2a: {  	[sflag:s0] =	ssyncadd.s32 $0xFFFFFF80  }
0x2b: {  	s15 =	simm.s32 $0x40;
	s14 =	simm.s32 $0x0;
	v4 =	vld [tilespmem:$0x3380]  }
.LBB2_2:
0x2c: {  	p0 =	sne.s32 s15, $0xBC0;
	v5 =	vld [tilespmem:s14+$0x0];
	_ =	sdelay $0x4  }
0x2d: {  	vm0 =	vlt.f32 v5, $-3.000000120e-01  }
0x2e: {  	vm1 =	vgt.f32 v5, $3.000000120e-01;
	v6 =	vsel vm0, $0xBF800000, v1  }
0x2f: {  	v6 =	vsel vm1, $0x3F800000, v6  }
0x30: {  	v6 =	vsub.f32 v6, v5;
	_ =	sdelay $0x1  }
.Ltmp0:
0x31: {  	v5 =	vadd.f32 v6, v5;
	(pc) =	sbr.rel @p0 .LBB2_2-.Ltmp0, $3  }
0x32: {  	_ = 	snop  }
0x33: {  	v5 =	vmul.f32 v5, v4;
	_ =	sdelay $0x1  }
0x34: {  	[tilespmem:s14+$0x0] =	vst v5;
	s14 =	sshra.s32 s15, $0x2;
	s15 =	sadd.s32 $0x40, s15  }
0x35: {  	v5 =	vld [tilespmem:s14+$0x0];
	_ =	sdelay $0x4  }
0x36: {  	vm0 =	vlt.f32 v5, $-3.000000120e-01  }
0x37: {  	vm1 =	vgt.f32 v5, $3.000000120e-01;
	v6 =	vsel vm0, $0xBF800000, v1  }
0x38: {  	v6 =	vsel vm1, $0x3F800000, v6  }
0x39: {  	v6 =	vsub.f32 v6, v5  }
0x3a: {  	s15 =	simm.s32 $0x0  }
0x3b: {  	s15 =	sand.u32 $0xF8, s15;
	v5 =	vadd.f32 v6, v5  }
0x3c: {  	s15 =	smul.u32 $0xC, s15  }
0x3d: {  	v4 =	vmul.f32 v5, v4  }
0x3e: {  	s15 =	sshrl.u32 s15, $0x2  }
0x3f: {  	s17 =	sadd.s32 $0x0, s15;
	[tilespmem:s14+$0x0] =	vst v4  }
0x40: {  	v5 =	vld.msk [tilespmem:s17+$0x15 ss:$0x0], $0xffff  }
0x41: {  	v6 =	vld.msk [tilespmem:s17+$0x0 ss:$0x0], $0xffff  }
0x42: {  	s16 =	simm.s32 $0x8;
	v10 =	vld.msk [tilespmem:s17+$0x3 ss:$0x0], $0xffff  }
0x43: {  	s18 =	sand.u32 $0xF8, s16;
	v11 =	vld.msk [tilespmem:s17+$0x6 ss:$0x0], $0xffff  }
0x44: {  	s19 =	smul.u32 $0xC, s18;
	v7 =	vld.msk [tilespmem:s17+$0x9 ss:$0x0], $0xffff  }
0x45: {  	s14 =	simm.s32 $0x3C0;
	v4 =	vld.msk [tilespmem:s17+$0xC ss:$0x0], $0xffff  }
0x46: {  	s15 =	sshrl.u32 s19, $0x2;
	v8 =	vld.msk [tilespmem:s17+$0xF ss:$0x0], $0xffff;
	[tilespmem:s14+$0x30] =	vst v5  }
0x47: {  	s15 =	sadd.s32 $0x0, s15;
	v9 =	vld.msk [tilespmem:s17+$0x12 ss:$0x0], $0xffff;
	[tilespmem:s14+$0xFFFFFFC0] =	vst v6  }
0x48: {  	v5 =	vld.msk [tilespmem:s15+$0x15 ss:$0x0], $0xffff;
	[tilespmem:s14+$0xFFFFFFD0] =	vst v10  }
0x49: {  	v6 =	vld.msk [tilespmem:s15+$0x0 ss:$0x0], $0xffff;
	[tilespmem:s14+$0xFFFFFFE0] =	vst v11  }
.LBB2_4:
0x4a: {  	s16 =	sadd.s32 $0x8, s16;
	v10 =	vld.msk [tilespmem:s15+$0x3 ss:$0x0], $0xffff;
	[tilespmem:s14+$0xFFFFFFF0] =	vst v7  }
0x4b: {  	s17 =	sand.u32 $0xF8, s16;
	p0 =	slt.u32 s16, $0x2F8;
	v11 =	vld.msk [tilespmem:s15+$0x6 ss:$0x0], $0xffff;
	[tilespmem:s14+$0x0] =	vst v4  }
0x4c: {  	s17 =	smul.u32 $0xC, s17;
	v7 =	vld.msk [tilespmem:s15+$0x9 ss:$0x0], $0xffff;
	[tilespmem:s14+$0x10] =	vst v8  }
.Ltmp1:
0x4d: {  	v4 =	vld.msk [tilespmem:s15+$0xC ss:$0x0], $0xffff;
	[tilespmem:s14+$0x20] =	vst v9;
	s14 =	sadd.s32 $0x80, s14;
	(pc) =	sbr.rel @p0 .LBB2_4-.Ltmp1, $4  }
0x4e: {  	s18 =	sshrl.u32 s16, $0x8;
	s17 =	sshrl.u32 s17, $0x2;
	v8 =	vld.msk [tilespmem:s15+$0xF ss:$0x0], $0xffff;
	[tilespmem:s14+$0x30] =	vst v5  }
0x4f: {  	[tilespmem:s14+$0xFFFFFFC0] =	vst v6;
	v9 =	vld.msk [tilespmem:s15+$0x12 ss:$0x0], $0xffff;
	s15 =	sadd.s32 s18, s17  }
0x50: {  	v5 =	vld.msk [tilespmem:s15+$0x15 ss:$0x0], $0xffff;
	[tilespmem:s14+$0xFFFFFFD0] =	vst v10  }
0x51: {  	v6 =	vld.msk [tilespmem:s15+$0x0 ss:$0x0], $0xffff;
	[tilespmem:s14+$0xFFFFFFE0] =	vst v11  }
0x52: {  	[tilespmem:s14+$0xFFFFFFF0] =	vst v7  }
0x53: {  	v7 =	vld.msk [tilespmem:s15+$0x3 ss:$0x0], $0xffff;
	[tilespmem:s14+$0x0] =	vst v4  }
0x54: {  	v4 =	vld.msk [tilespmem:s15+$0x6 ss:$0x0], $0xffff;
	[tilespmem:s14+$0x10] =	vst v8  }
0x55: {  	s17 =	sadd.s32 $0x80, s14;
	v8 =	vld.msk [tilespmem:s15+$0x9 ss:$0x0], $0xffff;
	[tilespmem:s14+$0x20] =	vst v9  }
0x56: {  	v9 =	vld.msk [tilespmem:s15+$0xC ss:$0x0], $0xffff;
	[tilespmem:s17+$0x30] =	vst v5  }
0x57: {  	v5 =	vld.msk [tilespmem:s15+$0xF ss:$0x0], $0xffff;
	[tilespmem:s17+$0xFFFFFFC0] =	vst v6  }
0x58: {  	v6 =	vld.msk [tilespmem:s15+$0x12 ss:$0x0], $0xffff;
	[tilespmem:s17+$0xFFFFFFD0] =	vst v7  }
0x59: {  	[tilespmem:s17+$0xFFFFFFE0] =	vst v4  }
0x5a: {  	[tilespmem:s17+$0xFFFFFFF0] =	vst v8  }
0x5b: {  	[tilespmem:s17+$0x0] =	vst v9  }
0x5c: {  	[tilespmem:s17+$0x10] =	vst v5  }
0x5d: {  	[tilespmem:s17+$0x20] =	vst v6  }
0x5e: {  	_ =	swait.ge [sflag:s2], $0x1000  }
0x5f: {  	[sflag:s2] =	ssyncset.done $0x0  }
0x60: {  	[sflag:s2] =	ssyncadd.s32 $0xFFFFF000  }
0x61: {  	_ =	swait.ge [sflag:s3], $0x1000  }
0x62: {  	[sflag:s3] =	ssyncset.done $0x0  }
0x63: {  	s18 =	rddreg [dreg:$0x7];
	[sflag:s3] =	ssyncadd.s32 $0xFFFFF000  }
0x64: {  	[tilespmem:s4], [sflag:$0x2] =	stream.linear.gather [hbm4b:s18+s1], $0x1000, $0x38;
	[tilespmem:$0x9400] =	vst v63  }
0x65: {  	s15 =	simm.s32 $0x3420;
	s19 =	rddreg [dreg:$0x8]  }
0x66: {  	[tilespmem:s5], [sflag:$0x4] =	stream.linear.gather [hbm4b:s19+s1], $0x1000, $0x38;
	[tilespmem:$0x9400] =	vst v63  }
0x67: {  	s16 =	simm.s32 $0x5420;
	v4 =	vld [tilespmem:s15+$0x10]  }
0x68: {  	v5 =	vld [tilespmem:s16+$0x10]  }
0x69: {  	v6 =	vld [tilespmem:s16+$0xFFFFFFE0]  }
0x6a: {  	v7 =	vld [tilespmem:s15+$0xFFFFFFF0]  }
0x6b: {  	v8 =	vld [tilespmem:s16+$0xFFFFFFF0]  }
0x6c: {  	v9 =	vld [tilespmem:s15+$0x0]  }
0x6d: {  	v10 =	vld [tilespmem:s15+$0xFFFFFFE0]  }
0x6e: {  	v11 =	vld [tilespmem:s16+$0x0]  }
0x6f: {  	v4 =	vadd.f32 $1.000000000e+00, v4;
	v5 =	vadd.f32 $1.000000000e+00, v5  }
0x70: {  	v6 =	vadd.f32 $1.000000000e+00, v6;
	v7 =	vadd.f32 $1.000000000e+00, v7  }
0x71: {  	v8 =	vadd.f32 $1.000000000e+00, v8;
	v9 =	vadd.f32 $1.000000000e+00, v9  }
0x72: {  	v10 =	vadd.f32 $1.000000000e+00, v10;
	v4 =	vmul.f32 $8.000000000e+00, v4;
	v5 =	vmul.f32 $8.000000000e+00, v5  }
0x73: {  	v11 =	vadd.f32 $1.000000000e+00, v11;
	v6 =	vmul.f32 $8.000000000e+00, v6;
	v7 =	vmul.f32 $8.000000000e+00, v7  }
0x74: {  	v8 =	vmul.f32 $8.000000000e+00, v8;
	v9 =	vmul.f32 $8.000000000e+00, v9  }
0x75: {  	v10 =	vmul.f32 $8.000000000e+00, v10;
	v11 =	vmul.f32 $8.000000000e+00, v11  }
0x76: {  	v12 =	vtrunc.f32 v4;
	v13 =	vtrunc.f32 v5  }
0x77: {  	v14 =	vtrunc.f32 v10;
	v17 =	vtrunc.f32 v6  }
0x78: {  	v18 =	vtrunc.f32 v7;
	v19 =	vtrunc.f32 v9  }
0x79: {  	v21 =	vtrunc.f32 v11;
	v12 =	vcvt.f32.s32 v12  }
0x7a: {  	v13 =	vcvt.f32.s32 v13;
	v14 =	vcvt.f32.s32 v14  }
0x7b: {  	v17 =	vcvt.f32.s32 v17;
	v18 =	vcvt.f32.s32 v18  }
0x7c: {  	v19 =	vcvt.f32.s32 v19;
	v21 =	vcvt.f32.s32 v21  }
0x7d: {  	vm0 =	vgt.s32 v12, $0x0;
	vm1 =	vgt.s32 v13, $0x0;
	vm6 =	vgt.s32 v14, $0x0  }
0x7e: {  	vm7 =	vgt.s32 v17, $0x0;
	v12 =	vnsel vm0, $0x0, v12;
	v13 =	vnsel vm1, $0x0, v13  }
0x7f: {  	vm2 =	vgt.s32 v18, $0x0;
	v12 =	vmin.u32 v12, $0xF;
	v13 =	vmin.u32 v13, $0xF  }
0x80: {  	vm3 =	vgt.s32 v19, $0x0;
	v15 =	vshll.u32 v12, $0x8;
	v16 =	vshll.u32 v13, $0x4  }
0x81: {  	vm9 =	vgt.s32 v21, $0x0;
	v14 =	vnsel vm6, $0x0, v14;
	v15 =	vor.u32 v15, v16  }
0x82: {  	v12 =	vcvt.s32.f32 v12;
	v16 =	vtrunc.f32 v8;
	v20 =	vor.u32 v2, v15  }
0x83: {  	v22 =	vor.u32 v0, v15;
	v15 =	vor.u32 v3, v15;
	v16 =	vcvt.f32.s32 v16  }
0x84: {  	v17 =	vnsel vm7, $0x0, v17;
	v4 =	vsub.f32 v4, v12;
	v12 =	vcvt.s32.f32 v13  }
0x85: {  	s18 =	simm.s32 $0x5460;
	v18 =	vnsel vm2, $0x0, v18;
	v19 =	vnsel vm3, $0x0, v19;
	vm8 =	vgt.s32 v16, $0x0  }
0x86: {  	v25 =	vld [tilespmem:s18+$0x10];
	v23 =	vmin.u32 v14, $0xF;
	v5 =	vsub.f32 v5, v12;
	v16 =	vnsel vm8, $0x0, v16  }
0x87: {  	v27 =	vld [tilespmem:s18+$0xFFFFFFE0];
	v13 =	vmin.u32 v16, $0xF;
	v16 =	vmin.u32 v19, $0xF;
	v19 =	vshll.u32 v23, $0x8  }
0x88: {  	s17 =	simm.s32 $0x3460;
	v23 =	vcvt.s32.f32 v23;
	v14 =	vld.idx.msk [tilespmem:v15+s6+$0x0], $0xffff;
	v15 =	vmin.u32 v17, $0xF;
	v17 =	vnsel vm9, $0x0, v21  }
0x89: {  	v28 =	vld [tilespmem:s17+$0xFFFFFFF0];
	v21 =	vshll.u32 v13, $0x4;
	v24 =	vshll.u32 v16, $0x8;
	v16 =	vcvt.s32.f32 v16  }
0x8a: {  	v20 =	vld.idx.msk [tilespmem:v20+s6+$0x0], $0xffff;
	v13 =	vcvt.s32.f32 v13;
	v17 =	vmin.u32 v17, $0xF;
	v12 =	vshll.u32 v15, $0x4  }
0x8b: {  	v15 =	vcvt.s32.f32 v15;
	v10 =	vsub.f32 v10, v23;
	v23 =	vadd.f32 $1.000000000e+00, v25  }
0x8c: {  	v25 =	vadd.f32 $1.000000000e+00, v27;
	v16 =	vsub.f32 v9, v16;
	v9 =	vcvt.s32.f32 v17  }
0x8d: {  	v18 =	vmin.u32 v18, $0xF;
	v12 =	vor.u32 v19, v12;
	v13 =	vsub.f32 v8, v13  }
0x8e: {  	v22 =	vld.idx.msk [tilespmem:v22+s6+$0x0], $0xffff;
	v15 =	vsub.f32 v6, v15;
	v25 =	vmul.f32 $8.000000000e+00, v25;
	v11 =	vsub.f32 v11, v9  }
0x8f: {  	v9 =	vmul.f32 $8.000000000e+00, v23;
	v23 =	vadd.f32 $1.000000000e+00, v28;
	v4 =	vmul.f32 v4, v20  }
0x90: {  	v20 =	vshll.u32 v18, $0x8;
	v5 =	vmul.f32 v5, v14;
	v14 =	vshll.u32 v17, $0x4  }
0x91: {  	v8 =	vld [tilespmem:s17+$0xFFFFFFE0];
	v18 =	vcvt.s32.f32 v18;
	v33 =	vtrunc.f32 v25;
	v19 =	vor.u32 v20, v21  }
0x92: {  	v6 =	vld [tilespmem:s17+$0x0];
	v20 =	vor.u32 v2, v12;
	v21 =	vor.u32 v24, v14;
	v28 =	vtrunc.f32 v9  }
0x93: {  	v23 =	vmul.f32 $8.000000000e+00, v23;
	v33 =	vcvt.f32.s32 v33;
	v4 =	vadd.f32 v4, v22  }
0x94: {  	v17 =	vld [tilespmem:s18+$0x0];
	v22 =	vor.u32 v2, v19;
	v24 =	vor.u32 v2, v21;
	v26 =	vor.u32 v0, v19  }
0x95: {  	v19 =	vor.u32 v3, v19;
	v29 =	vor.u32 v0, v21;
	v18 =	vsub.f32 v7, v18;
	v7 =	vld [tilespmem:s18+$0xFFFFFFF0]  }
0x96: {  	v21 =	vor.u32 v3, v21;
	v28 =	vcvt.f32.s32 v28;
	v14 =	vadd.f32 v5, v4;
	v5 =	vld [tilespmem:s17+$0x10]  }
0x97: {  	v8 =	vadd.f32 $1.000000000e+00, v8;
	v6 =	vadd.f32 $1.000000000e+00, v6;
	v34 =	vtrunc.f32 v23  }
0x98: {  	vm13 =	vgt.s32 v33, $0x0;
	v4 =	vor.u32 v0, v12;
	v12 =	vor.u32 v3, v12  }
0x99: {  	vm11 =	vgt.s32 v28, $0x0;
	v33 =	vnsel vm13, $0x0, v33;
	v6 =	vmul.f32 $8.000000000e+00, v6  }
0x9a: {  	v34 =	vcvt.f32.s32 v34;
	v17 =	vadd.f32 $1.000000000e+00, v17;
	v33 =	vmin.u32 v33, $0xF  }
0x9b: {  	v20 =	vld.idx.msk [tilespmem:v20+s6+$0x0], $0xffff;
	v7 =	vadd.f32 $1.000000000e+00, v7;
	v35 =	vtrunc.f32 v6;
	v5 =	vadd.f32 $1.000000000e+00, v5  }
0x9c: {  	vm14 =	vgt.s32 v34, $0x0;
	v17 =	vmul.f32 $8.000000000e+00, v17;
	v22 =	vld.idx.msk [tilespmem:v22+s6+$0x0], $0xffff;
	v35 =	vcvt.f32.s32 v35  }
0x9d: {  	v34 =	vnsel vm14, $0x0, v34;
	v24 =	vld.idx.msk [tilespmem:v24+s6+$0x0], $0xffff;
	v30 =	vmul.f32 $8.000000000e+00, v7;
	v5 =	vmul.f32 $8.000000000e+00, v5  }
0x9e: {  	v19 =	vld.idx.msk [tilespmem:v19+s6+$0x0], $0xffff;
	v34 =	vmin.u32 v34, $0xF;
	v7 =	vmul.f32 $8.000000000e+00, v8;
	v37 =	vtrunc.f32 v17  }
0x9f: {  	s14 =	simm.s32 $0x54A0;
	v47 =	vld.idx.msk [tilespmem:v4+s6+$0x0], $0xffff;
	v4 =	vshll.u32 v33, $0x4;
	v37 =	vcvt.f32.s32 v37;
	v27 =	vtrunc.f32 v5  }
0xa0: {  	v53 =	vld [tilespmem:s14+$0x10];
	vm6 =	vgt.s32 v35, $0x0;
	v62 =	vtrunc.f32 v30;
	v27 =	vcvt.f32.s32 v27  }
0xa1: {  	v35 =	vnsel vm6, $0x0, v35;
	v10 =	vmul.f32 v10, v20;
	vm7 =	vgt.s32 v37, $0x0  }
0xa2: {  	v12 =	vld.idx.msk [tilespmem:v12+s6+$0x0], $0xffff;
	v63 =	vmin.u32 v35, $0xF;
	v18 =	vmul.f32 v18, v22;
	vm10 =	vgt.s32 v27, $0x0  }
0xa3: {  	v26 =	vld.idx.msk [tilespmem:v26+s6+$0x0], $0xffff;
	v16 =	vmul.f32 v16, v24;
	v8 =	vnsel vm10, $0x0, v27;
	v27 =	vnsel vm11, $0x0, v28  }
0xa4: {  	s19 =	simm.s32 $0x34A0;
	v21 =	vld.idx.msk [tilespmem:v21+s6+$0x0], $0xffff;
	v13 =	vmul.f32 v13, v19;
	v8 =	vmin.u32 v8, $0xF;
	v27 =	vmin.u32 v27, $0xF  }
0xa5: {  	v20 =	vld [tilespmem:s19+$0xFFFFFFF0];
	v19 =	vadd.f32 $1.000000000e+00, v53;
	v31 =	vshll.u32 v8, $0x8;
	v32 =	vshll.u32 v27, $0x4  }
0xa6: {  	v24 =	vld [tilespmem:s19+$0xFFFFFFE0];
	v37 =	vnsel vm7, $0x0, v37;
	v40 =	vshll.u32 v63, $0x8;
	v31 =	vor.u32 v31, v32  }
0xa7: {  	v45 =	vmin.u32 v37, $0xF;
	v12 =	vmul.f32 v15, v12;
	v15 =	vld [tilespmem:s19+$0x0];
	v36 =	vor.u32 v2, v31  }
0xa8: {  	v10 =	vadd.f32 v10, v47;
	v38 =	vor.u32 v0, v31;
	v31 =	vor.u32 v3, v31  }
0xa9: {  	v18 =	vadd.f32 v18, v26;
	v26 =	vmul.f32 v11, v21;
	v28 =	vtrunc.f32 v7  }
0xaa: {  	v19 =	vmul.f32 $8.000000000e+00, v19;
	v21 =	vadd.f32 v12, v10;
	v28 =	vcvt.f32.s32 v28  }
0xab: {  	v12 =	vadd.f32 $1.000000000e+00, v20;
	v24 =	vadd.f32 $1.000000000e+00, v24;
	v8 =	vcvt.s32.f32 v8  }
0xac: {  	v15 =	vadd.f32 $1.000000000e+00, v15;
	vm12 =	vgt.s32 v28, $0x0;
	v32 =	vcvt.f32.s32 v62;
	v36 =	vld.idx.msk [tilespmem:v36+s6+$0x0], $0xffff  }
0xad: {  	v28 =	vnsel vm12, $0x0, v28;
	v5 =	vsub.f32 v5, v8;
	v8 =	vcvt.s32.f32 v27;
	v31 =	vld.idx.msk [tilespmem:v31+s6+$0x0], $0xffff  }
0xae: {  	v15 =	vmul.f32 $8.000000000e+00, v15;
	vm15 =	vgt.s32 v32, $0x0;
	v28 =	vmin.u32 v28, $0xF;
	v38 =	vld.idx.msk [tilespmem:v38+s6+$0x0], $0xffff  }
0xaf: {  	v32 =	vnsel vm15, $0x0, v32;
	v46 =	vshll.u32 v28, $0x8;
	v8 =	vsub.f32 v9, v8  }
0xb0: {  	v9 =	vshll.u32 v34, $0x8;
	v54 =	vtrunc.f32 v15;
	v27 =	vmin.u32 v32, $0xF  }
0xb1: {  	v32 =	vcvt.f32.s32 v54;
	v39 =	vshll.u32 v27, $0x4;
	v5 =	vmul.f32 v5, v36  }
0xb2: {  	v27 =	vcvt.s32.f32 v27;
	v48 =	vor.u32 v9, v39;
	v8 =	vmul.f32 v8, v31  }
0xb3: {  	v31 =	vor.u32 v46, v4;
	v4 =	vshll.u32 v45, $0x4;
	v5 =	vadd.f32 v5, v38  }
0xb4: {  	v29 =	vld.idx.msk [tilespmem:v29+s6+$0x0], $0xffff;
	v9 =	vcvt.s32.f32 v63;
	vm14 =	vgt.s32 v32, $0x0;
	v50 =	vor.u32 v40, v4  }
0xb5: {  	v52 =	vld [tilespmem:s19+$0x10];
	v4 =	vcvt.s32.f32 v28;
	v51 =	vadd.f32 v8, v5;
	v5 =	vcvt.s32.f32 v34  }
0xb6: {  	v42 =	vor.u32 v2, v48;
	v58 =	vor.u32 v0, v48;
	v43 =	vor.u32 v3, v48  }
0xb7: {  	v4 =	vsub.f32 v7, v4;
	v7 =	vcvt.s32.f32 v33;
	v8 =	vsub.f32 v23, v5;
	v23 =	vld [tilespmem:s14+$0xFFFFFFE0]  }
0xb8: {  	v32 =	vnsel vm14, $0x0, v32;
	v5 =	vsub.f32 v6, v9;
	v6 =	vcvt.s32.f32 v45  }
0xb9: {  	v47 =	vmin.u32 v32, $0xF;
	v7 =	vsub.f32 v25, v7;
	v25 =	vadd.f32 v16, v29  }
0xba: {  	v61 =	vshll.u32 v47, $0x8;
	v16 =	vadd.f32 $1.000000000e+00, v52;
	v6 =	vsub.f32 v17, v6;
	v17 =	vld [tilespmem:s14+$0xFFFFFFF0]  }
0xbb: {  	v49 =	vor.u32 v2, v31;
	v41 =	vor.u32 v0, v31;
	v22 =	vor.u32 v3, v31  }
0xbc: {  	v11 =	vld [tilespmem:s14+$0x0];
	v28 =	vor.u32 v2, v50;
	v16 =	vmul.f32 $8.000000000e+00, v16;
	v23 =	vadd.f32 $1.000000000e+00, v23  }
0xbd: {  	v44 =	vor.u32 v0, v50;
	v39 =	vor.u32 v3, v50;
	v9 =	vsub.f32 v30, v27  }
0xbe: {  	v10 =	vmul.f32 $8.000000000e+00, v23;
	v23 =	vadd.f32 v13, v18;
	v13 =	vtrunc.f32 v16  }
0xbf: {  	v17 =	vadd.f32 $1.000000000e+00, v17;
	v18 =	vtrunc.f32 v19;
	v20 =	vcvt.f32.s32 v13  }
0xc0: {  	v25 =	vadd.f32 v26, v25;
	v18 =	vcvt.f32.s32 v18;
	v13 =	vmul.f32 $8.000000000e+00, v12  }
0xc1: {  	v12 =	vadd.f32 $1.000000000e+00, v11;
	v11 =	vmul.f32 $8.000000000e+00, v17;
	v17 =	vmul.f32 $8.000000000e+00, v24  }
0xc2: {  	v30 =	vtrunc.f32 v10;
	vm8 =	vgt.s32 v20, $0x0;
	vm9 =	vgt.s32 v18, $0x0  }
0xc3: {  	v12 =	vmul.f32 $8.000000000e+00, v12;
	v20 =	vnsel vm8, $0x0, v20;
	v18 =	vnsel vm9, $0x0, v18  }
0xc4: {  	v31 =	vtrunc.f32 v13;
	v20 =	vmin.u32 v20, $0xF;
	v18 =	vmin.u32 v18, $0xF  }
0xc5: {  	v30 =	vcvt.f32.s32 v30;
	v27 =	vshll.u32 v20, $0x8;
	v29 =	vshll.u32 v18, $0x4  }
0xc6: {  	v24 =	vtrunc.f32 v17;
	v31 =	vcvt.f32.s32 v31;
	v27 =	vor.u32 v27, v29  }
0xc7: {  	v24 =	vcvt.f32.s32 v24;
	v56 =	vtrunc.f32 v12;
	v55 =	vor.u32 v2, v27  }
0xc8: {  	vm11 =	vgt.s32 v30, $0x0;
	vm12 =	vgt.s32 v31, $0x0;
	v57 =	vor.u32 v0, v27  }
0xc9: {  	v34 =	vcvt.f32.s32 v56;
	v20 =	vcvt.s32.f32 v20;
	v27 =	vor.u32 v3, v27  }
0xca: {  	v30 =	vnsel vm11, $0x0, v30;
	v18 =	vcvt.s32.f32 v18;
	v29 =	vtrunc.f32 v11  }
0xcb: {  	vm10 =	vgt.s32 v24, $0x0;
	v31 =	vnsel vm12, $0x0, v31;
	v33 =	vmin.u32 v30, $0xF  }
0xcc: {  	v29 =	vcvt.f32.s32 v29;
	v24 =	vnsel vm10, $0x0, v24;
	vm15 =	vgt.s32 v34, $0x0;
	v59 =	vld.idx.msk [tilespmem:v55+s6+$0x0], $0xffff  }
0xcd: {  	s16 =	simm.s32 $0x7420;
	v46 =	vmin.u32 v31, $0xF;
	v20 =	vsub.f32 v16, v20;
	v19 =	vsub.f32 v19, v18;
	v45 =	vld.idx.msk [tilespmem:v57+s6+$0x0], $0xffff  }
0xce: {  	[tilespmem:s16+$0x10] =	vst v14;
	v30 =	vshll.u32 v33, $0x4;
	v34 =	vnsel vm15, $0x0, v34;
	v24 =	vmin.u32 v24, $0xF;
	v27 =	vld.idx.msk [tilespmem:v27+s6+$0x0], $0xffff  }
0xcf: {  	[tilespmem:s16+$0xFFFFFFE0] =	vst v21;
	v14 =	vld.idx.msk [tilespmem:v42+s6+$0x0], $0xffff;
	v31 =	vshll.u32 v46, $0x8;
	vm13 =	vgt.s32 v29, $0x0;
	v34 =	vmin.u32 v34, $0xF  }
0xd0: {  	[tilespmem:s16+$0xFFFFFFF0] =	vst v23;
	v23 =	vld.idx.msk [tilespmem:v44+s6+$0x0], $0xffff;
	v40 =	vcvt.s32.f32 v46;
	v29 =	vnsel vm13, $0x0, v29;
	v21 =	vshll.u32 v34, $0x4  }
0xd1: {  	v16 =	vld.idx.msk [tilespmem:v49+s6+$0x0], $0xffff;
	v35 =	vmin.u32 v29, $0xF;
	v29 =	vshll.u32 v24, $0x8;
	v20 =	vmul.f32 v20, v59  }
0xd2: {  	v18 =	vld.idx.msk [tilespmem:v28+s6+$0x0], $0xffff;
	v63 =	vor.u32 v61, v21;
	v60 =	vshll.u32 v35, $0x4;
	v29 =	vor.u32 v29, v30  }
0xd3: {  	v21 =	vld.idx.msk [tilespmem:v58+s6+$0x0], $0xffff;
	v36 =	vor.u32 v2, v63;
	v27 =	vmul.f32 v19, v27;
	v28 =	vadd.f32 v20, v45  }
0xd4: {  	s15 =	simm.s32 $0x7460;
	v62 =	vor.u32 v31, v60;
	v37 =	vor.u32 v2, v29;
	v32 =	vor.u32 v0, v29;
	v19 =	vld.idx.msk [tilespmem:v41+s6+$0x0], $0xffff  }
0xd5: {  	[tilespmem:s15+$0x10] =	vst v51;
	v31 =	vor.u32 v3, v29;
	v41 =	vcvt.s32.f32 v24;
	v24 =	vld.idx.msk [tilespmem:v39+s6+$0x0], $0xffff;
	v45 =	vadd.f32 v27, v28  }
0xd6: {  	s17 =	simm.s32 $0x74A0;
	v29 =	vor.u32 v0, v63;
	v38 =	vor.u32 v2, v62;
	v30 =	vor.u32 v0, v62;
	v20 =	vld.idx.msk [tilespmem:v22+s6+$0x0], $0xffff  }
0xd7: {  	s18 =	simm.s32 $0x8;
	s19 =	simm.s32 $0x34E0;
	v39 =	vcvt.s32.f32 v47;
	v22 =	vld.idx.msk [tilespmem:v43+s6+$0x0], $0xffff;
	v28 =	vor.u32 v3, v62;
	v27 =	vor.u32 v3, v63;
	[tilespmem:s17+$0x10] =	vst v45  }
.LBB2_6:
0xd8: {  	v42 =	vld [tilespmem:s19+$0x10];
	v17 =	vsub.f32 v17, v41;
	v26 =	vcvt.s32.f32 v33;
	v33 =	vcvt.s32.f32 v35;
	s14 =	sadd.s32 $0x40, s14  }
0xd9: {  	s18 =	sadd.s32 $0x4, s18;
	v34 =	vcvt.s32.f32 v34;
	v35 =	vld [tilespmem:s14+$0x10];
	v13 =	vsub.f32 v13, v40;
	v15 =	vsub.f32 v15, v39;
	[tilespmem:s16+$0x0] =	vst v25;
	s16 =	smov.u32 s15;
	s15 =	smov.u32 s17  }
0xda: {  	v16 =	vmul.f32 v4, v16;
	v14 =	vmul.f32 v8, v14;
	p0 =	slt.u32 s18, $0xFC;
	v39 =	vld [tilespmem:s14+$0xFFFFFFE0];
	v10 =	vsub.f32 v10, v26;
	v4 =	vmovc v17  }
0xdb: {  	v18 =	vmul.f32 v5, v18;
	v11 =	vsub.f32 v11, v33;
	v12 =	vsub.f32 v12, v34;
	v17 =	vld [tilespmem:s19+$0xFFFFFFF0];
	v8 =	vmovc v13  }
0xdc: {  	v16 =	vadd.f32 v16, v19;
	v19 =	vmul.f32 v7, v20;
	v20 =	vadd.f32 v14, v21;
	v5 =	vmovc v15;
	v13 =	vld [tilespmem:s14+$0xFFFFFFF0]  }
0xdd: {  	v21 =	vmul.f32 v9, v22;
	v25 =	vadd.f32 v18, v23;
	v26 =	vmul.f32 v6, v24;
	v7 =	vmovc v10;
	v15 =	vld [tilespmem:s19+$0x0]  }
0xde: {  	v9 =	vmovc v11;
	v6 =	vmov v12;
	v10 =	vadd.f32 $1.000000000e+00, v42;
	v22 =	vld [tilespmem:s14+$0x0];
	v14 =	vadd.f32 $1.000000000e+00, v35  }
0xdf: {  	v18 =	vadd.f32 v19, v16;
	v11 =	vld [tilespmem:s19+$0xFFFFFFE0];
	v12 =	vadd.f32 $1.000000000e+00, v39  }
0xe0: {  	v34 =	vmul.f32 $8.000000000e+00, v10;
	v17 =	vadd.f32 $1.000000000e+00, v17;
	v39 =	vmul.f32 $8.000000000e+00, v14;
	v16 =	vld.idx.msk [tilespmem:v37+s6+$0x0], $0xffff  }
0xe1: {  	v10 =	vmul.f32 $8.000000000e+00, v12;
	v12 =	vadd.f32 $1.000000000e+00, v13;
	v14 =	vld.idx.msk [tilespmem:v38+s6+$0x0], $0xffff;
	[tilespmem:s16+$0xFFFFFFE0] =	vst v18;
	v13 =	vadd.f32 v21, v20  }
0xe2: {  	v19 =	vtrunc.f32 v34;
	v15 =	vadd.f32 $1.000000000e+00, v15;
	v20 =	vtrunc.f32 v39;
	v18 =	vld.idx.msk [tilespmem:v36+s6+$0x0], $0xffff  }
0xe3: {  	v23 =	vadd.f32 $1.000000000e+00, v22;
	v22 =	vcvt.f32.s32 v19;
	v24 =	vcvt.f32.s32 v20;
	v19 =	vld.idx.msk [tilespmem:v32+s6+$0x0], $0xffff;
	[tilespmem:s16+$0xFFFFFFF0] =	vst v13  }
0xe4: {  	v13 =	vmul.f32 $8.000000000e+00, v17;
	v32 =	vadd.f32 $1.000000000e+00, v11;
	v11 =	vmul.f32 $8.000000000e+00, v12;
	v20 =	vld.idx.msk [tilespmem:v31+s6+$0x0], $0xffff  }
0xe5: {  	v15 =	vmul.f32 $8.000000000e+00, v15;
	vm0 =	vgt.s32 v22, $0x0;
	vm1 =	vgt.s32 v24, $0x0;
	v21 =	vld.idx.msk [tilespmem:v30+s6+$0x0], $0xffff  }
0xe6: {  	v17 =	vmul.f32 $8.000000000e+00, v32;
	v30 =	vnsel vm0, $0x0, v22;
	v24 =	vnsel vm1, $0x0, v24;
	v22 =	vld.idx.msk [tilespmem:v28+s6+$0x0], $0xffff  }
0xe7: {  	v12 =	vmul.f32 $8.000000000e+00, v23;
	v28 =	vmin.u32 v30, $0xF;
	v30 =	vmin.u32 v24, $0xF;
	v23 =	vld.idx.msk [tilespmem:v29+s6+$0x0], $0xffff  }
0xe8: {  	v29 =	vtrunc.f32 v17;
	v31 =	vshll.u32 v28, $0x8;
	v32 =	vshll.u32 v30, $0x4;
	v24 =	vld.idx.msk [tilespmem:v27+s6+$0x0], $0xffff  }
0xe9: {  	v33 =	vtrunc.f32 v13;
	v27 =	vtrunc.f32 v10;
	v31 =	vor.u32 v31, v32  }
0xea: {  	v35 =	vtrunc.f32 v15;
	v32 =	vtrunc.f32 v11;
	v36 =	vor.u32 v2, v31  }
0xeb: {  	v37 =	vtrunc.f32 v12;
	v29 =	vcvt.f32.s32 v29;
	v38 =	vor.u32 v0, v31  }
0xec: {  	v33 =	vcvt.f32.s32 v33;
	v27 =	vcvt.f32.s32 v27;
	v31 =	vor.u32 v3, v31  }
0xed: {  	v35 =	vcvt.f32.s32 v35;
	v32 =	vcvt.f32.s32 v32;
	vm0 =	vgt.s32 v29, $0x0  }
0xee: {  	vm2 =	vgt.s32 v33, $0x0;
	v37 =	vcvt.f32.s32 v37;
	vm1 =	vgt.s32 v27, $0x0  }
0xef: {  	vm3 =	vgt.s32 v35, $0x0;
	v29 =	vnsel vm0, $0x0, v29;
	vm0 =	vgt.s32 v32, $0x0;
	v36 =	vld.idx.msk [tilespmem:v36+s6+$0x0], $0xffff  }
0xf0: {  	v40 =	vnsel vm2, $0x0, v33;
	v27 =	vnsel vm1, $0x0, v27;
	vm1 =	vgt.s32 v37, $0x0;
	v38 =	vld.idx.msk [tilespmem:v38+s6+$0x0], $0xffff  }
0xf1: {  	v28 =	vcvt.s32.f32 v28;
	v41 =	vnsel vm3, $0x0, v35;
	v32 =	vnsel vm0, $0x0, v32;
	v31 =	vld.idx.msk [tilespmem:v31+s6+$0x0], $0xffff  }
0xf2: {  	v29 =	vmin.u32 v29, $0xF;
	v33 =	vmin.u32 v27, $0xF;
	v27 =	vnsel vm1, $0x0, v37  }
0xf3: {  	v30 =	vcvt.s32.f32 v30;
	v40 =	vmin.u32 v40, $0xF;
	v28 =	vsub.f32 v34, v28  }
0xf4: {  	v42 =	vmin.u32 v41, $0xF;
	v35 =	vmin.u32 v32, $0xF;
	v34 =	vmin.u32 v27, $0xF  }
0xf5: {  	v30 =	vsub.f32 v39, v30;
	v27 =	vshll.u32 v29, $0x8;
	v28 =	vmul.f32 v28, v36  }
0xf6: {  	v32 =	vshll.u32 v33, $0x4;
	v37 =	vshll.u32 v35, $0x4;
	v36 =	vshll.u32 v40, $0x8  }
0xf7: {  	v39 =	vshll.u32 v42, $0x8;
	v28 =	vadd.f32 v28, v38;
	v30 =	vmul.f32 v30, v31  }
0xf8: {  	v27 =	vor.u32 v27, v32;
	v41 =	vor.u32 v36, v37;
	v31 =	vshll.u32 v34, $0x4  }
.Ltmp2:
0xf9: {  	v37 =	vor.u32 v2, v27;
	v39 =	vor.u32 v39, v31;
	v43 =	vadd.f32 v30, v28;
	(pc) =	sbr.rel @p0 .LBB2_6-.Ltmp2, $4  }
0xfa: {  	s17 =	sadd.s32 $0x40, s17;
	v32 =	vor.u32 v0, v27;
	v38 =	vor.u32 v2, v41;
	v36 =	vor.u32 v2, v39  }
0xfb: {  	v31 =	vor.u32 v3, v27;
	v30 =	vor.u32 v0, v41;
	v28 =	vor.u32 v3, v41;
	[tilespmem:s17+$0x10] =	vst v43  }
0xfc: {  	v41 =	vcvt.s32.f32 v29;
	v29 =	vor.u32 v0, v39;
	v27 =	vor.u32 v3, v39  }
0xfd: {  	v25 =	vadd.f32 v26, v25;
	s19 =	sadd.s32 $0x40, s19;
	v40 =	vcvt.s32.f32 v40;
	v39 =	vcvt.s32.f32 v42  }
0xfe: {  	_ =	sdelay $0x3  }
0xff: {  	v26 =	vld.idx.msk [tilespmem:v37+s6+$0x0], $0xffff  }
0x100: {  	v51 =	vld.idx.msk [tilespmem:v38+s6+$0x0], $0xffff  }
0x101: {  	v36 =	vld.idx.msk [tilespmem:v36+s6+$0x0], $0xffff  }
0x102: {  	v32 =	vld.idx.msk [tilespmem:v32+s6+$0x0], $0xffff;
	v33 =	vcvt.s32.f32 v33;
	v35 =	vcvt.s32.f32 v35  }
0x103: {  	v31 =	vld.idx.msk [tilespmem:v31+s6+$0x0], $0xffff;
	v34 =	vcvt.s32.f32 v34;
	v4 =	vmul.f32 v4, v16  }
0x104: {  	v17 =	vsub.f32 v17, v41;
	v16 =	vld.idx.msk [tilespmem:v30+s6+$0x0], $0xffff;
	v8 =	vmul.f32 v8, v14;
	v5 =	vmul.f32 v5, v18  }
0x105: {  	v14 =	vld.idx.msk [tilespmem:v28+s6+$0x0], $0xffff;
	v7 =	vmul.f32 v7, v20;
	v13 =	vsub.f32 v13, v40;
	v15 =	vsub.f32 v15, v39  }
0x106: {  	v18 =	vld.idx.msk [tilespmem:v29+s6+$0x0], $0xffff;
	v9 =	vmul.f32 v9, v22;
	v10 =	vsub.f32 v10, v33;
	v11 =	vsub.f32 v11, v35  }
0x107: {  	v6 =	vmul.f32 v6, v24;
	v4 =	vadd.f32 v4, v19;
	v8 =	vadd.f32 v8, v21;
	v19 =	vld.idx.msk [tilespmem:v27+s6+$0x0], $0xffff  }
0x108: {  	v12 =	vsub.f32 v12, v34;
	v5 =	vadd.f32 v5, v23;
	v17 =	vmul.f32 v17, v26  }
0x109: {  	v4 =	vadd.f32 v7, v4;
	v7 =	vadd.f32 v9, v8;
	v8 =	vmul.f32 v13, v51  }
0x10a: {  	[tilespmem:s16+$0x0] =	vst v25;
	v9 =	vmul.f32 v15, v36;
	v10 =	vmul.f32 v10, v31;
	v13 =	vadd.f32 v17, v32  }
0x10b: {  	[tilespmem:s15+$0xFFFFFFE0] =	vst v4;
	v4 =	vadd.f32 v6, v5;
	v6 =	vmul.f32 v11, v14;
	v5 =	vadd.f32 v8, v16  }
0x10c: {  	[tilespmem:s15+$0xFFFFFFF0] =	vst v7;
	v7 =	vadd.f32 v9, v18;
	v8 =	vmul.f32 v12, v19;
	v9 =	vadd.f32 v10, v13  }
0x10d: {  	[tilespmem:s15+$0x0] =	vst v4;
	v4 =	vadd.f32 v6, v5  }
0x10e: {  	v5 =	vadd.f32 v8, v7;
	[tilespmem:s17+$0xFFFFFFE0] =	vst v9  }
0x10f: {  	[tilespmem:s17+$0xFFFFFFF0] =	vst v4  }
0x110: {  	[tilespmem:s17+$0x0] =	vst v5  }
0x111: {  	s14 =	rddreg [dreg:$0x9]  }
0x112: {  	[hbm4b:s14+s1] =	stream.linear.scatter [tilespmem:s7], [sflag:$0x5], $0x1000, $0x38;
	[tilespmem:$0x9400] =	vst v63  }
0x113: {  	_ =	swait.ge [sflag:s8], $0x1000  }
0x114: {  	[sflag:s8] =	ssyncset.done $0x0  }
0x115: {  	[sflag:s8] =	ssyncadd.s32 $0xFFFFF000  }
0x116: {  	_ =	swait.ge [sflag:s9], $0x1000  }
0x117: {  	[sflag:s9] =	ssyncset.done $0x0  }
0x118: {  	s18 =	rddreg [dreg:$0xa];
	[sflag:s9] =	ssyncadd.s32 $0xFFFFF000  }
0x119: {  	[tilespmem:s31], [sflag:$0x1] =	stream.linear.gather [hbm4b:s18+s1], $0x1000, $0x38;
	[tilespmem:$0x9400] =	vst v63  }
0x11a: {  	s15 =	simm.s32 $0x4420;
	s19 =	rddreg [dreg:$0xb]  }
0x11b: {  	[tilespmem:s20], [sflag:$0x3] =	stream.linear.gather [hbm4b:s19+s1], $0x1000, $0x38;
	[tilespmem:$0x9400] =	vst v63  }
0x11c: {  	s16 =	simm.s32 $0x6420;
	v4 =	vld [tilespmem:s15+$0x10]  }
0x11d: {  	v5 =	vld [tilespmem:s16+$0x10]  }
0x11e: {  	v6 =	vld [tilespmem:s16+$0xFFFFFFE0]  }
0x11f: {  	v7 =	vld [tilespmem:s15+$0xFFFFFFF0]  }
0x120: {  	v8 =	vld [tilespmem:s16+$0xFFFFFFF0]  }
0x121: {  	v9 =	vld [tilespmem:s15+$0x0]  }
0x122: {  	v10 =	vld [tilespmem:s15+$0xFFFFFFE0]  }
0x123: {  	v11 =	vld [tilespmem:s16+$0x0]  }
0x124: {  	v4 =	vadd.f32 $1.000000000e+00, v4;
	v5 =	vadd.f32 $1.000000000e+00, v5  }
0x125: {  	v6 =	vadd.f32 $1.000000000e+00, v6;
	v7 =	vadd.f32 $1.000000000e+00, v7  }
0x126: {  	v8 =	vadd.f32 $1.000000000e+00, v8;
	v9 =	vadd.f32 $1.000000000e+00, v9  }
0x127: {  	v10 =	vadd.f32 $1.000000000e+00, v10;
	v4 =	vmul.f32 $8.000000000e+00, v4;
	v5 =	vmul.f32 $8.000000000e+00, v5  }
0x128: {  	v11 =	vadd.f32 $1.000000000e+00, v11;
	v6 =	vmul.f32 $8.000000000e+00, v6;
	v7 =	vmul.f32 $8.000000000e+00, v7  }
0x129: {  	v8 =	vmul.f32 $8.000000000e+00, v8;
	v9 =	vmul.f32 $8.000000000e+00, v9  }
0x12a: {  	v10 =	vmul.f32 $8.000000000e+00, v10;
	v11 =	vmul.f32 $8.000000000e+00, v11  }
0x12b: {  	v12 =	vtrunc.f32 v4;
	v13 =	vtrunc.f32 v5  }
0x12c: {  	v14 =	vtrunc.f32 v10;
	v17 =	vtrunc.f32 v6  }
0x12d: {  	v18 =	vtrunc.f32 v7;
	v19 =	vtrunc.f32 v9  }
0x12e: {  	v21 =	vtrunc.f32 v11;
	v12 =	vcvt.f32.s32 v12  }
0x12f: {  	v13 =	vcvt.f32.s32 v13;
	v14 =	vcvt.f32.s32 v14  }
0x130: {  	v17 =	vcvt.f32.s32 v17;
	v18 =	vcvt.f32.s32 v18  }
0x131: {  	v19 =	vcvt.f32.s32 v19;
	v21 =	vcvt.f32.s32 v21  }
0x132: {  	vm0 =	vgt.s32 v12, $0x0;
	vm1 =	vgt.s32 v13, $0x0;
	vm6 =	vgt.s32 v14, $0x0  }
0x133: {  	vm7 =	vgt.s32 v17, $0x0;
	v12 =	vnsel vm0, $0x0, v12;
	v13 =	vnsel vm1, $0x0, v13  }
0x134: {  	vm2 =	vgt.s32 v18, $0x0;
	v12 =	vmin.u32 v12, $0xF;
	v13 =	vmin.u32 v13, $0xF  }
0x135: {  	vm3 =	vgt.s32 v19, $0x0;
	v15 =	vshll.u32 v12, $0x8;
	v16 =	vshll.u32 v13, $0x4  }
0x136: {  	vm9 =	vgt.s32 v21, $0x0;
	v14 =	vnsel vm6, $0x0, v14;
	v15 =	vor.u32 v15, v16  }
0x137: {  	v12 =	vcvt.s32.f32 v12;
	v16 =	vtrunc.f32 v8;
	v20 =	vor.u32 v2, v15  }
0x138: {  	v22 =	vor.u32 v0, v15;
	v15 =	vor.u32 v3, v15;
	v16 =	vcvt.f32.s32 v16  }
0x139: {  	v17 =	vnsel vm7, $0x0, v17;
	v4 =	vsub.f32 v4, v12;
	v12 =	vcvt.s32.f32 v13  }
0x13a: {  	s18 =	simm.s32 $0x6460;
	v18 =	vnsel vm2, $0x0, v18;
	v19 =	vnsel vm3, $0x0, v19;
	vm8 =	vgt.s32 v16, $0x0  }
0x13b: {  	v25 =	vld [tilespmem:s18+$0x10];
	v23 =	vmin.u32 v14, $0xF;
	v5 =	vsub.f32 v5, v12;
	v16 =	vnsel vm8, $0x0, v16  }
0x13c: {  	v27 =	vld [tilespmem:s18+$0xFFFFFFE0];
	v13 =	vmin.u32 v16, $0xF;
	v16 =	vmin.u32 v19, $0xF;
	v19 =	vshll.u32 v23, $0x8  }
0x13d: {  	s17 =	simm.s32 $0x4460;
	v23 =	vcvt.s32.f32 v23;
	v14 =	vld.idx.msk [tilespmem:v15+s6+$0x0], $0xffff;
	v15 =	vmin.u32 v17, $0xF;
	v17 =	vnsel vm9, $0x0, v21  }
0x13e: {  	v28 =	vld [tilespmem:s17+$0xFFFFFFF0];
	v21 =	vshll.u32 v13, $0x4;
	v24 =	vshll.u32 v16, $0x8;
	v16 =	vcvt.s32.f32 v16  }
0x13f: {  	v20 =	vld.idx.msk [tilespmem:v20+s6+$0x0], $0xffff;
	v13 =	vcvt.s32.f32 v13;
	v17 =	vmin.u32 v17, $0xF;
	v12 =	vshll.u32 v15, $0x4  }
0x140: {  	v15 =	vcvt.s32.f32 v15;
	v10 =	vsub.f32 v10, v23;
	v23 =	vadd.f32 $1.000000000e+00, v25  }
0x141: {  	v25 =	vadd.f32 $1.000000000e+00, v27;
	v16 =	vsub.f32 v9, v16;
	v9 =	vcvt.s32.f32 v17  }
0x142: {  	v18 =	vmin.u32 v18, $0xF;
	v12 =	vor.u32 v19, v12;
	v13 =	vsub.f32 v8, v13  }
0x143: {  	v22 =	vld.idx.msk [tilespmem:v22+s6+$0x0], $0xffff;
	v15 =	vsub.f32 v6, v15;
	v25 =	vmul.f32 $8.000000000e+00, v25;
	v11 =	vsub.f32 v11, v9  }
0x144: {  	v9 =	vmul.f32 $8.000000000e+00, v23;
	v23 =	vadd.f32 $1.000000000e+00, v28;
	v4 =	vmul.f32 v4, v20  }
0x145: {  	v20 =	vshll.u32 v18, $0x8;
	v5 =	vmul.f32 v5, v14;
	v14 =	vshll.u32 v17, $0x4  }
0x146: {  	v8 =	vld [tilespmem:s17+$0xFFFFFFE0];
	v18 =	vcvt.s32.f32 v18;
	v53 =	vtrunc.f32 v25;
	v19 =	vor.u32 v20, v21  }
0x147: {  	v6 =	vld [tilespmem:s17+$0x0];
	v20 =	vor.u32 v2, v12;
	v21 =	vor.u32 v24, v14;
	v28 =	vtrunc.f32 v9  }
0x148: {  	v23 =	vmul.f32 $8.000000000e+00, v23;
	v33 =	vcvt.f32.s32 v53;
	v4 =	vadd.f32 v4, v22  }
0x149: {  	v17 =	vld [tilespmem:s18+$0x0];
	v22 =	vor.u32 v2, v19;
	v24 =	vor.u32 v2, v21;
	v26 =	vor.u32 v0, v19  }
0x14a: {  	v19 =	vor.u32 v3, v19;
	v29 =	vor.u32 v0, v21;
	v18 =	vsub.f32 v7, v18;
	v7 =	vld [tilespmem:s18+$0xFFFFFFF0]  }
0x14b: {  	v21 =	vor.u32 v3, v21;
	v28 =	vcvt.f32.s32 v28;
	v14 =	vadd.f32 v5, v4;
	v5 =	vld [tilespmem:s17+$0x10]  }
0x14c: {  	v8 =	vadd.f32 $1.000000000e+00, v8;
	v6 =	vadd.f32 $1.000000000e+00, v6;
	v54 =	vtrunc.f32 v23  }
0x14d: {  	vm13 =	vgt.s32 v33, $0x0;
	v4 =	vor.u32 v0, v12;
	v12 =	vor.u32 v3, v12  }
0x14e: {  	vm11 =	vgt.s32 v28, $0x0;
	v33 =	vnsel vm13, $0x0, v33;
	v6 =	vmul.f32 $8.000000000e+00, v6  }
0x14f: {  	v34 =	vcvt.f32.s32 v54;
	v17 =	vadd.f32 $1.000000000e+00, v17;
	v33 =	vmin.u32 v33, $0xF  }
0x150: {  	v7 =	vadd.f32 $1.000000000e+00, v7;
	v56 =	vtrunc.f32 v6;
	v5 =	vadd.f32 $1.000000000e+00, v5  }
0x151: {  	vm14 =	vgt.s32 v34, $0x0;
	v20 =	vld.idx.msk [tilespmem:v20+s6+$0x0], $0xffff;
	v17 =	vmul.f32 $8.000000000e+00, v17;
	v35 =	vcvt.f32.s32 v56  }
0x152: {  	v34 =	vnsel vm14, $0x0, v34;
	v22 =	vld.idx.msk [tilespmem:v22+s6+$0x0], $0xffff;
	v30 =	vmul.f32 $8.000000000e+00, v7;
	v5 =	vmul.f32 $8.000000000e+00, v5  }
0x153: {  	v24 =	vld.idx.msk [tilespmem:v24+s6+$0x0], $0xffff;
	v34 =	vmin.u32 v34, $0xF;
	v7 =	vmul.f32 $8.000000000e+00, v8;
	v58 =	vtrunc.f32 v17  }
0x154: {  	v63 =	vld.idx.msk [tilespmem:v4+s6+$0x0], $0xffff;
	v4 =	vshll.u32 v33, $0x4;
	v37 =	vcvt.f32.s32 v58;
	v27 =	vtrunc.f32 v5  }
0x155: {  	s14 =	simm.s32 $0x64A0;
	v19 =	vld.idx.msk [tilespmem:v19+s6+$0x0], $0xffff;
	vm6 =	vgt.s32 v35, $0x0;
	v55 =	vtrunc.f32 v30;
	v27 =	vcvt.f32.s32 v27  }
0x156: {  	v53 =	vld [tilespmem:s14+$0x10];
	v35 =	vnsel vm6, $0x0, v35;
	v10 =	vmul.f32 v10, v20;
	v32 =	vcvt.f32.s32 v55  }
0x157: {  	vm7 =	vgt.s32 v37, $0x0;
	v60 =	vmin.u32 v35, $0xF;
	vm10 =	vgt.s32 v27, $0x0  }
0x158: {  	v12 =	vld.idx.msk [tilespmem:v12+s6+$0x0], $0xffff;
	v18 =	vmul.f32 v18, v22;
	v8 =	vnsel vm10, $0x0, v27;
	v27 =	vnsel vm11, $0x0, v28  }
0x159: {  	v26 =	vld.idx.msk [tilespmem:v26+s6+$0x0], $0xffff;
	v16 =	vmul.f32 v16, v24;
	v8 =	vmin.u32 v8, $0xF;
	v27 =	vmin.u32 v27, $0xF  }
0x15a: {  	s19 =	simm.s32 $0x44A0;
	v21 =	vld.idx.msk [tilespmem:v21+s6+$0x0], $0xffff;
	v13 =	vmul.f32 v13, v19;
	v31 =	vshll.u32 v8, $0x8;
	v52 =	vshll.u32 v27, $0x4  }
0x15b: {  	v20 =	vld [tilespmem:s19+$0xFFFFFFF0];
	v19 =	vadd.f32 $1.000000000e+00, v53;
	v37 =	vnsel vm7, $0x0, v37;
	v31 =	vor.u32 v31, v52  }
0x15c: {  	v24 =	vld [tilespmem:s19+$0xFFFFFFE0];
	v46 =	vshll.u32 v60, $0x8;
	vm15 =	vgt.s32 v32, $0x0;
	v57 =	vor.u32 v2, v31  }
0x15d: {  	v12 =	vmul.f32 v15, v12;
	v15 =	vld [tilespmem:s19+$0x0];
	v59 =	vor.u32 v0, v31;
	v31 =	vor.u32 v3, v31  }
0x15e: {  	v61 =	vmin.u32 v37, $0xF;
	v10 =	vadd.f32 v10, v63;
	v28 =	vtrunc.f32 v7  }
0x15f: {  	v18 =	vadd.f32 v18, v26;
	v26 =	vmul.f32 v11, v21;
	v28 =	vcvt.f32.s32 v28  }
0x160: {  	v19 =	vmul.f32 $8.000000000e+00, v19;
	v32 =	vnsel vm15, $0x0, v32;
	v21 =	vadd.f32 v12, v10  }
0x161: {  	v12 =	vadd.f32 $1.000000000e+00, v20;
	v8 =	vcvt.s32.f32 v8;
	vm12 =	vgt.s32 v28, $0x0;
	v36 =	vld.idx.msk [tilespmem:v57+s6+$0x0], $0xffff  }
0x162: {  	v24 =	vadd.f32 $1.000000000e+00, v24;
	v15 =	vadd.f32 $1.000000000e+00, v15;
	v28 =	vnsel vm12, $0x0, v28;
	v31 =	vld.idx.msk [tilespmem:v31+s6+$0x0], $0xffff  }
0x163: {  	v5 =	vsub.f32 v5, v8;
	v8 =	vcvt.s32.f32 v27;
	v27 =	vmin.u32 v32, $0xF;
	v38 =	vld.idx.msk [tilespmem:v59+s6+$0x0], $0xffff  }
0x164: {  	v15 =	vmul.f32 $8.000000000e+00, v15;
	v28 =	vmin.u32 v28, $0xF;
	v45 =	vshll.u32 v27, $0x4  }
0x165: {  	v27 =	vcvt.s32.f32 v27;
	v62 =	vshll.u32 v28, $0x8;
	v8 =	vsub.f32 v9, v8  }
0x166: {  	v9 =	vshll.u32 v34, $0x8;
	v54 =	vtrunc.f32 v15;
	v5 =	vmul.f32 v5, v36  }
0x167: {  	v47 =	vor.u32 v9, v45;
	v9 =	vcvt.s32.f32 v60;
	v8 =	vmul.f32 v8, v31  }
0x168: {  	v31 =	vor.u32 v62, v4;
	v4 =	vshll.u32 v61, $0x4;
	v5 =	vadd.f32 v5, v38  }
0x169: {  	v29 =	vld.idx.msk [tilespmem:v29+s6+$0x0], $0xffff;
	v32 =	vcvt.f32.s32 v54;
	v42 =	vor.u32 v2, v47;
	v49 =	vor.u32 v46, v4  }
0x16a: {  	v52 =	vld [tilespmem:s19+$0x10];
	v4 =	vcvt.s32.f32 v28;
	v50 =	vadd.f32 v8, v5;
	v5 =	vcvt.s32.f32 v34  }
0x16b: {  	v58 =	vor.u32 v0, v47;
	v43 =	vor.u32 v3, v47;
	vm14 =	vgt.s32 v32, $0x0  }
0x16c: {  	v4 =	vsub.f32 v7, v4;
	v7 =	vcvt.s32.f32 v33;
	v8 =	vsub.f32 v23, v5;
	v23 =	vld [tilespmem:s14+$0xFFFFFFE0]  }
0x16d: {  	v32 =	vnsel vm14, $0x0, v32;
	v5 =	vsub.f32 v6, v9;
	v6 =	vcvt.s32.f32 v61  }
0x16e: {  	v47 =	vmin.u32 v32, $0xF;
	v7 =	vsub.f32 v25, v7;
	v25 =	vadd.f32 v16, v29  }
0x16f: {  	v48 =	vor.u32 v2, v31;
	v16 =	vadd.f32 $1.000000000e+00, v52;
	v6 =	vsub.f32 v17, v6;
	v17 =	vld [tilespmem:s14+$0xFFFFFFF0]  }
0x170: {  	v51 =	vor.u32 v0, v31;
	v22 =	vor.u32 v3, v31;
	v28 =	vor.u32 v2, v49  }
0x171: {  	v11 =	vld [tilespmem:s14+$0x0];
	v44 =	vor.u32 v0, v49;
	v16 =	vmul.f32 $8.000000000e+00, v16;
	v23 =	vadd.f32 $1.000000000e+00, v23  }
0x172: {  	v39 =	vor.u32 v3, v49;
	v9 =	vsub.f32 v30, v27;
	v61 =	vshll.u32 v47, $0x8  }
0x173: {  	v10 =	vmul.f32 $8.000000000e+00, v23;
	v23 =	vadd.f32 v13, v18;
	v13 =	vtrunc.f32 v16  }
0x174: {  	v17 =	vadd.f32 $1.000000000e+00, v17;
	v18 =	vtrunc.f32 v19;
	v20 =	vcvt.f32.s32 v13  }
0x175: {  	v25 =	vadd.f32 v26, v25;
	v18 =	vcvt.f32.s32 v18;
	v13 =	vmul.f32 $8.000000000e+00, v12  }
0x176: {  	v12 =	vadd.f32 $1.000000000e+00, v11;
	v11 =	vmul.f32 $8.000000000e+00, v17;
	v17 =	vmul.f32 $8.000000000e+00, v24  }
0x177: {  	v30 =	vtrunc.f32 v10;
	vm8 =	vgt.s32 v20, $0x0;
	vm9 =	vgt.s32 v18, $0x0  }
0x178: {  	v12 =	vmul.f32 $8.000000000e+00, v12;
	v20 =	vnsel vm8, $0x0, v20;
	v18 =	vnsel vm9, $0x0, v18  }
0x179: {  	v31 =	vtrunc.f32 v13;
	v20 =	vmin.u32 v20, $0xF;
	v18 =	vmin.u32 v18, $0xF  }
0x17a: {  	v30 =	vcvt.f32.s32 v30;
	v27 =	vshll.u32 v20, $0x8;
	v29 =	vshll.u32 v18, $0x4  }
0x17b: {  	v24 =	vtrunc.f32 v17;
	v31 =	vcvt.f32.s32 v31;
	v27 =	vor.u32 v27, v29  }
0x17c: {  	v24 =	vcvt.f32.s32 v24;
	v56 =	vtrunc.f32 v12;
	v55 =	vor.u32 v2, v27  }
0x17d: {  	vm11 =	vgt.s32 v30, $0x0;
	vm12 =	vgt.s32 v31, $0x0;
	v57 =	vor.u32 v0, v27  }
0x17e: {  	v34 =	vcvt.f32.s32 v56;
	v20 =	vcvt.s32.f32 v20;
	v27 =	vor.u32 v3, v27  }
0x17f: {  	v30 =	vnsel vm11, $0x0, v30;
	v18 =	vcvt.s32.f32 v18;
	v29 =	vtrunc.f32 v11  }
0x180: {  	vm10 =	vgt.s32 v24, $0x0;
	v31 =	vnsel vm12, $0x0, v31;
	v33 =	vmin.u32 v30, $0xF  }
0x181: {  	v29 =	vcvt.f32.s32 v29;
	v24 =	vnsel vm10, $0x0, v24;
	vm15 =	vgt.s32 v34, $0x0;
	v59 =	vld.idx.msk [tilespmem:v55+s6+$0x0], $0xffff  }
0x182: {  	v46 =	vmin.u32 v31, $0xF;
	v20 =	vsub.f32 v16, v20;
	v19 =	vsub.f32 v19, v18;
	v45 =	vld.idx.msk [tilespmem:v57+s6+$0x0], $0xffff  }
0x183: {  	s16 =	simm.s32 $0x8420;
	v30 =	vshll.u32 v33, $0x4;
	v34 =	vnsel vm15, $0x0, v34;
	v24 =	vmin.u32 v24, $0xF;
	v27 =	vld.idx.msk [tilespmem:v27+s6+$0x0], $0xffff  }
0x184: {  	[tilespmem:s16+$0x10] =	vst v14;
	v14 =	vld.idx.msk [tilespmem:v42+s6+$0x0], $0xffff;
	v31 =	vshll.u32 v46, $0x8;
	v40 =	vcvt.s32.f32 v46;
	vm13 =	vgt.s32 v29, $0x0  }
0x185: {  	[tilespmem:s16+$0xFFFFFFF0] =	vst v23;
	v23 =	vld.idx.msk [tilespmem:v44+s6+$0x0], $0xffff;
	v34 =	vmin.u32 v34, $0xF;
	v41 =	vcvt.s32.f32 v24;
	v29 =	vnsel vm13, $0x0, v29  }
0x186: {  	s15 =	simm.s32 $0x8460;
	[tilespmem:s16+$0xFFFFFFE0] =	vst v21;
	v16 =	vld.idx.msk [tilespmem:v48+s6+$0x0], $0xffff;
	v21 =	vshll.u32 v34, $0x4;
	v35 =	vmin.u32 v29, $0xF;
	v20 =	vmul.f32 v20, v59  }
0x187: {  	[tilespmem:s15+$0x10] =	vst v50;
	v18 =	vld.idx.msk [tilespmem:v28+s6+$0x0], $0xffff;
	v29 =	vshll.u32 v24, $0x8;
	v63 =	vor.u32 v61, v21;
	v60 =	vshll.u32 v35, $0x4  }
0x188: {  	v21 =	vld.idx.msk [tilespmem:v58+s6+$0x0], $0xffff;
	v29 =	vor.u32 v29, v30;
	v27 =	vmul.f32 v19, v27;
	v28 =	vadd.f32 v20, v45  }
0x189: {  	v24 =	vld.idx.msk [tilespmem:v39+s6+$0x0], $0xffff;
	v36 =	vor.u32 v2, v63;
	v62 =	vor.u32 v31, v60;
	v37 =	vor.u32 v2, v29  }
0x18a: {  	v32 =	vor.u32 v0, v29;
	v31 =	vor.u32 v3, v29;
	v19 =	vld.idx.msk [tilespmem:v51+s6+$0x0], $0xffff;
	v45 =	vadd.f32 v27, v28  }
0x18b: {  	s17 =	simm.s32 $0x84A0;
	v29 =	vor.u32 v0, v63;
	v38 =	vor.u32 v2, v62;
	v30 =	vor.u32 v0, v62;
	v20 =	vld.idx.msk [tilespmem:v22+s6+$0x0], $0xffff  }
0x18c: {  	s18 =	simm.s32 $0x8;
	s19 =	simm.s32 $0x44E0;
	v39 =	vcvt.s32.f32 v47;
	v22 =	vld.idx.msk [tilespmem:v43+s6+$0x0], $0xffff;
	v28 =	vor.u32 v3, v62;
	v27 =	vor.u32 v3, v63;
	[tilespmem:s17+$0x10] =	vst v45  }
.LBB2_8:
0x18d: {  	v42 =	vld [tilespmem:s19+$0x10];
	v17 =	vsub.f32 v17, v41;
	v26 =	vcvt.s32.f32 v33;
	v33 =	vcvt.s32.f32 v35;
	s14 =	sadd.s32 $0x40, s14  }
0x18e: {  	s18 =	sadd.s32 $0x4, s18;
	v34 =	vcvt.s32.f32 v34;
	v35 =	vld [tilespmem:s14+$0x10];
	v13 =	vsub.f32 v13, v40;
	v15 =	vsub.f32 v15, v39;
	[tilespmem:s16+$0x0] =	vst v25;
	s16 =	smov.u32 s15;
	s15 =	smov.u32 s17  }
0x18f: {  	v16 =	vmul.f32 v4, v16;
	v14 =	vmul.f32 v8, v14;
	p0 =	slt.u32 s18, $0xFC;
	v39 =	vld [tilespmem:s14+$0xFFFFFFE0];
	v10 =	vsub.f32 v10, v26;
	v4 =	vmovc v17  }
0x190: {  	v18 =	vmul.f32 v5, v18;
	v11 =	vsub.f32 v11, v33;
	v12 =	vsub.f32 v12, v34;
	v17 =	vld [tilespmem:s19+$0xFFFFFFF0];
	v8 =	vmovc v13  }
0x191: {  	v16 =	vadd.f32 v16, v19;
	v19 =	vmul.f32 v7, v20;
	v20 =	vadd.f32 v14, v21;
	v5 =	vmovc v15;
	v13 =	vld [tilespmem:s14+$0xFFFFFFF0]  }
0x192: {  	v21 =	vmul.f32 v9, v22;
	v25 =	vadd.f32 v18, v23;
	v26 =	vmul.f32 v6, v24;
	v7 =	vmovc v10;
	v15 =	vld [tilespmem:s19+$0x0]  }
0x193: {  	v9 =	vmovc v11;
	v6 =	vmov v12;
	v10 =	vadd.f32 $1.000000000e+00, v42;
	v22 =	vld [tilespmem:s14+$0x0];
	v14 =	vadd.f32 $1.000000000e+00, v35  }
0x194: {  	v18 =	vadd.f32 v19, v16;
	v11 =	vld [tilespmem:s19+$0xFFFFFFE0];
	v12 =	vadd.f32 $1.000000000e+00, v39  }
0x195: {  	v34 =	vmul.f32 $8.000000000e+00, v10;
	v17 =	vadd.f32 $1.000000000e+00, v17;
	v39 =	vmul.f32 $8.000000000e+00, v14;
	v16 =	vld.idx.msk [tilespmem:v37+s6+$0x0], $0xffff  }
0x196: {  	v10 =	vmul.f32 $8.000000000e+00, v12;
	v12 =	vadd.f32 $1.000000000e+00, v13;
	v14 =	vld.idx.msk [tilespmem:v38+s6+$0x0], $0xffff;
	[tilespmem:s16+$0xFFFFFFE0] =	vst v18;
	v13 =	vadd.f32 v21, v20  }
0x197: {  	v19 =	vtrunc.f32 v34;
	v15 =	vadd.f32 $1.000000000e+00, v15;
	v20 =	vtrunc.f32 v39;
	v18 =	vld.idx.msk [tilespmem:v36+s6+$0x0], $0xffff  }
0x198: {  	v23 =	vadd.f32 $1.000000000e+00, v22;
	v22 =	vcvt.f32.s32 v19;
	v24 =	vcvt.f32.s32 v20;
	v19 =	vld.idx.msk [tilespmem:v32+s6+$0x0], $0xffff;
	[tilespmem:s16+$0xFFFFFFF0] =	vst v13  }
0x199: {  	v13 =	vmul.f32 $8.000000000e+00, v17;
	v32 =	vadd.f32 $1.000000000e+00, v11;
	v11 =	vmul.f32 $8.000000000e+00, v12;
	v20 =	vld.idx.msk [tilespmem:v31+s6+$0x0], $0xffff  }
0x19a: {  	v15 =	vmul.f32 $8.000000000e+00, v15;
	vm0 =	vgt.s32 v22, $0x0;
	vm1 =	vgt.s32 v24, $0x0;
	v21 =	vld.idx.msk [tilespmem:v30+s6+$0x0], $0xffff  }
0x19b: {  	v17 =	vmul.f32 $8.000000000e+00, v32;
	v30 =	vnsel vm0, $0x0, v22;
	v24 =	vnsel vm1, $0x0, v24;
	v22 =	vld.idx.msk [tilespmem:v28+s6+$0x0], $0xffff  }
0x19c: {  	v12 =	vmul.f32 $8.000000000e+00, v23;
	v28 =	vmin.u32 v30, $0xF;
	v30 =	vmin.u32 v24, $0xF;
	v23 =	vld.idx.msk [tilespmem:v29+s6+$0x0], $0xffff  }
0x19d: {  	v29 =	vtrunc.f32 v17;
	v31 =	vshll.u32 v28, $0x8;
	v32 =	vshll.u32 v30, $0x4;
	v24 =	vld.idx.msk [tilespmem:v27+s6+$0x0], $0xffff  }
0x19e: {  	v33 =	vtrunc.f32 v13;
	v27 =	vtrunc.f32 v10;
	v31 =	vor.u32 v31, v32  }
0x19f: {  	v35 =	vtrunc.f32 v15;
	v32 =	vtrunc.f32 v11;
	v36 =	vor.u32 v2, v31  }
0x1a0: {  	v37 =	vtrunc.f32 v12;
	v29 =	vcvt.f32.s32 v29;
	v38 =	vor.u32 v0, v31  }
0x1a1: {  	v33 =	vcvt.f32.s32 v33;
	v27 =	vcvt.f32.s32 v27;
	v31 =	vor.u32 v3, v31  }
0x1a2: {  	v35 =	vcvt.f32.s32 v35;
	v32 =	vcvt.f32.s32 v32;
	vm0 =	vgt.s32 v29, $0x0  }
0x1a3: {  	vm2 =	vgt.s32 v33, $0x0;
	v37 =	vcvt.f32.s32 v37;
	vm1 =	vgt.s32 v27, $0x0  }
0x1a4: {  	vm3 =	vgt.s32 v35, $0x0;
	v29 =	vnsel vm0, $0x0, v29;
	vm0 =	vgt.s32 v32, $0x0;
	v36 =	vld.idx.msk [tilespmem:v36+s6+$0x0], $0xffff  }
0x1a5: {  	v40 =	vnsel vm2, $0x0, v33;
	v27 =	vnsel vm1, $0x0, v27;
	vm1 =	vgt.s32 v37, $0x0;
	v38 =	vld.idx.msk [tilespmem:v38+s6+$0x0], $0xffff  }
0x1a6: {  	v28 =	vcvt.s32.f32 v28;
	v41 =	vnsel vm3, $0x0, v35;
	v32 =	vnsel vm0, $0x0, v32;
	v31 =	vld.idx.msk [tilespmem:v31+s6+$0x0], $0xffff  }
0x1a7: {  	v29 =	vmin.u32 v29, $0xF;
	v33 =	vmin.u32 v27, $0xF;
	v27 =	vnsel vm1, $0x0, v37  }
0x1a8: {  	v30 =	vcvt.s32.f32 v30;
	v40 =	vmin.u32 v40, $0xF;
	v28 =	vsub.f32 v34, v28  }
0x1a9: {  	v42 =	vmin.u32 v41, $0xF;
	v35 =	vmin.u32 v32, $0xF;
	v34 =	vmin.u32 v27, $0xF  }
0x1aa: {  	v30 =	vsub.f32 v39, v30;
	v27 =	vshll.u32 v29, $0x8;
	v28 =	vmul.f32 v28, v36  }
0x1ab: {  	v32 =	vshll.u32 v33, $0x4;
	v37 =	vshll.u32 v35, $0x4;
	v36 =	vshll.u32 v40, $0x8  }
0x1ac: {  	v39 =	vshll.u32 v42, $0x8;
	v28 =	vadd.f32 v28, v38;
	v30 =	vmul.f32 v30, v31  }
0x1ad: {  	v27 =	vor.u32 v27, v32;
	v41 =	vor.u32 v36, v37;
	v31 =	vshll.u32 v34, $0x4  }
.Ltmp3:
0x1ae: {  	v37 =	vor.u32 v2, v27;
	v39 =	vor.u32 v39, v31;
	v43 =	vadd.f32 v30, v28;
	(pc) =	sbr.rel @p0 .LBB2_8-.Ltmp3, $4  }
0x1af: {  	s17 =	sadd.s32 $0x40, s17;
	v32 =	vor.u32 v0, v27;
	v38 =	vor.u32 v2, v41;
	v36 =	vor.u32 v2, v39  }
0x1b0: {  	v31 =	vor.u32 v3, v27;
	v30 =	vor.u32 v0, v41;
	v28 =	vor.u32 v3, v41;
	[tilespmem:s17+$0x10] =	vst v43  }
0x1b1: {  	v41 =	vcvt.s32.f32 v29;
	v29 =	vor.u32 v0, v39;
	v27 =	vor.u32 v3, v39  }
0x1b2: {  	v25 =	vadd.f32 v26, v25;
	s19 =	sadd.s32 $0x40, s19;
	v40 =	vcvt.s32.f32 v40;
	v39 =	vcvt.s32.f32 v42  }
0x1b3: {  	_ =	sdelay $0x3  }
0x1b4: {  	v26 =	vld.idx.msk [tilespmem:v37+s6+$0x0], $0xffff  }
0x1b5: {  	v51 =	vld.idx.msk [tilespmem:v38+s6+$0x0], $0xffff  }
0x1b6: {  	v36 =	vld.idx.msk [tilespmem:v36+s6+$0x0], $0xffff  }
0x1b7: {  	v32 =	vld.idx.msk [tilespmem:v32+s6+$0x0], $0xffff;
	v33 =	vcvt.s32.f32 v33;
	v35 =	vcvt.s32.f32 v35  }
0x1b8: {  	v31 =	vld.idx.msk [tilespmem:v31+s6+$0x0], $0xffff;
	v34 =	vcvt.s32.f32 v34;
	v4 =	vmul.f32 v4, v16  }
0x1b9: {  	v17 =	vsub.f32 v17, v41;
	v16 =	vld.idx.msk [tilespmem:v30+s6+$0x0], $0xffff;
	v8 =	vmul.f32 v8, v14;
	v5 =	vmul.f32 v5, v18  }
0x1ba: {  	v14 =	vld.idx.msk [tilespmem:v28+s6+$0x0], $0xffff;
	v7 =	vmul.f32 v7, v20;
	v13 =	vsub.f32 v13, v40;
	v15 =	vsub.f32 v15, v39  }
0x1bb: {  	v18 =	vld.idx.msk [tilespmem:v29+s6+$0x0], $0xffff;
	v9 =	vmul.f32 v9, v22;
	v10 =	vsub.f32 v10, v33;
	v11 =	vsub.f32 v11, v35  }
0x1bc: {  	v6 =	vmul.f32 v6, v24;
	v4 =	vadd.f32 v4, v19;
	v8 =	vadd.f32 v8, v21;
	v19 =	vld.idx.msk [tilespmem:v27+s6+$0x0], $0xffff  }
0x1bd: {  	v12 =	vsub.f32 v12, v34;
	v5 =	vadd.f32 v5, v23;
	v17 =	vmul.f32 v17, v26  }
0x1be: {  	v4 =	vadd.f32 v7, v4;
	v7 =	vadd.f32 v9, v8;
	v8 =	vmul.f32 v13, v51  }
0x1bf: {  	[tilespmem:s16+$0x0] =	vst v25;
	v9 =	vmul.f32 v15, v36;
	v10 =	vmul.f32 v10, v31;
	v13 =	vadd.f32 v17, v32  }
0x1c0: {  	[tilespmem:s15+$0xFFFFFFE0] =	vst v4;
	v4 =	vadd.f32 v6, v5;
	v6 =	vmul.f32 v11, v14;
	v5 =	vadd.f32 v8, v16  }
0x1c1: {  	[tilespmem:s15+$0xFFFFFFF0] =	vst v7;
	v7 =	vadd.f32 v9, v18;
	v8 =	vmul.f32 v12, v19;
	v9 =	vadd.f32 v10, v13  }
0x1c2: {  	[tilespmem:s15+$0x0] =	vst v4;
	v4 =	vadd.f32 v6, v5  }
0x1c3: {  	v5 =	vadd.f32 v8, v7;
	[tilespmem:s17+$0xFFFFFFE0] =	vst v9  }
0x1c4: {  	[tilespmem:s17+$0xFFFFFFF0] =	vst v4  }
0x1c5: {  	[tilespmem:s17+$0x0] =	vst v5  }
0x1c6: {  	s14 =	rddreg [dreg:$0xc]  }
0x1c7: {  	[hbm4b:s14+s1] =	stream.linear.scatter [tilespmem:s10], [sflag:$0x6], $0x1000, $0x38;
	[tilespmem:$0x9400] =	vst v63  }
0x1c8: {  	_ =	swait.ge [sflag:s2], $0x1000  }
0x1c9: {  	[sflag:s2] =	ssyncset.done $0x0  }
0x1ca: {  	[sflag:s2] =	ssyncadd.s32 $0xFFFFF000  }
0x1cb: {  	_ =	swait.ge [sflag:s3], $0x1000  }
0x1cc: {  	[sflag:s3] =	ssyncset.done $0x0  }
0x1cd: {  	s18 =	rddreg [dreg:$0xd];
	[sflag:s3] =	ssyncadd.s32 $0xFFFFF000  }
0x1ce: {  	[tilespmem:s4], [sflag:$0x2] =	stream.linear.gather [hbm4b:s18+s1], $0x1000, $0x38;
	[tilespmem:$0x9400] =	vst v63  }
0x1cf: {  	s19 =	rddreg [dreg:$0xe]  }
0x1d0: {  	[tilespmem:s5], [sflag:$0x4] =	stream.linear.gather [hbm4b:s19+s1], $0x1000, $0x38;
	[tilespmem:$0x9400] =	vst v63  }
0x1d1: {  	_ =	swait.ge [sflag:s11], $0x1000  }
0x1d2: {  	[sflag:s11] =	ssyncset.done $0x0  }
0x1d3: {  	s15 =	simm.s32 $0x3420;
	[sflag:s11] =	ssyncadd.s32 $0xFFFFF000  }
0x1d4: {  	s16 =	simm.s32 $0x5420;
	v4 =	vld [tilespmem:s15+$0x10]  }
0x1d5: {  	v5 =	vld [tilespmem:s16+$0x10]  }
0x1d6: {  	v6 =	vld [tilespmem:s16+$0xFFFFFFE0]  }
0x1d7: {  	v7 =	vld [tilespmem:s15+$0xFFFFFFF0]  }
0x1d8: {  	v8 =	vld [tilespmem:s16+$0xFFFFFFF0]  }
0x1d9: {  	v9 =	vld [tilespmem:s15+$0x0]  }
0x1da: {  	v10 =	vld [tilespmem:s15+$0xFFFFFFE0]  }
0x1db: {  	v11 =	vld [tilespmem:s16+$0x0]  }
0x1dc: {  	v4 =	vadd.f32 $1.000000000e+00, v4;
	v5 =	vadd.f32 $1.000000000e+00, v5  }
0x1dd: {  	v6 =	vadd.f32 $1.000000000e+00, v6;
	v7 =	vadd.f32 $1.000000000e+00, v7  }
0x1de: {  	v8 =	vadd.f32 $1.000000000e+00, v8;
	v9 =	vadd.f32 $1.000000000e+00, v9  }
0x1df: {  	v10 =	vadd.f32 $1.000000000e+00, v10;
	v4 =	vmul.f32 $8.000000000e+00, v4;
	v5 =	vmul.f32 $8.000000000e+00, v5  }
0x1e0: {  	v11 =	vadd.f32 $1.000000000e+00, v11;
	v6 =	vmul.f32 $8.000000000e+00, v6;
	v7 =	vmul.f32 $8.000000000e+00, v7  }
0x1e1: {  	v8 =	vmul.f32 $8.000000000e+00, v8;
	v9 =	vmul.f32 $8.000000000e+00, v9  }
0x1e2: {  	v10 =	vmul.f32 $8.000000000e+00, v10;
	v11 =	vmul.f32 $8.000000000e+00, v11  }
0x1e3: {  	v12 =	vtrunc.f32 v4;
	v13 =	vtrunc.f32 v5  }
0x1e4: {  	v14 =	vtrunc.f32 v10;
	v17 =	vtrunc.f32 v6  }
0x1e5: {  	v18 =	vtrunc.f32 v7;
	v19 =	vtrunc.f32 v9  }
0x1e6: {  	v21 =	vtrunc.f32 v11;
	v12 =	vcvt.f32.s32 v12  }
0x1e7: {  	v13 =	vcvt.f32.s32 v13;
	v14 =	vcvt.f32.s32 v14  }
0x1e8: {  	v17 =	vcvt.f32.s32 v17;
	v18 =	vcvt.f32.s32 v18  }
0x1e9: {  	v19 =	vcvt.f32.s32 v19;
	v21 =	vcvt.f32.s32 v21  }
0x1ea: {  	vm0 =	vgt.s32 v12, $0x0;
	vm1 =	vgt.s32 v13, $0x0;
	vm6 =	vgt.s32 v14, $0x0  }
0x1eb: {  	vm7 =	vgt.s32 v17, $0x0;
	v12 =	vnsel vm0, $0x0, v12;
	v13 =	vnsel vm1, $0x0, v13  }
0x1ec: {  	vm2 =	vgt.s32 v18, $0x0;
	v12 =	vmin.u32 v12, $0xF;
	v13 =	vmin.u32 v13, $0xF  }
0x1ed: {  	vm3 =	vgt.s32 v19, $0x0;
	v15 =	vshll.u32 v12, $0x8;
	v16 =	vshll.u32 v13, $0x4  }
0x1ee: {  	vm9 =	vgt.s32 v21, $0x0;
	v14 =	vnsel vm6, $0x0, v14;
	v15 =	vor.u32 v15, v16  }
0x1ef: {  	v12 =	vcvt.s32.f32 v12;
	v16 =	vtrunc.f32 v8;
	v20 =	vor.u32 v2, v15  }
0x1f0: {  	v22 =	vor.u32 v0, v15;
	v15 =	vor.u32 v3, v15;
	v16 =	vcvt.f32.s32 v16  }
0x1f1: {  	v17 =	vnsel vm7, $0x0, v17;
	v4 =	vsub.f32 v4, v12;
	v12 =	vcvt.s32.f32 v13  }
0x1f2: {  	s18 =	simm.s32 $0x5460;
	v18 =	vnsel vm2, $0x0, v18;
	v19 =	vnsel vm3, $0x0, v19;
	vm8 =	vgt.s32 v16, $0x0  }
0x1f3: {  	v25 =	vld [tilespmem:s18+$0x10];
	v23 =	vmin.u32 v14, $0xF;
	v5 =	vsub.f32 v5, v12;
	v16 =	vnsel vm8, $0x0, v16  }
0x1f4: {  	v27 =	vld [tilespmem:s18+$0xFFFFFFE0];
	v13 =	vmin.u32 v16, $0xF;
	v16 =	vmin.u32 v19, $0xF;
	v19 =	vshll.u32 v23, $0x8  }
0x1f5: {  	s17 =	simm.s32 $0x3460;
	v23 =	vcvt.s32.f32 v23;
	v14 =	vld.idx.msk [tilespmem:v15+s6+$0x0], $0xffff;
	v15 =	vmin.u32 v17, $0xF;
	v17 =	vnsel vm9, $0x0, v21  }
0x1f6: {  	v28 =	vld [tilespmem:s17+$0xFFFFFFF0];
	v21 =	vshll.u32 v13, $0x4;
	v24 =	vshll.u32 v16, $0x8;
	v16 =	vcvt.s32.f32 v16  }
0x1f7: {  	v20 =	vld.idx.msk [tilespmem:v20+s6+$0x0], $0xffff;
	v13 =	vcvt.s32.f32 v13;
	v17 =	vmin.u32 v17, $0xF;
	v12 =	vshll.u32 v15, $0x4  }
0x1f8: {  	v15 =	vcvt.s32.f32 v15;
	v10 =	vsub.f32 v10, v23;
	v23 =	vadd.f32 $1.000000000e+00, v25  }
0x1f9: {  	v25 =	vadd.f32 $1.000000000e+00, v27;
	v16 =	vsub.f32 v9, v16;
	v9 =	vcvt.s32.f32 v17  }
0x1fa: {  	v18 =	vmin.u32 v18, $0xF;
	v12 =	vor.u32 v19, v12;
	v13 =	vsub.f32 v8, v13  }
0x1fb: {  	v22 =	vld.idx.msk [tilespmem:v22+s6+$0x0], $0xffff;
	v15 =	vsub.f32 v6, v15;
	v25 =	vmul.f32 $8.000000000e+00, v25;
	v11 =	vsub.f32 v11, v9  }
0x1fc: {  	v9 =	vmul.f32 $8.000000000e+00, v23;
	v23 =	vadd.f32 $1.000000000e+00, v28;
	v4 =	vmul.f32 v4, v20  }
0x1fd: {  	v20 =	vshll.u32 v18, $0x8;
	v5 =	vmul.f32 v5, v14;
	v14 =	vshll.u32 v17, $0x4  }
0x1fe: {  	v8 =	vld [tilespmem:s17+$0xFFFFFFE0];
	v18 =	vcvt.s32.f32 v18;
	v53 =	vtrunc.f32 v25;
	v19 =	vor.u32 v20, v21  }
0x1ff: {  	v6 =	vld [tilespmem:s17+$0x0];
	v20 =	vor.u32 v2, v12;
	v21 =	vor.u32 v24, v14;
	v28 =	vtrunc.f32 v9  }
0x200: {  	v23 =	vmul.f32 $8.000000000e+00, v23;
	v33 =	vcvt.f32.s32 v53;
	v4 =	vadd.f32 v4, v22  }
0x201: {  	v17 =	vld [tilespmem:s18+$0x0];
	v22 =	vor.u32 v2, v19;
	v24 =	vor.u32 v2, v21;
	v26 =	vor.u32 v0, v19  }
0x202: {  	v19 =	vor.u32 v3, v19;
	v29 =	vor.u32 v0, v21;
	v18 =	vsub.f32 v7, v18;
	v7 =	vld [tilespmem:s18+$0xFFFFFFF0]  }
0x203: {  	v21 =	vor.u32 v3, v21;
	v28 =	vcvt.f32.s32 v28;
	v14 =	vadd.f32 v5, v4;
	v5 =	vld [tilespmem:s17+$0x10]  }
0x204: {  	v8 =	vadd.f32 $1.000000000e+00, v8;
	v6 =	vadd.f32 $1.000000000e+00, v6;
	v54 =	vtrunc.f32 v23  }
0x205: {  	vm13 =	vgt.s32 v33, $0x0;
	v4 =	vor.u32 v0, v12;
	v12 =	vor.u32 v3, v12  }
0x206: {  	vm11 =	vgt.s32 v28, $0x0;
	v33 =	vnsel vm13, $0x0, v33;
	v6 =	vmul.f32 $8.000000000e+00, v6  }
0x207: {  	v34 =	vcvt.f32.s32 v54;
	v17 =	vadd.f32 $1.000000000e+00, v17;
	v33 =	vmin.u32 v33, $0xF  }
0x208: {  	v7 =	vadd.f32 $1.000000000e+00, v7;
	v56 =	vtrunc.f32 v6;
	v5 =	vadd.f32 $1.000000000e+00, v5  }
0x209: {  	vm14 =	vgt.s32 v34, $0x0;
	v20 =	vld.idx.msk [tilespmem:v20+s6+$0x0], $0xffff;
	v17 =	vmul.f32 $8.000000000e+00, v17;
	v35 =	vcvt.f32.s32 v56  }
0x20a: {  	v34 =	vnsel vm14, $0x0, v34;
	v22 =	vld.idx.msk [tilespmem:v22+s6+$0x0], $0xffff;
	v30 =	vmul.f32 $8.000000000e+00, v7;
	v5 =	vmul.f32 $8.000000000e+00, v5  }
0x20b: {  	v24 =	vld.idx.msk [tilespmem:v24+s6+$0x0], $0xffff;
	v34 =	vmin.u32 v34, $0xF;
	v7 =	vmul.f32 $8.000000000e+00, v8;
	v58 =	vtrunc.f32 v17  }
0x20c: {  	v63 =	vld.idx.msk [tilespmem:v4+s6+$0x0], $0xffff;
	v4 =	vshll.u32 v33, $0x4;
	v37 =	vcvt.f32.s32 v58;
	v27 =	vtrunc.f32 v5  }
0x20d: {  	s14 =	simm.s32 $0x54A0;
	v19 =	vld.idx.msk [tilespmem:v19+s6+$0x0], $0xffff;
	vm6 =	vgt.s32 v35, $0x0;
	v55 =	vtrunc.f32 v30;
	v27 =	vcvt.f32.s32 v27  }
0x20e: {  	v53 =	vld [tilespmem:s14+$0x10];
	v35 =	vnsel vm6, $0x0, v35;
	v10 =	vmul.f32 v10, v20;
	v32 =	vcvt.f32.s32 v55  }
0x20f: {  	vm7 =	vgt.s32 v37, $0x0;
	v60 =	vmin.u32 v35, $0xF;
	vm10 =	vgt.s32 v27, $0x0  }
0x210: {  	v12 =	vld.idx.msk [tilespmem:v12+s6+$0x0], $0xffff;
	v18 =	vmul.f32 v18, v22;
	v8 =	vnsel vm10, $0x0, v27;
	v27 =	vnsel vm11, $0x0, v28  }
0x211: {  	v26 =	vld.idx.msk [tilespmem:v26+s6+$0x0], $0xffff;
	v16 =	vmul.f32 v16, v24;
	v8 =	vmin.u32 v8, $0xF;
	v27 =	vmin.u32 v27, $0xF  }
0x212: {  	s19 =	simm.s32 $0x34A0;
	v21 =	vld.idx.msk [tilespmem:v21+s6+$0x0], $0xffff;
	v13 =	vmul.f32 v13, v19;
	v31 =	vshll.u32 v8, $0x8;
	v52 =	vshll.u32 v27, $0x4  }
0x213: {  	v20 =	vld [tilespmem:s19+$0xFFFFFFF0];
	v19 =	vadd.f32 $1.000000000e+00, v53;
	v37 =	vnsel vm7, $0x0, v37;
	v31 =	vor.u32 v31, v52  }
0x214: {  	v24 =	vld [tilespmem:s19+$0xFFFFFFE0];
	v46 =	vshll.u32 v60, $0x8;
	vm15 =	vgt.s32 v32, $0x0;
	v57 =	vor.u32 v2, v31  }
0x215: {  	v12 =	vmul.f32 v15, v12;
	v15 =	vld [tilespmem:s19+$0x0];
	v59 =	vor.u32 v0, v31;
	v31 =	vor.u32 v3, v31  }
0x216: {  	v61 =	vmin.u32 v37, $0xF;
	v10 =	vadd.f32 v10, v63;
	v28 =	vtrunc.f32 v7  }
0x217: {  	v18 =	vadd.f32 v18, v26;
	v26 =	vmul.f32 v11, v21;
	v28 =	vcvt.f32.s32 v28  }
0x218: {  	v19 =	vmul.f32 $8.000000000e+00, v19;
	v32 =	vnsel vm15, $0x0, v32;
	v21 =	vadd.f32 v12, v10  }
0x219: {  	v12 =	vadd.f32 $1.000000000e+00, v20;
	v8 =	vcvt.s32.f32 v8;
	vm12 =	vgt.s32 v28, $0x0;
	v36 =	vld.idx.msk [tilespmem:v57+s6+$0x0], $0xffff  }
0x21a: {  	v24 =	vadd.f32 $1.000000000e+00, v24;
	v15 =	vadd.f32 $1.000000000e+00, v15;
	v28 =	vnsel vm12, $0x0, v28;
	v31 =	vld.idx.msk [tilespmem:v31+s6+$0x0], $0xffff  }
0x21b: {  	v5 =	vsub.f32 v5, v8;
	v8 =	vcvt.s32.f32 v27;
	v27 =	vmin.u32 v32, $0xF;
	v38 =	vld.idx.msk [tilespmem:v59+s6+$0x0], $0xffff  }
0x21c: {  	v15 =	vmul.f32 $8.000000000e+00, v15;
	v28 =	vmin.u32 v28, $0xF;
	v45 =	vshll.u32 v27, $0x4  }
0x21d: {  	v27 =	vcvt.s32.f32 v27;
	v62 =	vshll.u32 v28, $0x8;
	v8 =	vsub.f32 v9, v8  }
0x21e: {  	v9 =	vshll.u32 v34, $0x8;
	v54 =	vtrunc.f32 v15;
	v5 =	vmul.f32 v5, v36  }
0x21f: {  	v47 =	vor.u32 v9, v45;
	v9 =	vcvt.s32.f32 v60;
	v8 =	vmul.f32 v8, v31  }
0x220: {  	v31 =	vor.u32 v62, v4;
	v4 =	vshll.u32 v61, $0x4;
	v5 =	vadd.f32 v5, v38  }
0x221: {  	v29 =	vld.idx.msk [tilespmem:v29+s6+$0x0], $0xffff;
	v32 =	vcvt.f32.s32 v54;
	v42 =	vor.u32 v2, v47;
	v49 =	vor.u32 v46, v4  }
0x222: {  	v52 =	vld [tilespmem:s19+$0x10];
	v4 =	vcvt.s32.f32 v28;
	v50 =	vadd.f32 v8, v5;
	v5 =	vcvt.s32.f32 v34  }
0x223: {  	v58 =	vor.u32 v0, v47;
	v43 =	vor.u32 v3, v47;
	vm14 =	vgt.s32 v32, $0x0  }
0x224: {  	v4 =	vsub.f32 v7, v4;
	v7 =	vcvt.s32.f32 v33;
	v8 =	vsub.f32 v23, v5;
	v23 =	vld [tilespmem:s14+$0xFFFFFFE0]  }
0x225: {  	v32 =	vnsel vm14, $0x0, v32;
	v5 =	vsub.f32 v6, v9;
	v6 =	vcvt.s32.f32 v61  }
0x226: {  	v47 =	vmin.u32 v32, $0xF;
	v7 =	vsub.f32 v25, v7;
	v25 =	vadd.f32 v16, v29  }
0x227: {  	v48 =	vor.u32 v2, v31;
	v16 =	vadd.f32 $1.000000000e+00, v52;
	v6 =	vsub.f32 v17, v6;
	v17 =	vld [tilespmem:s14+$0xFFFFFFF0]  }
0x228: {  	v51 =	vor.u32 v0, v31;
	v22 =	vor.u32 v3, v31;
	v28 =	vor.u32 v2, v49  }
0x229: {  	v11 =	vld [tilespmem:s14+$0x0];
	v44 =	vor.u32 v0, v49;
	v16 =	vmul.f32 $8.000000000e+00, v16;
	v23 =	vadd.f32 $1.000000000e+00, v23  }
0x22a: {  	v39 =	vor.u32 v3, v49;
	v9 =	vsub.f32 v30, v27;
	v61 =	vshll.u32 v47, $0x8  }
0x22b: {  	v10 =	vmul.f32 $8.000000000e+00, v23;
	v23 =	vadd.f32 v13, v18;
	v13 =	vtrunc.f32 v16  }
0x22c: {  	v17 =	vadd.f32 $1.000000000e+00, v17;
	v18 =	vtrunc.f32 v19;
	v20 =	vcvt.f32.s32 v13  }
0x22d: {  	v25 =	vadd.f32 v26, v25;
	v18 =	vcvt.f32.s32 v18;
	v13 =	vmul.f32 $8.000000000e+00, v12  }
0x22e: {  	v12 =	vadd.f32 $1.000000000e+00, v11;
	v11 =	vmul.f32 $8.000000000e+00, v17;
	v17 =	vmul.f32 $8.000000000e+00, v24  }
0x22f: {  	v30 =	vtrunc.f32 v10;
	vm8 =	vgt.s32 v20, $0x0;
	vm9 =	vgt.s32 v18, $0x0  }
0x230: {  	v12 =	vmul.f32 $8.000000000e+00, v12;
	v20 =	vnsel vm8, $0x0, v20;
	v18 =	vnsel vm9, $0x0, v18  }
0x231: {  	v31 =	vtrunc.f32 v13;
	v20 =	vmin.u32 v20, $0xF;
	v18 =	vmin.u32 v18, $0xF  }
0x232: {  	v30 =	vcvt.f32.s32 v30;
	v27 =	vshll.u32 v20, $0x8;
	v29 =	vshll.u32 v18, $0x4  }
0x233: {  	v24 =	vtrunc.f32 v17;
	v31 =	vcvt.f32.s32 v31;
	v27 =	vor.u32 v27, v29  }
0x234: {  	v24 =	vcvt.f32.s32 v24;
	v56 =	vtrunc.f32 v12;
	v55 =	vor.u32 v2, v27  }
0x235: {  	vm11 =	vgt.s32 v30, $0x0;
	vm12 =	vgt.s32 v31, $0x0;
	v57 =	vor.u32 v0, v27  }
0x236: {  	v34 =	vcvt.f32.s32 v56;
	v20 =	vcvt.s32.f32 v20;
	v27 =	vor.u32 v3, v27  }
0x237: {  	v30 =	vnsel vm11, $0x0, v30;
	v18 =	vcvt.s32.f32 v18;
	v29 =	vtrunc.f32 v11  }
0x238: {  	vm10 =	vgt.s32 v24, $0x0;
	v31 =	vnsel vm12, $0x0, v31;
	v33 =	vmin.u32 v30, $0xF  }
0x239: {  	v29 =	vcvt.f32.s32 v29;
	v24 =	vnsel vm10, $0x0, v24;
	vm15 =	vgt.s32 v34, $0x0;
	v59 =	vld.idx.msk [tilespmem:v55+s6+$0x0], $0xffff  }
0x23a: {  	v46 =	vmin.u32 v31, $0xF;
	v20 =	vsub.f32 v16, v20;
	v19 =	vsub.f32 v19, v18;
	v45 =	vld.idx.msk [tilespmem:v57+s6+$0x0], $0xffff  }
0x23b: {  	s16 =	simm.s32 $0x7420;
	v30 =	vshll.u32 v33, $0x4;
	v34 =	vnsel vm15, $0x0, v34;
	v24 =	vmin.u32 v24, $0xF;
	v27 =	vld.idx.msk [tilespmem:v27+s6+$0x0], $0xffff  }
0x23c: {  	[tilespmem:s16+$0x10] =	vst v14;
	v14 =	vld.idx.msk [tilespmem:v42+s6+$0x0], $0xffff;
	v31 =	vshll.u32 v46, $0x8;
	v40 =	vcvt.s32.f32 v46;
	vm13 =	vgt.s32 v29, $0x0  }
0x23d: {  	[tilespmem:s16+$0xFFFFFFF0] =	vst v23;
	v23 =	vld.idx.msk [tilespmem:v44+s6+$0x0], $0xffff;
	v34 =	vmin.u32 v34, $0xF;
	v41 =	vcvt.s32.f32 v24;
	v29 =	vnsel vm13, $0x0, v29  }
0x23e: {  	s15 =	simm.s32 $0x7460;
	[tilespmem:s16+$0xFFFFFFE0] =	vst v21;
	v16 =	vld.idx.msk [tilespmem:v48+s6+$0x0], $0xffff;
	v21 =	vshll.u32 v34, $0x4;
	v35 =	vmin.u32 v29, $0xF;
	v20 =	vmul.f32 v20, v59  }
0x23f: {  	[tilespmem:s15+$0x10] =	vst v50;
	v18 =	vld.idx.msk [tilespmem:v28+s6+$0x0], $0xffff;
	v29 =	vshll.u32 v24, $0x8;
	v63 =	vor.u32 v61, v21;
	v60 =	vshll.u32 v35, $0x4  }
0x240: {  	v21 =	vld.idx.msk [tilespmem:v58+s6+$0x0], $0xffff;
	v29 =	vor.u32 v29, v30;
	v27 =	vmul.f32 v19, v27;
	v28 =	vadd.f32 v20, v45  }
0x241: {  	v24 =	vld.idx.msk [tilespmem:v39+s6+$0x0], $0xffff;
	v36 =	vor.u32 v2, v63;
	v62 =	vor.u32 v31, v60;
	v37 =	vor.u32 v2, v29  }
0x242: {  	v32 =	vor.u32 v0, v29;
	v31 =	vor.u32 v3, v29;
	v19 =	vld.idx.msk [tilespmem:v51+s6+$0x0], $0xffff;
	v45 =	vadd.f32 v27, v28  }
0x243: {  	s17 =	simm.s32 $0x74A0;
	v29 =	vor.u32 v0, v63;
	v38 =	vor.u32 v2, v62;
	v30 =	vor.u32 v0, v62;
	v20 =	vld.idx.msk [tilespmem:v22+s6+$0x0], $0xffff  }
0x244: {  	s18 =	simm.s32 $0x8;
	s19 =	simm.s32 $0x34E0;
	v39 =	vcvt.s32.f32 v47;
	v22 =	vld.idx.msk [tilespmem:v43+s6+$0x0], $0xffff;
	v28 =	vor.u32 v3, v62;
	v27 =	vor.u32 v3, v63;
	[tilespmem:s17+$0x10] =	vst v45  }
.LBB2_10:
0x245: {  	v42 =	vld [tilespmem:s19+$0x10];
	v17 =	vsub.f32 v17, v41;
	v26 =	vcvt.s32.f32 v33;
	v33 =	vcvt.s32.f32 v35;
	s14 =	sadd.s32 $0x40, s14  }
0x246: {  	s18 =	sadd.s32 $0x4, s18;
	v34 =	vcvt.s32.f32 v34;
	v35 =	vld [tilespmem:s14+$0x10];
	v13 =	vsub.f32 v13, v40;
	v15 =	vsub.f32 v15, v39;
	[tilespmem:s16+$0x0] =	vst v25;
	s16 =	smov.u32 s15;
	s15 =	smov.u32 s17  }
0x247: {  	v16 =	vmul.f32 v4, v16;
	v14 =	vmul.f32 v8, v14;
	p0 =	slt.u32 s18, $0xFC;
	v39 =	vld [tilespmem:s14+$0xFFFFFFE0];
	v10 =	vsub.f32 v10, v26;
	v4 =	vmovc v17  }
0x248: {  	v18 =	vmul.f32 v5, v18;
	v11 =	vsub.f32 v11, v33;
	v12 =	vsub.f32 v12, v34;
	v17 =	vld [tilespmem:s19+$0xFFFFFFF0];
	v8 =	vmovc v13  }
0x249: {  	v16 =	vadd.f32 v16, v19;
	v19 =	vmul.f32 v7, v20;
	v20 =	vadd.f32 v14, v21;
	v5 =	vmovc v15;
	v13 =	vld [tilespmem:s14+$0xFFFFFFF0]  }
0x24a: {  	v21 =	vmul.f32 v9, v22;
	v25 =	vadd.f32 v18, v23;
	v26 =	vmul.f32 v6, v24;
	v7 =	vmovc v10;
	v15 =	vld [tilespmem:s19+$0x0]  }
0x24b: {  	v9 =	vmovc v11;
	v6 =	vmov v12;
	v10 =	vadd.f32 $1.000000000e+00, v42;
	v22 =	vld [tilespmem:s14+$0x0];
	v14 =	vadd.f32 $1.000000000e+00, v35  }
0x24c: {  	v18 =	vadd.f32 v19, v16;
	v11 =	vld [tilespmem:s19+$0xFFFFFFE0];
	v12 =	vadd.f32 $1.000000000e+00, v39  }
0x24d: {  	v34 =	vmul.f32 $8.000000000e+00, v10;
	v17 =	vadd.f32 $1.000000000e+00, v17;
	v39 =	vmul.f32 $8.000000000e+00, v14;
	v16 =	vld.idx.msk [tilespmem:v37+s6+$0x0], $0xffff  }
0x24e: {  	v10 =	vmul.f32 $8.000000000e+00, v12;
	v12 =	vadd.f32 $1.000000000e+00, v13;
	v14 =	vld.idx.msk [tilespmem:v38+s6+$0x0], $0xffff;
	[tilespmem:s16+$0xFFFFFFE0] =	vst v18;
	v13 =	vadd.f32 v21, v20  }
0x24f: {  	v19 =	vtrunc.f32 v34;
	v15 =	vadd.f32 $1.000000000e+00, v15;
	v20 =	vtrunc.f32 v39;
	v18 =	vld.idx.msk [tilespmem:v36+s6+$0x0], $0xffff  }
0x250: {  	v23 =	vadd.f32 $1.000000000e+00, v22;
	v22 =	vcvt.f32.s32 v19;
	v24 =	vcvt.f32.s32 v20;
	v19 =	vld.idx.msk [tilespmem:v32+s6+$0x0], $0xffff;
	[tilespmem:s16+$0xFFFFFFF0] =	vst v13  }
0x251: {  	v13 =	vmul.f32 $8.000000000e+00, v17;
	v32 =	vadd.f32 $1.000000000e+00, v11;
	v11 =	vmul.f32 $8.000000000e+00, v12;
	v20 =	vld.idx.msk [tilespmem:v31+s6+$0x0], $0xffff  }
0x252: {  	v15 =	vmul.f32 $8.000000000e+00, v15;
	vm0 =	vgt.s32 v22, $0x0;
	vm1 =	vgt.s32 v24, $0x0;
	v21 =	vld.idx.msk [tilespmem:v30+s6+$0x0], $0xffff  }
0x253: {  	v17 =	vmul.f32 $8.000000000e+00, v32;
	v30 =	vnsel vm0, $0x0, v22;
	v24 =	vnsel vm1, $0x0, v24;
	v22 =	vld.idx.msk [tilespmem:v28+s6+$0x0], $0xffff  }
0x254: {  	v12 =	vmul.f32 $8.000000000e+00, v23;
	v28 =	vmin.u32 v30, $0xF;
	v30 =	vmin.u32 v24, $0xF;
	v23 =	vld.idx.msk [tilespmem:v29+s6+$0x0], $0xffff  }
0x255: {  	v29 =	vtrunc.f32 v17;
	v31 =	vshll.u32 v28, $0x8;
	v32 =	vshll.u32 v30, $0x4;
	v24 =	vld.idx.msk [tilespmem:v27+s6+$0x0], $0xffff  }
0x256: {  	v33 =	vtrunc.f32 v13;
	v27 =	vtrunc.f32 v10;
	v31 =	vor.u32 v31, v32  }
0x257: {  	v35 =	vtrunc.f32 v15;
	v32 =	vtrunc.f32 v11;
	v36 =	vor.u32 v2, v31  }
0x258: {  	v37 =	vtrunc.f32 v12;
	v29 =	vcvt.f32.s32 v29;
	v38 =	vor.u32 v0, v31  }
0x259: {  	v33 =	vcvt.f32.s32 v33;
	v27 =	vcvt.f32.s32 v27;
	v31 =	vor.u32 v3, v31  }
0x25a: {  	v35 =	vcvt.f32.s32 v35;
	v32 =	vcvt.f32.s32 v32;
	vm0 =	vgt.s32 v29, $0x0  }
0x25b: {  	vm2 =	vgt.s32 v33, $0x0;
	v37 =	vcvt.f32.s32 v37;
	vm1 =	vgt.s32 v27, $0x0  }
0x25c: {  	vm3 =	vgt.s32 v35, $0x0;
	v29 =	vnsel vm0, $0x0, v29;
	vm0 =	vgt.s32 v32, $0x0;
	v36 =	vld.idx.msk [tilespmem:v36+s6+$0x0], $0xffff  }
0x25d: {  	v40 =	vnsel vm2, $0x0, v33;
	v27 =	vnsel vm1, $0x0, v27;
	vm1 =	vgt.s32 v37, $0x0;
	v38 =	vld.idx.msk [tilespmem:v38+s6+$0x0], $0xffff  }
0x25e: {  	v28 =	vcvt.s32.f32 v28;
	v41 =	vnsel vm3, $0x0, v35;
	v32 =	vnsel vm0, $0x0, v32;
	v31 =	vld.idx.msk [tilespmem:v31+s6+$0x0], $0xffff  }
0x25f: {  	v29 =	vmin.u32 v29, $0xF;
	v33 =	vmin.u32 v27, $0xF;
	v27 =	vnsel vm1, $0x0, v37  }
0x260: {  	v30 =	vcvt.s32.f32 v30;
	v40 =	vmin.u32 v40, $0xF;
	v28 =	vsub.f32 v34, v28  }
0x261: {  	v42 =	vmin.u32 v41, $0xF;
	v35 =	vmin.u32 v32, $0xF;
	v34 =	vmin.u32 v27, $0xF  }
0x262: {  	v30 =	vsub.f32 v39, v30;
	v27 =	vshll.u32 v29, $0x8;
	v28 =	vmul.f32 v28, v36  }
0x263: {  	v32 =	vshll.u32 v33, $0x4;
	v37 =	vshll.u32 v35, $0x4;
	v36 =	vshll.u32 v40, $0x8  }
0x264: {  	v39 =	vshll.u32 v42, $0x8;
	v28 =	vadd.f32 v28, v38;
	v30 =	vmul.f32 v30, v31  }
0x265: {  	v27 =	vor.u32 v27, v32;
	v41 =	vor.u32 v36, v37;
	v31 =	vshll.u32 v34, $0x4  }
.Ltmp4:
0x266: {  	v37 =	vor.u32 v2, v27;
	v39 =	vor.u32 v39, v31;
	v43 =	vadd.f32 v30, v28;
	(pc) =	sbr.rel @p0 .LBB2_10-.Ltmp4, $4  }
0x267: {  	s17 =	sadd.s32 $0x40, s17;
	v32 =	vor.u32 v0, v27;
	v38 =	vor.u32 v2, v41;
	v36 =	vor.u32 v2, v39  }
0x268: {  	v31 =	vor.u32 v3, v27;
	v30 =	vor.u32 v0, v41;
	v28 =	vor.u32 v3, v41;
	[tilespmem:s17+$0x10] =	vst v43  }
0x269: {  	v41 =	vcvt.s32.f32 v29;
	v29 =	vor.u32 v0, v39;
	v27 =	vor.u32 v3, v39  }
0x26a: {  	v25 =	vadd.f32 v26, v25;
	s19 =	sadd.s32 $0x40, s19;
	v40 =	vcvt.s32.f32 v40;
	v39 =	vcvt.s32.f32 v42  }
0x26b: {  	_ =	sdelay $0x3  }
0x26c: {  	v26 =	vld.idx.msk [tilespmem:v37+s6+$0x0], $0xffff  }
0x26d: {  	v51 =	vld.idx.msk [tilespmem:v38+s6+$0x0], $0xffff  }
0x26e: {  	v36 =	vld.idx.msk [tilespmem:v36+s6+$0x0], $0xffff  }
0x26f: {  	v32 =	vld.idx.msk [tilespmem:v32+s6+$0x0], $0xffff;
	v33 =	vcvt.s32.f32 v33;
	v35 =	vcvt.s32.f32 v35  }
0x270: {  	v31 =	vld.idx.msk [tilespmem:v31+s6+$0x0], $0xffff;
	v34 =	vcvt.s32.f32 v34;
	v4 =	vmul.f32 v4, v16  }
0x271: {  	v17 =	vsub.f32 v17, v41;
	v16 =	vld.idx.msk [tilespmem:v30+s6+$0x0], $0xffff;
	v8 =	vmul.f32 v8, v14;
	v5 =	vmul.f32 v5, v18  }
0x272: {  	v14 =	vld.idx.msk [tilespmem:v28+s6+$0x0], $0xffff;
	v7 =	vmul.f32 v7, v20;
	v13 =	vsub.f32 v13, v40;
	v15 =	vsub.f32 v15, v39  }
0x273: {  	v18 =	vld.idx.msk [tilespmem:v29+s6+$0x0], $0xffff;
	v9 =	vmul.f32 v9, v22;
	v10 =	vsub.f32 v10, v33;
	v11 =	vsub.f32 v11, v35  }
0x274: {  	v6 =	vmul.f32 v6, v24;
	v4 =	vadd.f32 v4, v19;
	v8 =	vadd.f32 v8, v21;
	v19 =	vld.idx.msk [tilespmem:v27+s6+$0x0], $0xffff  }
0x275: {  	v12 =	vsub.f32 v12, v34;
	v5 =	vadd.f32 v5, v23;
	v17 =	vmul.f32 v17, v26  }
0x276: {  	v4 =	vadd.f32 v7, v4;
	v7 =	vadd.f32 v9, v8;
	v8 =	vmul.f32 v13, v51  }
0x277: {  	[tilespmem:s16+$0x0] =	vst v25;
	v9 =	vmul.f32 v15, v36;
	v10 =	vmul.f32 v10, v31;
	v13 =	vadd.f32 v17, v32  }
0x278: {  	[tilespmem:s15+$0xFFFFFFE0] =	vst v4;
	v4 =	vadd.f32 v6, v5;
	v6 =	vmul.f32 v11, v14;
	v5 =	vadd.f32 v8, v16  }
0x279: {  	[tilespmem:s15+$0xFFFFFFF0] =	vst v7;
	v7 =	vadd.f32 v9, v18;
	v8 =	vmul.f32 v12, v19;
	v9 =	vadd.f32 v10, v13  }
0x27a: {  	[tilespmem:s15+$0x0] =	vst v4;
	v4 =	vadd.f32 v6, v5  }
0x27b: {  	v5 =	vadd.f32 v8, v7;
	[tilespmem:s17+$0xFFFFFFE0] =	vst v9  }
0x27c: {  	[tilespmem:s17+$0xFFFFFFF0] =	vst v4  }
0x27d: {  	[tilespmem:s17+$0x0] =	vst v5  }
0x27e: {  	s14 =	rddreg [dreg:$0xf]  }
0x27f: {  	[hbm4b:s14+s1] =	stream.linear.scatter [tilespmem:s7], [sflag:$0x5], $0x1000, $0x38;
	[tilespmem:$0x9400] =	vst v63  }
0x280: {  	_ =	swait.ge [sflag:s8], $0x1000  }
0x281: {  	[sflag:s8] =	ssyncset.done $0x0  }
0x282: {  	[sflag:s8] =	ssyncadd.s32 $0xFFFFF000  }
0x283: {  	_ =	swait.ge [sflag:s9], $0x1000  }
0x284: {  	[sflag:s9] =	ssyncset.done $0x0  }
0x285: {  	s18 =	rddreg [dreg:$0x10];
	[sflag:s9] =	ssyncadd.s32 $0xFFFFF000  }
0x286: {  	[tilespmem:s31], [sflag:$0x1] =	stream.linear.gather [hbm4b:s18+s1], $0x1000, $0x38;
	[tilespmem:$0x9400] =	vst v63  }
0x287: {  	s19 =	rddreg [dreg:$0x11]  }
0x288: {  	[tilespmem:s20], [sflag:$0x3] =	stream.linear.gather [hbm4b:s19+s1], $0x1000, $0x38;
	[tilespmem:$0x9400] =	vst v63  }
0x289: {  	_ =	swait.ge [sflag:s12], $0x1000  }
0x28a: {  	[sflag:s12] =	ssyncset.done $0x0  }
0x28b: {  	s15 =	simm.s32 $0x4420;
	[sflag:s12] =	ssyncadd.s32 $0xFFFFF000  }
0x28c: {  	s16 =	simm.s32 $0x6420;
	v4 =	vld [tilespmem:s15+$0x10]  }
0x28d: {  	v5 =	vld [tilespmem:s16+$0x10]  }
0x28e: {  	v6 =	vld [tilespmem:s16+$0xFFFFFFE0]  }
0x28f: {  	v7 =	vld [tilespmem:s15+$0xFFFFFFF0]  }
0x290: {  	v8 =	vld [tilespmem:s16+$0xFFFFFFF0]  }
0x291: {  	v9 =	vld [tilespmem:s15+$0x0]  }
0x292: {  	v10 =	vld [tilespmem:s15+$0xFFFFFFE0]  }
0x293: {  	v11 =	vld [tilespmem:s16+$0x0]  }
0x294: {  	v4 =	vadd.f32 $1.000000000e+00, v4;
	v5 =	vadd.f32 $1.000000000e+00, v5  }
0x295: {  	v6 =	vadd.f32 $1.000000000e+00, v6;
	v7 =	vadd.f32 $1.000000000e+00, v7  }
0x296: {  	v8 =	vadd.f32 $1.000000000e+00, v8;
	v9 =	vadd.f32 $1.000000000e+00, v9  }
0x297: {  	v10 =	vadd.f32 $1.000000000e+00, v10;
	v4 =	vmul.f32 $8.000000000e+00, v4;
	v5 =	vmul.f32 $8.000000000e+00, v5  }
0x298: {  	v11 =	vadd.f32 $1.000000000e+00, v11;
	v6 =	vmul.f32 $8.000000000e+00, v6;
	v7 =	vmul.f32 $8.000000000e+00, v7  }
0x299: {  	v8 =	vmul.f32 $8.000000000e+00, v8;
	v9 =	vmul.f32 $8.000000000e+00, v9  }
0x29a: {  	v10 =	vmul.f32 $8.000000000e+00, v10;
	v11 =	vmul.f32 $8.000000000e+00, v11  }
0x29b: {  	v12 =	vtrunc.f32 v4;
	v13 =	vtrunc.f32 v5  }
0x29c: {  	v14 =	vtrunc.f32 v10;
	v17 =	vtrunc.f32 v6  }
0x29d: {  	v18 =	vtrunc.f32 v7;
	v19 =	vtrunc.f32 v9  }
0x29e: {  	v21 =	vtrunc.f32 v11;
	v12 =	vcvt.f32.s32 v12  }
0x29f: {  	v13 =	vcvt.f32.s32 v13;
	v14 =	vcvt.f32.s32 v14  }
0x2a0: {  	v17 =	vcvt.f32.s32 v17;
	v18 =	vcvt.f32.s32 v18  }
0x2a1: {  	v19 =	vcvt.f32.s32 v19;
	v21 =	vcvt.f32.s32 v21  }
0x2a2: {  	vm0 =	vgt.s32 v12, $0x0;
	vm1 =	vgt.s32 v13, $0x0;
	vm6 =	vgt.s32 v14, $0x0  }
0x2a3: {  	vm7 =	vgt.s32 v17, $0x0;
	v12 =	vnsel vm0, $0x0, v12;
	v13 =	vnsel vm1, $0x0, v13  }
0x2a4: {  	vm2 =	vgt.s32 v18, $0x0;
	v12 =	vmin.u32 v12, $0xF;
	v13 =	vmin.u32 v13, $0xF  }
0x2a5: {  	vm3 =	vgt.s32 v19, $0x0;
	v15 =	vshll.u32 v12, $0x8;
	v16 =	vshll.u32 v13, $0x4  }
0x2a6: {  	vm9 =	vgt.s32 v21, $0x0;
	v14 =	vnsel vm6, $0x0, v14;
	v15 =	vor.u32 v15, v16  }
0x2a7: {  	v12 =	vcvt.s32.f32 v12;
	v16 =	vtrunc.f32 v8;
	v20 =	vor.u32 v2, v15  }
0x2a8: {  	v22 =	vor.u32 v0, v15;
	v15 =	vor.u32 v3, v15;
	v16 =	vcvt.f32.s32 v16  }
0x2a9: {  	v17 =	vnsel vm7, $0x0, v17;
	v4 =	vsub.f32 v4, v12;
	v12 =	vcvt.s32.f32 v13  }
0x2aa: {  	s18 =	simm.s32 $0x6460;
	v18 =	vnsel vm2, $0x0, v18;
	v19 =	vnsel vm3, $0x0, v19;
	vm8 =	vgt.s32 v16, $0x0  }
0x2ab: {  	v25 =	vld [tilespmem:s18+$0x10];
	v23 =	vmin.u32 v14, $0xF;
	v5 =	vsub.f32 v5, v12;
	v16 =	vnsel vm8, $0x0, v16  }
0x2ac: {  	v27 =	vld [tilespmem:s18+$0xFFFFFFE0];
	v13 =	vmin.u32 v16, $0xF;
	v16 =	vmin.u32 v19, $0xF;
	v19 =	vshll.u32 v23, $0x8  }
0x2ad: {  	s17 =	simm.s32 $0x4460;
	v23 =	vcvt.s32.f32 v23;
	v14 =	vld.idx.msk [tilespmem:v15+s6+$0x0], $0xffff;
	v15 =	vmin.u32 v17, $0xF;
	v17 =	vnsel vm9, $0x0, v21  }
0x2ae: {  	v28 =	vld [tilespmem:s17+$0xFFFFFFF0];
	v21 =	vshll.u32 v13, $0x4;
	v24 =	vshll.u32 v16, $0x8;
	v16 =	vcvt.s32.f32 v16  }
0x2af: {  	v20 =	vld.idx.msk [tilespmem:v20+s6+$0x0], $0xffff;
	v13 =	vcvt.s32.f32 v13;
	v17 =	vmin.u32 v17, $0xF;
	v12 =	vshll.u32 v15, $0x4  }
0x2b0: {  	v15 =	vcvt.s32.f32 v15;
	v10 =	vsub.f32 v10, v23;
	v23 =	vadd.f32 $1.000000000e+00, v25  }
0x2b1: {  	v25 =	vadd.f32 $1.000000000e+00, v27;
	v16 =	vsub.f32 v9, v16;
	v9 =	vcvt.s32.f32 v17  }
0x2b2: {  	v18 =	vmin.u32 v18, $0xF;
	v12 =	vor.u32 v19, v12;
	v13 =	vsub.f32 v8, v13  }
0x2b3: {  	v22 =	vld.idx.msk [tilespmem:v22+s6+$0x0], $0xffff;
	v15 =	vsub.f32 v6, v15;
	v25 =	vmul.f32 $8.000000000e+00, v25;
	v11 =	vsub.f32 v11, v9  }
0x2b4: {  	v9 =	vmul.f32 $8.000000000e+00, v23;
	v23 =	vadd.f32 $1.000000000e+00, v28;
	v4 =	vmul.f32 v4, v20  }
0x2b5: {  	v20 =	vshll.u32 v18, $0x8;
	v5 =	vmul.f32 v5, v14;
	v14 =	vshll.u32 v17, $0x4  }
0x2b6: {  	v8 =	vld [tilespmem:s17+$0xFFFFFFE0];
	v18 =	vcvt.s32.f32 v18;
	v53 =	vtrunc.f32 v25;
	v19 =	vor.u32 v20, v21  }
0x2b7: {  	v6 =	vld [tilespmem:s17+$0x0];
	v20 =	vor.u32 v2, v12;
	v21 =	vor.u32 v24, v14;
	v28 =	vtrunc.f32 v9  }
0x2b8: {  	v23 =	vmul.f32 $8.000000000e+00, v23;
	v33 =	vcvt.f32.s32 v53;
	v4 =	vadd.f32 v4, v22  }
0x2b9: {  	v17 =	vld [tilespmem:s18+$0x0];
	v22 =	vor.u32 v2, v19;
	v24 =	vor.u32 v2, v21;
	v26 =	vor.u32 v0, v19  }
0x2ba: {  	v19 =	vor.u32 v3, v19;
	v29 =	vor.u32 v0, v21;
	v18 =	vsub.f32 v7, v18;
	v7 =	vld [tilespmem:s18+$0xFFFFFFF0]  }
0x2bb: {  	v21 =	vor.u32 v3, v21;
	v28 =	vcvt.f32.s32 v28;
	v14 =	vadd.f32 v5, v4;
	v5 =	vld [tilespmem:s17+$0x10]  }
0x2bc: {  	v8 =	vadd.f32 $1.000000000e+00, v8;
	v6 =	vadd.f32 $1.000000000e+00, v6;
	v54 =	vtrunc.f32 v23  }
0x2bd: {  	vm13 =	vgt.s32 v33, $0x0;
	v4 =	vor.u32 v0, v12;
	v12 =	vor.u32 v3, v12  }
0x2be: {  	vm11 =	vgt.s32 v28, $0x0;
	v33 =	vnsel vm13, $0x0, v33;
	v6 =	vmul.f32 $8.000000000e+00, v6  }
0x2bf: {  	v34 =	vcvt.f32.s32 v54;
	v17 =	vadd.f32 $1.000000000e+00, v17;
	v33 =	vmin.u32 v33, $0xF  }
0x2c0: {  	v7 =	vadd.f32 $1.000000000e+00, v7;
	v56 =	vtrunc.f32 v6;
	v5 =	vadd.f32 $1.000000000e+00, v5  }
0x2c1: {  	vm14 =	vgt.s32 v34, $0x0;
	v20 =	vld.idx.msk [tilespmem:v20+s6+$0x0], $0xffff;
	v17 =	vmul.f32 $8.000000000e+00, v17;
	v35 =	vcvt.f32.s32 v56  }
0x2c2: {  	v34 =	vnsel vm14, $0x0, v34;
	v22 =	vld.idx.msk [tilespmem:v22+s6+$0x0], $0xffff;
	v30 =	vmul.f32 $8.000000000e+00, v7;
	v5 =	vmul.f32 $8.000000000e+00, v5  }
0x2c3: {  	v24 =	vld.idx.msk [tilespmem:v24+s6+$0x0], $0xffff;
	v34 =	vmin.u32 v34, $0xF;
	v7 =	vmul.f32 $8.000000000e+00, v8;
	v58 =	vtrunc.f32 v17  }
0x2c4: {  	v63 =	vld.idx.msk [tilespmem:v4+s6+$0x0], $0xffff;
	v4 =	vshll.u32 v33, $0x4;
	v37 =	vcvt.f32.s32 v58;
	v27 =	vtrunc.f32 v5  }
0x2c5: {  	s14 =	simm.s32 $0x64A0;
	v19 =	vld.idx.msk [tilespmem:v19+s6+$0x0], $0xffff;
	vm6 =	vgt.s32 v35, $0x0;
	v55 =	vtrunc.f32 v30;
	v27 =	vcvt.f32.s32 v27  }
0x2c6: {  	v53 =	vld [tilespmem:s14+$0x10];
	v35 =	vnsel vm6, $0x0, v35;
	v10 =	vmul.f32 v10, v20;
	v32 =	vcvt.f32.s32 v55  }
0x2c7: {  	vm7 =	vgt.s32 v37, $0x0;
	v60 =	vmin.u32 v35, $0xF;
	vm10 =	vgt.s32 v27, $0x0  }
0x2c8: {  	v12 =	vld.idx.msk [tilespmem:v12+s6+$0x0], $0xffff;
	v18 =	vmul.f32 v18, v22;
	v8 =	vnsel vm10, $0x0, v27;
	v27 =	vnsel vm11, $0x0, v28  }
0x2c9: {  	v26 =	vld.idx.msk [tilespmem:v26+s6+$0x0], $0xffff;
	v16 =	vmul.f32 v16, v24;
	v8 =	vmin.u32 v8, $0xF;
	v27 =	vmin.u32 v27, $0xF  }
0x2ca: {  	s19 =	simm.s32 $0x44A0;
	v21 =	vld.idx.msk [tilespmem:v21+s6+$0x0], $0xffff;
	v13 =	vmul.f32 v13, v19;
	v31 =	vshll.u32 v8, $0x8;
	v52 =	vshll.u32 v27, $0x4  }
0x2cb: {  	v20 =	vld [tilespmem:s19+$0xFFFFFFF0];
	v19 =	vadd.f32 $1.000000000e+00, v53;
	v37 =	vnsel vm7, $0x0, v37;
	v31 =	vor.u32 v31, v52  }
0x2cc: {  	v24 =	vld [tilespmem:s19+$0xFFFFFFE0];
	v46 =	vshll.u32 v60, $0x8;
	vm15 =	vgt.s32 v32, $0x0;
	v57 =	vor.u32 v2, v31  }
0x2cd: {  	v12 =	vmul.f32 v15, v12;
	v15 =	vld [tilespmem:s19+$0x0];
	v59 =	vor.u32 v0, v31;
	v31 =	vor.u32 v3, v31  }
0x2ce: {  	v61 =	vmin.u32 v37, $0xF;
	v10 =	vadd.f32 v10, v63;
	v28 =	vtrunc.f32 v7  }
0x2cf: {  	v18 =	vadd.f32 v18, v26;
	v26 =	vmul.f32 v11, v21;
	v28 =	vcvt.f32.s32 v28  }
0x2d0: {  	v19 =	vmul.f32 $8.000000000e+00, v19;
	v32 =	vnsel vm15, $0x0, v32;
	v21 =	vadd.f32 v12, v10  }
0x2d1: {  	v12 =	vadd.f32 $1.000000000e+00, v20;
	v8 =	vcvt.s32.f32 v8;
	vm12 =	vgt.s32 v28, $0x0;
	v36 =	vld.idx.msk [tilespmem:v57+s6+$0x0], $0xffff  }
0x2d2: {  	v24 =	vadd.f32 $1.000000000e+00, v24;
	v15 =	vadd.f32 $1.000000000e+00, v15;
	v28 =	vnsel vm12, $0x0, v28;
	v31 =	vld.idx.msk [tilespmem:v31+s6+$0x0], $0xffff  }
0x2d3: {  	v5 =	vsub.f32 v5, v8;
	v8 =	vcvt.s32.f32 v27;
	v27 =	vmin.u32 v32, $0xF;
	v38 =	vld.idx.msk [tilespmem:v59+s6+$0x0], $0xffff  }
0x2d4: {  	v15 =	vmul.f32 $8.000000000e+00, v15;
	v28 =	vmin.u32 v28, $0xF;
	v45 =	vshll.u32 v27, $0x4  }
0x2d5: {  	v27 =	vcvt.s32.f32 v27;
	v62 =	vshll.u32 v28, $0x8;
	v8 =	vsub.f32 v9, v8  }
0x2d6: {  	v9 =	vshll.u32 v34, $0x8;
	v54 =	vtrunc.f32 v15;
	v5 =	vmul.f32 v5, v36  }
0x2d7: {  	v47 =	vor.u32 v9, v45;
	v9 =	vcvt.s32.f32 v60;
	v8 =	vmul.f32 v8, v31  }
0x2d8: {  	v31 =	vor.u32 v62, v4;
	v4 =	vshll.u32 v61, $0x4;
	v5 =	vadd.f32 v5, v38  }
0x2d9: {  	v29 =	vld.idx.msk [tilespmem:v29+s6+$0x0], $0xffff;
	v32 =	vcvt.f32.s32 v54;
	v42 =	vor.u32 v2, v47;
	v49 =	vor.u32 v46, v4  }
0x2da: {  	v52 =	vld [tilespmem:s19+$0x10];
	v4 =	vcvt.s32.f32 v28;
	v50 =	vadd.f32 v8, v5;
	v5 =	vcvt.s32.f32 v34  }
0x2db: {  	v58 =	vor.u32 v0, v47;
	v43 =	vor.u32 v3, v47;
	vm14 =	vgt.s32 v32, $0x0  }
0x2dc: {  	v4 =	vsub.f32 v7, v4;
	v7 =	vcvt.s32.f32 v33;
	v8 =	vsub.f32 v23, v5;
	v23 =	vld [tilespmem:s14+$0xFFFFFFE0]  }
0x2dd: {  	v32 =	vnsel vm14, $0x0, v32;
	v5 =	vsub.f32 v6, v9;
	v6 =	vcvt.s32.f32 v61  }
0x2de: {  	v47 =	vmin.u32 v32, $0xF;
	v7 =	vsub.f32 v25, v7;
	v25 =	vadd.f32 v16, v29  }
0x2df: {  	v48 =	vor.u32 v2, v31;
	v16 =	vadd.f32 $1.000000000e+00, v52;
	v6 =	vsub.f32 v17, v6;
	v17 =	vld [tilespmem:s14+$0xFFFFFFF0]  }
0x2e0: {  	v51 =	vor.u32 v0, v31;
	v22 =	vor.u32 v3, v31;
	v28 =	vor.u32 v2, v49  }
0x2e1: {  	v11 =	vld [tilespmem:s14+$0x0];
	v44 =	vor.u32 v0, v49;
	v16 =	vmul.f32 $8.000000000e+00, v16;
	v23 =	vadd.f32 $1.000000000e+00, v23  }
0x2e2: {  	v39 =	vor.u32 v3, v49;
	v9 =	vsub.f32 v30, v27;
	v61 =	vshll.u32 v47, $0x8  }
0x2e3: {  	v10 =	vmul.f32 $8.000000000e+00, v23;
	v23 =	vadd.f32 v13, v18;
	v13 =	vtrunc.f32 v16  }
0x2e4: {  	v17 =	vadd.f32 $1.000000000e+00, v17;
	v18 =	vtrunc.f32 v19;
	v20 =	vcvt.f32.s32 v13  }
0x2e5: {  	v25 =	vadd.f32 v26, v25;
	v18 =	vcvt.f32.s32 v18;
	v13 =	vmul.f32 $8.000000000e+00, v12  }
0x2e6: {  	v12 =	vadd.f32 $1.000000000e+00, v11;
	v11 =	vmul.f32 $8.000000000e+00, v17;
	v17 =	vmul.f32 $8.000000000e+00, v24  }
0x2e7: {  	v30 =	vtrunc.f32 v10;
	vm8 =	vgt.s32 v20, $0x0;
	vm9 =	vgt.s32 v18, $0x0  }
0x2e8: {  	v12 =	vmul.f32 $8.000000000e+00, v12;
	v20 =	vnsel vm8, $0x0, v20;
	v18 =	vnsel vm9, $0x0, v18  }
0x2e9: {  	v31 =	vtrunc.f32 v13;
	v20 =	vmin.u32 v20, $0xF;
	v18 =	vmin.u32 v18, $0xF  }
0x2ea: {  	v30 =	vcvt.f32.s32 v30;
	v27 =	vshll.u32 v20, $0x8;
	v29 =	vshll.u32 v18, $0x4  }
0x2eb: {  	v24 =	vtrunc.f32 v17;
	v31 =	vcvt.f32.s32 v31;
	v27 =	vor.u32 v27, v29  }
0x2ec: {  	v24 =	vcvt.f32.s32 v24;
	v56 =	vtrunc.f32 v12;
	v55 =	vor.u32 v2, v27  }
0x2ed: {  	vm11 =	vgt.s32 v30, $0x0;
	vm12 =	vgt.s32 v31, $0x0;
	v57 =	vor.u32 v0, v27  }
0x2ee: {  	v34 =	vcvt.f32.s32 v56;
	v20 =	vcvt.s32.f32 v20;
	v27 =	vor.u32 v3, v27  }
0x2ef: {  	v30 =	vnsel vm11, $0x0, v30;
	v18 =	vcvt.s32.f32 v18;
	v29 =	vtrunc.f32 v11  }
0x2f0: {  	vm10 =	vgt.s32 v24, $0x0;
	v31 =	vnsel vm12, $0x0, v31;
	v33 =	vmin.u32 v30, $0xF  }
0x2f1: {  	v29 =	vcvt.f32.s32 v29;
	v24 =	vnsel vm10, $0x0, v24;
	vm15 =	vgt.s32 v34, $0x0;
	v59 =	vld.idx.msk [tilespmem:v55+s6+$0x0], $0xffff  }
0x2f2: {  	v46 =	vmin.u32 v31, $0xF;
	v20 =	vsub.f32 v16, v20;
	v19 =	vsub.f32 v19, v18;
	v45 =	vld.idx.msk [tilespmem:v57+s6+$0x0], $0xffff  }
0x2f3: {  	s16 =	simm.s32 $0x8420;
	v30 =	vshll.u32 v33, $0x4;
	v34 =	vnsel vm15, $0x0, v34;
	v24 =	vmin.u32 v24, $0xF;
	v27 =	vld.idx.msk [tilespmem:v27+s6+$0x0], $0xffff  }
0x2f4: {  	[tilespmem:s16+$0x10] =	vst v14;
	v14 =	vld.idx.msk [tilespmem:v42+s6+$0x0], $0xffff;
	v31 =	vshll.u32 v46, $0x8;
	v40 =	vcvt.s32.f32 v46;
	vm13 =	vgt.s32 v29, $0x0  }
0x2f5: {  	[tilespmem:s16+$0xFFFFFFF0] =	vst v23;
	v23 =	vld.idx.msk [tilespmem:v44+s6+$0x0], $0xffff;
	v34 =	vmin.u32 v34, $0xF;
	v41 =	vcvt.s32.f32 v24;
	v29 =	vnsel vm13, $0x0, v29  }
0x2f6: {  	s15 =	simm.s32 $0x8460;
	[tilespmem:s16+$0xFFFFFFE0] =	vst v21;
	v16 =	vld.idx.msk [tilespmem:v48+s6+$0x0], $0xffff;
	v21 =	vshll.u32 v34, $0x4;
	v35 =	vmin.u32 v29, $0xF;
	v20 =	vmul.f32 v20, v59  }
0x2f7: {  	[tilespmem:s15+$0x10] =	vst v50;
	v18 =	vld.idx.msk [tilespmem:v28+s6+$0x0], $0xffff;
	v29 =	vshll.u32 v24, $0x8;
	v63 =	vor.u32 v61, v21;
	v60 =	vshll.u32 v35, $0x4  }
0x2f8: {  	v21 =	vld.idx.msk [tilespmem:v58+s6+$0x0], $0xffff;
	v29 =	vor.u32 v29, v30;
	v27 =	vmul.f32 v19, v27;
	v28 =	vadd.f32 v20, v45  }
0x2f9: {  	v24 =	vld.idx.msk [tilespmem:v39+s6+$0x0], $0xffff;
	v36 =	vor.u32 v2, v63;
	v62 =	vor.u32 v31, v60;
	v37 =	vor.u32 v2, v29  }
0x2fa: {  	v32 =	vor.u32 v0, v29;
	v31 =	vor.u32 v3, v29;
	v19 =	vld.idx.msk [tilespmem:v51+s6+$0x0], $0xffff;
	v45 =	vadd.f32 v27, v28  }
0x2fb: {  	s17 =	simm.s32 $0x84A0;
	v29 =	vor.u32 v0, v63;
	v38 =	vor.u32 v2, v62;
	v30 =	vor.u32 v0, v62;
	v20 =	vld.idx.msk [tilespmem:v22+s6+$0x0], $0xffff  }
0x2fc: {  	s18 =	simm.s32 $0x8;
	s19 =	simm.s32 $0x44E0;
	v39 =	vcvt.s32.f32 v47;
	v22 =	vld.idx.msk [tilespmem:v43+s6+$0x0], $0xffff;
	v28 =	vor.u32 v3, v62;
	v27 =	vor.u32 v3, v63;
	[tilespmem:s17+$0x10] =	vst v45  }
.LBB2_12:
0x2fd: {  	v42 =	vld [tilespmem:s19+$0x10];
	v17 =	vsub.f32 v17, v41;
	v26 =	vcvt.s32.f32 v33;
	v33 =	vcvt.s32.f32 v35;
	s14 =	sadd.s32 $0x40, s14  }
0x2fe: {  	s18 =	sadd.s32 $0x4, s18;
	v34 =	vcvt.s32.f32 v34;
	v35 =	vld [tilespmem:s14+$0x10];
	v13 =	vsub.f32 v13, v40;
	v15 =	vsub.f32 v15, v39;
	[tilespmem:s16+$0x0] =	vst v25;
	s16 =	smov.u32 s15;
	s15 =	smov.u32 s17  }
0x2ff: {  	v16 =	vmul.f32 v4, v16;
	v14 =	vmul.f32 v8, v14;
	p0 =	slt.u32 s18, $0xFC;
	v39 =	vld [tilespmem:s14+$0xFFFFFFE0];
	v10 =	vsub.f32 v10, v26;
	v4 =	vmovc v17  }
0x300: {  	v18 =	vmul.f32 v5, v18;
	v11 =	vsub.f32 v11, v33;
	v12 =	vsub.f32 v12, v34;
	v17 =	vld [tilespmem:s19+$0xFFFFFFF0];
	v8 =	vmovc v13  }
0x301: {  	v16 =	vadd.f32 v16, v19;
	v19 =	vmul.f32 v7, v20;
	v20 =	vadd.f32 v14, v21;
	v5 =	vmovc v15;
	v13 =	vld [tilespmem:s14+$0xFFFFFFF0]  }
0x302: {  	v21 =	vmul.f32 v9, v22;
	v25 =	vadd.f32 v18, v23;
	v26 =	vmul.f32 v6, v24;
	v7 =	vmovc v10;
	v15 =	vld [tilespmem:s19+$0x0]  }
0x303: {  	v9 =	vmovc v11;
	v6 =	vmov v12;
	v10 =	vadd.f32 $1.000000000e+00, v42;
	v22 =	vld [tilespmem:s14+$0x0];
	v14 =	vadd.f32 $1.000000000e+00, v35  }
0x304: {  	v18 =	vadd.f32 v19, v16;
	v11 =	vld [tilespmem:s19+$0xFFFFFFE0];
	v12 =	vadd.f32 $1.000000000e+00, v39  }
0x305: {  	v34 =	vmul.f32 $8.000000000e+00, v10;
	v17 =	vadd.f32 $1.000000000e+00, v17;
	v39 =	vmul.f32 $8.000000000e+00, v14;
	v16 =	vld.idx.msk [tilespmem:v37+s6+$0x0], $0xffff  }
0x306: {  	v10 =	vmul.f32 $8.000000000e+00, v12;
	v12 =	vadd.f32 $1.000000000e+00, v13;
	v14 =	vld.idx.msk [tilespmem:v38+s6+$0x0], $0xffff;
	[tilespmem:s16+$0xFFFFFFE0] =	vst v18;
	v13 =	vadd.f32 v21, v20  }
0x307: {  	v19 =	vtrunc.f32 v34;
	v15 =	vadd.f32 $1.000000000e+00, v15;
	v20 =	vtrunc.f32 v39;
	v18 =	vld.idx.msk [tilespmem:v36+s6+$0x0], $0xffff  }
0x308: {  	v23 =	vadd.f32 $1.000000000e+00, v22;
	v22 =	vcvt.f32.s32 v19;
	v24 =	vcvt.f32.s32 v20;
	v19 =	vld.idx.msk [tilespmem:v32+s6+$0x0], $0xffff;
	[tilespmem:s16+$0xFFFFFFF0] =	vst v13  }
0x309: {  	v13 =	vmul.f32 $8.000000000e+00, v17;
	v32 =	vadd.f32 $1.000000000e+00, v11;
	v11 =	vmul.f32 $8.000000000e+00, v12;
	v20 =	vld.idx.msk [tilespmem:v31+s6+$0x0], $0xffff  }
0x30a: {  	v15 =	vmul.f32 $8.000000000e+00, v15;
	vm0 =	vgt.s32 v22, $0x0;
	vm1 =	vgt.s32 v24, $0x0;
	v21 =	vld.idx.msk [tilespmem:v30+s6+$0x0], $0xffff  }
0x30b: {  	v17 =	vmul.f32 $8.000000000e+00, v32;
	v30 =	vnsel vm0, $0x0, v22;
	v24 =	vnsel vm1, $0x0, v24;
	v22 =	vld.idx.msk [tilespmem:v28+s6+$0x0], $0xffff  }
0x30c: {  	v12 =	vmul.f32 $8.000000000e+00, v23;
	v28 =	vmin.u32 v30, $0xF;
	v30 =	vmin.u32 v24, $0xF;
	v23 =	vld.idx.msk [tilespmem:v29+s6+$0x0], $0xffff  }
0x30d: {  	v29 =	vtrunc.f32 v17;
	v31 =	vshll.u32 v28, $0x8;
	v32 =	vshll.u32 v30, $0x4;
	v24 =	vld.idx.msk [tilespmem:v27+s6+$0x0], $0xffff  }
0x30e: {  	v33 =	vtrunc.f32 v13;
	v27 =	vtrunc.f32 v10;
	v31 =	vor.u32 v31, v32  }
0x30f: {  	v35 =	vtrunc.f32 v15;
	v32 =	vtrunc.f32 v11;
	v36 =	vor.u32 v2, v31  }
0x310: {  	v37 =	vtrunc.f32 v12;
	v29 =	vcvt.f32.s32 v29;
	v38 =	vor.u32 v0, v31  }
0x311: {  	v33 =	vcvt.f32.s32 v33;
	v27 =	vcvt.f32.s32 v27;
	v31 =	vor.u32 v3, v31  }
0x312: {  	v35 =	vcvt.f32.s32 v35;
	v32 =	vcvt.f32.s32 v32;
	vm0 =	vgt.s32 v29, $0x0  }
0x313: {  	vm2 =	vgt.s32 v33, $0x0;
	v37 =	vcvt.f32.s32 v37;
	vm1 =	vgt.s32 v27, $0x0  }
0x314: {  	vm3 =	vgt.s32 v35, $0x0;
	v29 =	vnsel vm0, $0x0, v29;
	vm0 =	vgt.s32 v32, $0x0;
	v36 =	vld.idx.msk [tilespmem:v36+s6+$0x0], $0xffff  }
0x315: {  	v40 =	vnsel vm2, $0x0, v33;
	v27 =	vnsel vm1, $0x0, v27;
	vm1 =	vgt.s32 v37, $0x0;
	v38 =	vld.idx.msk [tilespmem:v38+s6+$0x0], $0xffff  }
0x316: {  	v28 =	vcvt.s32.f32 v28;
	v41 =	vnsel vm3, $0x0, v35;
	v32 =	vnsel vm0, $0x0, v32;
	v31 =	vld.idx.msk [tilespmem:v31+s6+$0x0], $0xffff  }
0x317: {  	v29 =	vmin.u32 v29, $0xF;
	v33 =	vmin.u32 v27, $0xF;
	v27 =	vnsel vm1, $0x0, v37  }
0x318: {  	v30 =	vcvt.s32.f32 v30;
	v40 =	vmin.u32 v40, $0xF;
	v28 =	vsub.f32 v34, v28  }
0x319: {  	v42 =	vmin.u32 v41, $0xF;
	v35 =	vmin.u32 v32, $0xF;
	v34 =	vmin.u32 v27, $0xF  }
0x31a: {  	v30 =	vsub.f32 v39, v30;
	v27 =	vshll.u32 v29, $0x8;
	v28 =	vmul.f32 v28, v36  }
0x31b: {  	v32 =	vshll.u32 v33, $0x4;
	v37 =	vshll.u32 v35, $0x4;
	v36 =	vshll.u32 v40, $0x8  }
0x31c: {  	v39 =	vshll.u32 v42, $0x8;
	v28 =	vadd.f32 v28, v38;
	v30 =	vmul.f32 v30, v31  }
0x31d: {  	v27 =	vor.u32 v27, v32;
	v41 =	vor.u32 v36, v37;
	v31 =	vshll.u32 v34, $0x4  }
.Ltmp5:
0x31e: {  	v37 =	vor.u32 v2, v27;
	v39 =	vor.u32 v39, v31;
	v43 =	vadd.f32 v30, v28;
	(pc) =	sbr.rel @p0 .LBB2_12-.Ltmp5, $4  }
0x31f: {  	s17 =	sadd.s32 $0x40, s17;
	v32 =	vor.u32 v0, v27;
	v38 =	vor.u32 v2, v41;
	v36 =	vor.u32 v2, v39  }
0x320: {  	v31 =	vor.u32 v3, v27;
	v30 =	vor.u32 v0, v41;
	v28 =	vor.u32 v3, v41;
	[tilespmem:s17+$0x10] =	vst v43  }
0x321: {  	v41 =	vcvt.s32.f32 v29;
	v29 =	vor.u32 v0, v39;
	v27 =	vor.u32 v3, v39  }
0x322: {  	v25 =	vadd.f32 v26, v25;
	s19 =	sadd.s32 $0x40, s19;
	v40 =	vcvt.s32.f32 v40;
	v39 =	vcvt.s32.f32 v42  }
0x323: {  	_ =	sdelay $0x3  }
0x324: {  	v26 =	vld.idx.msk [tilespmem:v37+s6+$0x0], $0xffff  }
0x325: {  	v51 =	vld.idx.msk [tilespmem:v38+s6+$0x0], $0xffff  }
0x326: {  	v36 =	vld.idx.msk [tilespmem:v36+s6+$0x0], $0xffff  }
0x327: {  	v32 =	vld.idx.msk [tilespmem:v32+s6+$0x0], $0xffff;
	v33 =	vcvt.s32.f32 v33;
	v35 =	vcvt.s32.f32 v35  }
0x328: {  	v31 =	vld.idx.msk [tilespmem:v31+s6+$0x0], $0xffff;
	v34 =	vcvt.s32.f32 v34;
	v4 =	vmul.f32 v4, v16  }
0x329: {  	v17 =	vsub.f32 v17, v41;
	v16 =	vld.idx.msk [tilespmem:v30+s6+$0x0], $0xffff;
	v8 =	vmul.f32 v8, v14;
	v5 =	vmul.f32 v5, v18  }
0x32a: {  	v14 =	vld.idx.msk [tilespmem:v28+s6+$0x0], $0xffff;
	v7 =	vmul.f32 v7, v20;
	v13 =	vsub.f32 v13, v40;
	v15 =	vsub.f32 v15, v39  }
0x32b: {  	v18 =	vld.idx.msk [tilespmem:v29+s6+$0x0], $0xffff;
	v9 =	vmul.f32 v9, v22;
	v10 =	vsub.f32 v10, v33;
	v11 =	vsub.f32 v11, v35  }
0x32c: {  	v6 =	vmul.f32 v6, v24;
	v4 =	vadd.f32 v4, v19;
	v8 =	vadd.f32 v8, v21;
	v19 =	vld.idx.msk [tilespmem:v27+s6+$0x0], $0xffff  }
0x32d: {  	v12 =	vsub.f32 v12, v34;
	v5 =	vadd.f32 v5, v23;
	v17 =	vmul.f32 v17, v26  }
0x32e: {  	v4 =	vadd.f32 v7, v4;
	v7 =	vadd.f32 v9, v8;
	v8 =	vmul.f32 v13, v51  }
0x32f: {  	[tilespmem:s16+$0x0] =	vst v25;
	v9 =	vmul.f32 v15, v36;
	v10 =	vmul.f32 v10, v31;
	v13 =	vadd.f32 v17, v32  }
0x330: {  	[tilespmem:s15+$0xFFFFFFE0] =	vst v4;
	v4 =	vadd.f32 v6, v5;
	v6 =	vmul.f32 v11, v14;
	v5 =	vadd.f32 v8, v16  }
0x331: {  	[tilespmem:s15+$0xFFFFFFF0] =	vst v7;
	v7 =	vadd.f32 v9, v18;
	v8 =	vmul.f32 v12, v19;
	v9 =	vadd.f32 v10, v13  }
0x332: {  	[tilespmem:s15+$0x0] =	vst v4;
	v4 =	vadd.f32 v6, v5  }
0x333: {  	v5 =	vadd.f32 v8, v7;
	[tilespmem:s17+$0xFFFFFFE0] =	vst v9  }
0x334: {  	[tilespmem:s17+$0xFFFFFFF0] =	vst v4  }
0x335: {  	[tilespmem:s17+$0x0] =	vst v5  }
0x336: {  	s14 =	rddreg [dreg:$0x12]  }
0x337: {  	[hbm4b:s14+s1] =	stream.linear.scatter [tilespmem:s10], [sflag:$0x6], $0x1000, $0x38;
	[tilespmem:$0x9400] =	vst v63  }
0x338: {  	_ =	swait.ge [sflag:s2], $0x1000  }
0x339: {  	[sflag:s2] =	ssyncset.done $0x0  }
0x33a: {  	[sflag:s2] =	ssyncadd.s32 $0xFFFFF000  }
0x33b: {  	_ =	swait.ge [sflag:s3], $0x1000  }
0x33c: {  	[sflag:s3] =	ssyncset.done $0x0  }
0x33d: {  	s18 =	rddreg [dreg:$0x13];
	[sflag:s3] =	ssyncadd.s32 $0xFFFFF000  }
0x33e: {  	[tilespmem:s4], [sflag:$0x2] =	stream.linear.gather [hbm4b:s18+s1], $0x1000, $0x38;
	[tilespmem:$0x9400] =	vst v63  }
0x33f: {  	s19 =	rddreg [dreg:$0x14]  }
0x340: {  	[tilespmem:s5], [sflag:$0x4] =	stream.linear.gather [hbm4b:s19+s1], $0x1000, $0x38;
	[tilespmem:$0x9400] =	vst v63  }
0x341: {  	_ =	swait.ge [sflag:s11], $0x1000  }
0x342: {  	[sflag:s11] =	ssyncset.done $0x0  }
0x343: {  	s15 =	simm.s32 $0x3420;
	[sflag:s11] =	ssyncadd.s32 $0xFFFFF000  }
0x344: {  	s16 =	simm.s32 $0x5420;
	v4 =	vld [tilespmem:s15+$0x10]  }
0x345: {  	v5 =	vld [tilespmem:s16+$0x10]  }
0x346: {  	v6 =	vld [tilespmem:s16+$0xFFFFFFE0]  }
0x347: {  	v7 =	vld [tilespmem:s15+$0xFFFFFFF0]  }
0x348: {  	v8 =	vld [tilespmem:s16+$0xFFFFFFF0]  }
0x349: {  	v9 =	vld [tilespmem:s15+$0x0]  }
0x34a: {  	v10 =	vld [tilespmem:s15+$0xFFFFFFE0]  }
0x34b: {  	v11 =	vld [tilespmem:s16+$0x0]  }
0x34c: {  	v4 =	vadd.f32 $1.000000000e+00, v4;
	v5 =	vadd.f32 $1.000000000e+00, v5  }
0x34d: {  	v6 =	vadd.f32 $1.000000000e+00, v6;
	v7 =	vadd.f32 $1.000000000e+00, v7  }
0x34e: {  	v8 =	vadd.f32 $1.000000000e+00, v8;
	v9 =	vadd.f32 $1.000000000e+00, v9  }
0x34f: {  	v10 =	vadd.f32 $1.000000000e+00, v10;
	v4 =	vmul.f32 $8.000000000e+00, v4;
	v5 =	vmul.f32 $8.000000000e+00, v5  }
0x350: {  	v11 =	vadd.f32 $1.000000000e+00, v11;
	v6 =	vmul.f32 $8.000000000e+00, v6;
	v7 =	vmul.f32 $8.000000000e+00, v7  }
0x351: {  	v8 =	vmul.f32 $8.000000000e+00, v8;
	v9 =	vmul.f32 $8.000000000e+00, v9  }
0x352: {  	v10 =	vmul.f32 $8.000000000e+00, v10;
	v11 =	vmul.f32 $8.000000000e+00, v11  }
0x353: {  	v12 =	vtrunc.f32 v4;
	v13 =	vtrunc.f32 v5  }
0x354: {  	v14 =	vtrunc.f32 v10;
	v17 =	vtrunc.f32 v6  }
0x355: {  	v18 =	vtrunc.f32 v7;
	v19 =	vtrunc.f32 v9  }
0x356: {  	v21 =	vtrunc.f32 v11;
	v12 =	vcvt.f32.s32 v12  }
0x357: {  	v13 =	vcvt.f32.s32 v13;
	v14 =	vcvt.f32.s32 v14  }
0x358: {  	v17 =	vcvt.f32.s32 v17;
	v18 =	vcvt.f32.s32 v18  }
0x359: {  	v19 =	vcvt.f32.s32 v19;
	v21 =	vcvt.f32.s32 v21  }
0x35a: {  	vm0 =	vgt.s32 v12, $0x0;
	vm1 =	vgt.s32 v13, $0x0;
	vm6 =	vgt.s32 v14, $0x0  }
0x35b: {  	vm7 =	vgt.s32 v17, $0x0;
	v12 =	vnsel vm0, $0x0, v12;
	v13 =	vnsel vm1, $0x0, v13  }
0x35c: {  	vm2 =	vgt.s32 v18, $0x0;
	v12 =	vmin.u32 v12, $0xF;
	v13 =	vmin.u32 v13, $0xF  }
0x35d: {  	vm3 =	vgt.s32 v19, $0x0;
	v15 =	vshll.u32 v12, $0x8;
	v16 =	vshll.u32 v13, $0x4  }
0x35e: {  	vm9 =	vgt.s32 v21, $0x0;
	v14 =	vnsel vm6, $0x0, v14;
	v15 =	vor.u32 v15, v16  }
0x35f: {  	v12 =	vcvt.s32.f32 v12;
	v16 =	vtrunc.f32 v8;
	v20 =	vor.u32 v2, v15  }
0x360: {  	v22 =	vor.u32 v0, v15;
	v15 =	vor.u32 v3, v15;
	v16 =	vcvt.f32.s32 v16  }
0x361: {  	v17 =	vnsel vm7, $0x0, v17;
	v4 =	vsub.f32 v4, v12;
	v12 =	vcvt.s32.f32 v13  }
0x362: {  	s18 =	simm.s32 $0x5460;
	v18 =	vnsel vm2, $0x0, v18;
	v19 =	vnsel vm3, $0x0, v19;
	vm8 =	vgt.s32 v16, $0x0  }
0x363: {  	v25 =	vld [tilespmem:s18+$0x10];
	v23 =	vmin.u32 v14, $0xF;
	v5 =	vsub.f32 v5, v12;
	v16 =	vnsel vm8, $0x0, v16  }
0x364: {  	v27 =	vld [tilespmem:s18+$0xFFFFFFE0];
	v13 =	vmin.u32 v16, $0xF;
	v16 =	vmin.u32 v19, $0xF;
	v19 =	vshll.u32 v23, $0x8  }
0x365: {  	s17 =	simm.s32 $0x3460;
	v23 =	vcvt.s32.f32 v23;
	v14 =	vld.idx.msk [tilespmem:v15+s6+$0x0], $0xffff;
	v15 =	vmin.u32 v17, $0xF;
	v17 =	vnsel vm9, $0x0, v21  }
0x366: {  	v28 =	vld [tilespmem:s17+$0xFFFFFFF0];
	v21 =	vshll.u32 v13, $0x4;
	v24 =	vshll.u32 v16, $0x8;
	v16 =	vcvt.s32.f32 v16  }
0x367: {  	v20 =	vld.idx.msk [tilespmem:v20+s6+$0x0], $0xffff;
	v13 =	vcvt.s32.f32 v13;
	v17 =	vmin.u32 v17, $0xF;
	v12 =	vshll.u32 v15, $0x4  }
0x368: {  	v15 =	vcvt.s32.f32 v15;
	v10 =	vsub.f32 v10, v23;
	v23 =	vadd.f32 $1.000000000e+00, v25  }
0x369: {  	v25 =	vadd.f32 $1.000000000e+00, v27;
	v16 =	vsub.f32 v9, v16;
	v9 =	vcvt.s32.f32 v17  }
0x36a: {  	v18 =	vmin.u32 v18, $0xF;
	v12 =	vor.u32 v19, v12;
	v13 =	vsub.f32 v8, v13  }
0x36b: {  	v22 =	vld.idx.msk [tilespmem:v22+s6+$0x0], $0xffff;
	v15 =	vsub.f32 v6, v15;
	v25 =	vmul.f32 $8.000000000e+00, v25;
	v11 =	vsub.f32 v11, v9  }
0x36c: {  	v9 =	vmul.f32 $8.000000000e+00, v23;
	v23 =	vadd.f32 $1.000000000e+00, v28;
	v4 =	vmul.f32 v4, v20  }
0x36d: {  	v20 =	vshll.u32 v18, $0x8;
	v5 =	vmul.f32 v5, v14;
	v14 =	vshll.u32 v17, $0x4  }
0x36e: {  	v8 =	vld [tilespmem:s17+$0xFFFFFFE0];
	v18 =	vcvt.s32.f32 v18;
	v53 =	vtrunc.f32 v25;
	v19 =	vor.u32 v20, v21  }
0x36f: {  	v6 =	vld [tilespmem:s17+$0x0];
	v20 =	vor.u32 v2, v12;
	v21 =	vor.u32 v24, v14;
	v28 =	vtrunc.f32 v9  }
0x370: {  	v23 =	vmul.f32 $8.000000000e+00, v23;
	v33 =	vcvt.f32.s32 v53;
	v4 =	vadd.f32 v4, v22  }
0x371: {  	v17 =	vld [tilespmem:s18+$0x0];
	v22 =	vor.u32 v2, v19;
	v24 =	vor.u32 v2, v21;
	v26 =	vor.u32 v0, v19  }
0x372: {  	v19 =	vor.u32 v3, v19;
	v29 =	vor.u32 v0, v21;
	v18 =	vsub.f32 v7, v18;
	v7 =	vld [tilespmem:s18+$0xFFFFFFF0]  }
0x373: {  	v21 =	vor.u32 v3, v21;
	v28 =	vcvt.f32.s32 v28;
	v14 =	vadd.f32 v5, v4;
	v5 =	vld [tilespmem:s17+$0x10]  }
0x374: {  	v8 =	vadd.f32 $1.000000000e+00, v8;
	v6 =	vadd.f32 $1.000000000e+00, v6;
	v54 =	vtrunc.f32 v23  }
0x375: {  	vm13 =	vgt.s32 v33, $0x0;
	v4 =	vor.u32 v0, v12;
	v12 =	vor.u32 v3, v12  }
0x376: {  	vm11 =	vgt.s32 v28, $0x0;
	v33 =	vnsel vm13, $0x0, v33;
	v6 =	vmul.f32 $8.000000000e+00, v6  }
0x377: {  	v34 =	vcvt.f32.s32 v54;
	v17 =	vadd.f32 $1.000000000e+00, v17;
	v33 =	vmin.u32 v33, $0xF  }
0x378: {  	v7 =	vadd.f32 $1.000000000e+00, v7;
	v56 =	vtrunc.f32 v6;
	v5 =	vadd.f32 $1.000000000e+00, v5  }
0x379: {  	vm14 =	vgt.s32 v34, $0x0;
	v20 =	vld.idx.msk [tilespmem:v20+s6+$0x0], $0xffff;
	v17 =	vmul.f32 $8.000000000e+00, v17;
	v35 =	vcvt.f32.s32 v56  }
0x37a: {  	v34 =	vnsel vm14, $0x0, v34;
	v22 =	vld.idx.msk [tilespmem:v22+s6+$0x0], $0xffff;
	v30 =	vmul.f32 $8.000000000e+00, v7;
	v5 =	vmul.f32 $8.000000000e+00, v5  }
0x37b: {  	v24 =	vld.idx.msk [tilespmem:v24+s6+$0x0], $0xffff;
	v34 =	vmin.u32 v34, $0xF;
	v7 =	vmul.f32 $8.000000000e+00, v8;
	v58 =	vtrunc.f32 v17  }
0x37c: {  	v63 =	vld.idx.msk [tilespmem:v4+s6+$0x0], $0xffff;
	v4 =	vshll.u32 v33, $0x4;
	v37 =	vcvt.f32.s32 v58;
	v27 =	vtrunc.f32 v5  }
0x37d: {  	s14 =	simm.s32 $0x54A0;
	v19 =	vld.idx.msk [tilespmem:v19+s6+$0x0], $0xffff;
	vm6 =	vgt.s32 v35, $0x0;
	v55 =	vtrunc.f32 v30;
	v27 =	vcvt.f32.s32 v27  }
0x37e: {  	v53 =	vld [tilespmem:s14+$0x10];
	v35 =	vnsel vm6, $0x0, v35;
	v10 =	vmul.f32 v10, v20;
	v32 =	vcvt.f32.s32 v55  }
0x37f: {  	vm7 =	vgt.s32 v37, $0x0;
	v60 =	vmin.u32 v35, $0xF;
	vm10 =	vgt.s32 v27, $0x0  }
0x380: {  	v12 =	vld.idx.msk [tilespmem:v12+s6+$0x0], $0xffff;
	v18 =	vmul.f32 v18, v22;
	v8 =	vnsel vm10, $0x0, v27;
	v27 =	vnsel vm11, $0x0, v28  }
0x381: {  	v26 =	vld.idx.msk [tilespmem:v26+s6+$0x0], $0xffff;
	v16 =	vmul.f32 v16, v24;
	v8 =	vmin.u32 v8, $0xF;
	v27 =	vmin.u32 v27, $0xF  }
0x382: {  	s19 =	simm.s32 $0x34A0;
	v21 =	vld.idx.msk [tilespmem:v21+s6+$0x0], $0xffff;
	v13 =	vmul.f32 v13, v19;
	v31 =	vshll.u32 v8, $0x8;
	v52 =	vshll.u32 v27, $0x4  }
0x383: {  	v20 =	vld [tilespmem:s19+$0xFFFFFFF0];
	v19 =	vadd.f32 $1.000000000e+00, v53;
	v37 =	vnsel vm7, $0x0, v37;
	v31 =	vor.u32 v31, v52  }
0x384: {  	v24 =	vld [tilespmem:s19+$0xFFFFFFE0];
	v46 =	vshll.u32 v60, $0x8;
	vm15 =	vgt.s32 v32, $0x0;
	v57 =	vor.u32 v2, v31  }
0x385: {  	v12 =	vmul.f32 v15, v12;
	v15 =	vld [tilespmem:s19+$0x0];
	v59 =	vor.u32 v0, v31;
	v31 =	vor.u32 v3, v31  }
0x386: {  	v61 =	vmin.u32 v37, $0xF;
	v10 =	vadd.f32 v10, v63;
	v28 =	vtrunc.f32 v7  }
0x387: {  	v18 =	vadd.f32 v18, v26;
	v26 =	vmul.f32 v11, v21;
	v28 =	vcvt.f32.s32 v28  }
0x388: {  	v19 =	vmul.f32 $8.000000000e+00, v19;
	v32 =	vnsel vm15, $0x0, v32;
	v21 =	vadd.f32 v12, v10  }
0x389: {  	v12 =	vadd.f32 $1.000000000e+00, v20;
	v8 =	vcvt.s32.f32 v8;
	vm12 =	vgt.s32 v28, $0x0;
	v36 =	vld.idx.msk [tilespmem:v57+s6+$0x0], $0xffff  }
0x38a: {  	v24 =	vadd.f32 $1.000000000e+00, v24;
	v15 =	vadd.f32 $1.000000000e+00, v15;
	v28 =	vnsel vm12, $0x0, v28;
	v31 =	vld.idx.msk [tilespmem:v31+s6+$0x0], $0xffff  }
0x38b: {  	v5 =	vsub.f32 v5, v8;
	v8 =	vcvt.s32.f32 v27;
	v27 =	vmin.u32 v32, $0xF;
	v38 =	vld.idx.msk [tilespmem:v59+s6+$0x0], $0xffff  }
0x38c: {  	v15 =	vmul.f32 $8.000000000e+00, v15;
	v28 =	vmin.u32 v28, $0xF;
	v45 =	vshll.u32 v27, $0x4  }
0x38d: {  	v27 =	vcvt.s32.f32 v27;
	v62 =	vshll.u32 v28, $0x8;
	v8 =	vsub.f32 v9, v8  }
0x38e: {  	v9 =	vshll.u32 v34, $0x8;
	v54 =	vtrunc.f32 v15;
	v5 =	vmul.f32 v5, v36  }
0x38f: {  	v47 =	vor.u32 v9, v45;
	v9 =	vcvt.s32.f32 v60;
	v8 =	vmul.f32 v8, v31  }
0x390: {  	v31 =	vor.u32 v62, v4;
	v4 =	vshll.u32 v61, $0x4;
	v5 =	vadd.f32 v5, v38  }
0x391: {  	v29 =	vld.idx.msk [tilespmem:v29+s6+$0x0], $0xffff;
	v32 =	vcvt.f32.s32 v54;
	v42 =	vor.u32 v2, v47;
	v49 =	vor.u32 v46, v4  }
0x392: {  	v52 =	vld [tilespmem:s19+$0x10];
	v4 =	vcvt.s32.f32 v28;
	v50 =	vadd.f32 v8, v5;
	v5 =	vcvt.s32.f32 v34  }
0x393: {  	v58 =	vor.u32 v0, v47;
	v43 =	vor.u32 v3, v47;
	vm14 =	vgt.s32 v32, $0x0  }
0x394: {  	v4 =	vsub.f32 v7, v4;
	v7 =	vcvt.s32.f32 v33;
	v8 =	vsub.f32 v23, v5;
	v23 =	vld [tilespmem:s14+$0xFFFFFFE0]  }
0x395: {  	v32 =	vnsel vm14, $0x0, v32;
	v5 =	vsub.f32 v6, v9;
	v6 =	vcvt.s32.f32 v61  }
0x396: {  	v47 =	vmin.u32 v32, $0xF;
	v7 =	vsub.f32 v25, v7;
	v25 =	vadd.f32 v16, v29  }
0x397: {  	v48 =	vor.u32 v2, v31;
	v16 =	vadd.f32 $1.000000000e+00, v52;
	v6 =	vsub.f32 v17, v6;
	v17 =	vld [tilespmem:s14+$0xFFFFFFF0]  }
0x398: {  	v51 =	vor.u32 v0, v31;
	v22 =	vor.u32 v3, v31;
	v28 =	vor.u32 v2, v49  }
0x399: {  	v11 =	vld [tilespmem:s14+$0x0];
	v44 =	vor.u32 v0, v49;
	v16 =	vmul.f32 $8.000000000e+00, v16;
	v23 =	vadd.f32 $1.000000000e+00, v23  }
0x39a: {  	v39 =	vor.u32 v3, v49;
	v9 =	vsub.f32 v30, v27;
	v61 =	vshll.u32 v47, $0x8  }
0x39b: {  	v10 =	vmul.f32 $8.000000000e+00, v23;
	v23 =	vadd.f32 v13, v18;
	v13 =	vtrunc.f32 v16  }
0x39c: {  	v17 =	vadd.f32 $1.000000000e+00, v17;
	v18 =	vtrunc.f32 v19;
	v20 =	vcvt.f32.s32 v13  }
0x39d: {  	v25 =	vadd.f32 v26, v25;
	v18 =	vcvt.f32.s32 v18;
	v13 =	vmul.f32 $8.000000000e+00, v12  }
0x39e: {  	v12 =	vadd.f32 $1.000000000e+00, v11;
	v11 =	vmul.f32 $8.000000000e+00, v17;
	v17 =	vmul.f32 $8.000000000e+00, v24  }
0x39f: {  	v30 =	vtrunc.f32 v10;
	vm8 =	vgt.s32 v20, $0x0;
	vm9 =	vgt.s32 v18, $0x0  }
0x3a0: {  	v12 =	vmul.f32 $8.000000000e+00, v12;
	v20 =	vnsel vm8, $0x0, v20;
	v18 =	vnsel vm9, $0x0, v18  }
0x3a1: {  	v31 =	vtrunc.f32 v13;
	v20 =	vmin.u32 v20, $0xF;
	v18 =	vmin.u32 v18, $0xF  }
0x3a2: {  	v30 =	vcvt.f32.s32 v30;
	v27 =	vshll.u32 v20, $0x8;
	v29 =	vshll.u32 v18, $0x4  }
0x3a3: {  	v24 =	vtrunc.f32 v17;
	v31 =	vcvt.f32.s32 v31;
	v27 =	vor.u32 v27, v29  }
0x3a4: {  	v24 =	vcvt.f32.s32 v24;
	v56 =	vtrunc.f32 v12;
	v55 =	vor.u32 v2, v27  }
0x3a5: {  	vm11 =	vgt.s32 v30, $0x0;
	vm12 =	vgt.s32 v31, $0x0;
	v57 =	vor.u32 v0, v27  }
0x3a6: {  	v34 =	vcvt.f32.s32 v56;
	v20 =	vcvt.s32.f32 v20;
	v27 =	vor.u32 v3, v27  }
0x3a7: {  	v30 =	vnsel vm11, $0x0, v30;
	v18 =	vcvt.s32.f32 v18;
	v29 =	vtrunc.f32 v11  }
0x3a8: {  	vm10 =	vgt.s32 v24, $0x0;
	v31 =	vnsel vm12, $0x0, v31;
	v33 =	vmin.u32 v30, $0xF  }
0x3a9: {  	v29 =	vcvt.f32.s32 v29;
	v24 =	vnsel vm10, $0x0, v24;
	vm15 =	vgt.s32 v34, $0x0;
	v59 =	vld.idx.msk [tilespmem:v55+s6+$0x0], $0xffff  }
0x3aa: {  	v46 =	vmin.u32 v31, $0xF;
	v20 =	vsub.f32 v16, v20;
	v19 =	vsub.f32 v19, v18;
	v45 =	vld.idx.msk [tilespmem:v57+s6+$0x0], $0xffff  }
0x3ab: {  	s16 =	simm.s32 $0x7420;
	v30 =	vshll.u32 v33, $0x4;
	v34 =	vnsel vm15, $0x0, v34;
	v24 =	vmin.u32 v24, $0xF;
	v27 =	vld.idx.msk [tilespmem:v27+s6+$0x0], $0xffff  }
0x3ac: {  	[tilespmem:s16+$0x10] =	vst v14;
	v14 =	vld.idx.msk [tilespmem:v42+s6+$0x0], $0xffff;
	v31 =	vshll.u32 v46, $0x8;
	v40 =	vcvt.s32.f32 v46;
	vm13 =	vgt.s32 v29, $0x0  }
0x3ad: {  	[tilespmem:s16+$0xFFFFFFF0] =	vst v23;
	v23 =	vld.idx.msk [tilespmem:v44+s6+$0x0], $0xffff;
	v34 =	vmin.u32 v34, $0xF;
	v41 =	vcvt.s32.f32 v24;
	v29 =	vnsel vm13, $0x0, v29  }
0x3ae: {  	s15 =	simm.s32 $0x7460;
	[tilespmem:s16+$0xFFFFFFE0] =	vst v21;
	v16 =	vld.idx.msk [tilespmem:v48+s6+$0x0], $0xffff;
	v21 =	vshll.u32 v34, $0x4;
	v35 =	vmin.u32 v29, $0xF;
	v20 =	vmul.f32 v20, v59  }
0x3af: {  	[tilespmem:s15+$0x10] =	vst v50;
	v18 =	vld.idx.msk [tilespmem:v28+s6+$0x0], $0xffff;
	v29 =	vshll.u32 v24, $0x8;
	v63 =	vor.u32 v61, v21;
	v60 =	vshll.u32 v35, $0x4  }
0x3b0: {  	v21 =	vld.idx.msk [tilespmem:v58+s6+$0x0], $0xffff;
	v29 =	vor.u32 v29, v30;
	v27 =	vmul.f32 v19, v27;
	v28 =	vadd.f32 v20, v45  }
0x3b1: {  	v24 =	vld.idx.msk [tilespmem:v39+s6+$0x0], $0xffff;
	v36 =	vor.u32 v2, v63;
	v62 =	vor.u32 v31, v60;
	v37 =	vor.u32 v2, v29  }
0x3b2: {  	v32 =	vor.u32 v0, v29;
	v31 =	vor.u32 v3, v29;
	v19 =	vld.idx.msk [tilespmem:v51+s6+$0x0], $0xffff;
	v45 =	vadd.f32 v27, v28  }
0x3b3: {  	s17 =	simm.s32 $0x74A0;
	v29 =	vor.u32 v0, v63;
	v38 =	vor.u32 v2, v62;
	v30 =	vor.u32 v0, v62;
	v20 =	vld.idx.msk [tilespmem:v22+s6+$0x0], $0xffff  }
0x3b4: {  	s18 =	simm.s32 $0x8;
	s19 =	simm.s32 $0x34E0;
	v39 =	vcvt.s32.f32 v47;
	v22 =	vld.idx.msk [tilespmem:v43+s6+$0x0], $0xffff;
	v28 =	vor.u32 v3, v62;
	v27 =	vor.u32 v3, v63;
	[tilespmem:s17+$0x10] =	vst v45  }
.LBB2_14:
0x3b5: {  	v42 =	vld [tilespmem:s19+$0x10];
	v17 =	vsub.f32 v17, v41;
	v26 =	vcvt.s32.f32 v33;
	v33 =	vcvt.s32.f32 v35;
	s14 =	sadd.s32 $0x40, s14  }
0x3b6: {  	s18 =	sadd.s32 $0x4, s18;
	v34 =	vcvt.s32.f32 v34;
	v35 =	vld [tilespmem:s14+$0x10];
	v13 =	vsub.f32 v13, v40;
	v15 =	vsub.f32 v15, v39;
	[tilespmem:s16+$0x0] =	vst v25;
	s16 =	smov.u32 s15;
	s15 =	smov.u32 s17  }
0x3b7: {  	v16 =	vmul.f32 v4, v16;
	v14 =	vmul.f32 v8, v14;
	p0 =	slt.u32 s18, $0xFC;
	v39 =	vld [tilespmem:s14+$0xFFFFFFE0];
	v10 =	vsub.f32 v10, v26;
	v4 =	vmovc v17  }
0x3b8: {  	v18 =	vmul.f32 v5, v18;
	v11 =	vsub.f32 v11, v33;
	v12 =	vsub.f32 v12, v34;
	v17 =	vld [tilespmem:s19+$0xFFFFFFF0];
	v8 =	vmovc v13  }
0x3b9: {  	v16 =	vadd.f32 v16, v19;
	v19 =	vmul.f32 v7, v20;
	v20 =	vadd.f32 v14, v21;
	v5 =	vmovc v15;
	v13 =	vld [tilespmem:s14+$0xFFFFFFF0]  }
0x3ba: {  	v21 =	vmul.f32 v9, v22;
	v25 =	vadd.f32 v18, v23;
	v26 =	vmul.f32 v6, v24;
	v7 =	vmovc v10;
	v15 =	vld [tilespmem:s19+$0x0]  }
0x3bb: {  	v9 =	vmovc v11;
	v6 =	vmov v12;
	v10 =	vadd.f32 $1.000000000e+00, v42;
	v22 =	vld [tilespmem:s14+$0x0];
	v14 =	vadd.f32 $1.000000000e+00, v35  }
0x3bc: {  	v18 =	vadd.f32 v19, v16;
	v11 =	vld [tilespmem:s19+$0xFFFFFFE0];
	v12 =	vadd.f32 $1.000000000e+00, v39  }
0x3bd: {  	v34 =	vmul.f32 $8.000000000e+00, v10;
	v17 =	vadd.f32 $1.000000000e+00, v17;
	v39 =	vmul.f32 $8.000000000e+00, v14;
	v16 =	vld.idx.msk [tilespmem:v37+s6+$0x0], $0xffff  }
0x3be: {  	v10 =	vmul.f32 $8.000000000e+00, v12;
	v12 =	vadd.f32 $1.000000000e+00, v13;
	v14 =	vld.idx.msk [tilespmem:v38+s6+$0x0], $0xffff;
	[tilespmem:s16+$0xFFFFFFE0] =	vst v18;
	v13 =	vadd.f32 v21, v20  }
0x3bf: {  	v19 =	vtrunc.f32 v34;
	v15 =	vadd.f32 $1.000000000e+00, v15;
	v20 =	vtrunc.f32 v39;
	v18 =	vld.idx.msk [tilespmem:v36+s6+$0x0], $0xffff  }
0x3c0: {  	v23 =	vadd.f32 $1.000000000e+00, v22;
	v22 =	vcvt.f32.s32 v19;
	v24 =	vcvt.f32.s32 v20;
	v19 =	vld.idx.msk [tilespmem:v32+s6+$0x0], $0xffff;
	[tilespmem:s16+$0xFFFFFFF0] =	vst v13  }
0x3c1: {  	v13 =	vmul.f32 $8.000000000e+00, v17;
	v32 =	vadd.f32 $1.000000000e+00, v11;
	v11 =	vmul.f32 $8.000000000e+00, v12;
	v20 =	vld.idx.msk [tilespmem:v31+s6+$0x0], $0xffff  }
0x3c2: {  	v15 =	vmul.f32 $8.000000000e+00, v15;
	vm0 =	vgt.s32 v22, $0x0;
	vm1 =	vgt.s32 v24, $0x0;
	v21 =	vld.idx.msk [tilespmem:v30+s6+$0x0], $0xffff  }
0x3c3: {  	v17 =	vmul.f32 $8.000000000e+00, v32;
	v30 =	vnsel vm0, $0x0, v22;
	v24 =	vnsel vm1, $0x0, v24;
	v22 =	vld.idx.msk [tilespmem:v28+s6+$0x0], $0xffff  }
0x3c4: {  	v12 =	vmul.f32 $8.000000000e+00, v23;
	v28 =	vmin.u32 v30, $0xF;
	v30 =	vmin.u32 v24, $0xF;
	v23 =	vld.idx.msk [tilespmem:v29+s6+$0x0], $0xffff  }
0x3c5: {  	v29 =	vtrunc.f32 v17;
	v31 =	vshll.u32 v28, $0x8;
	v32 =	vshll.u32 v30, $0x4;
	v24 =	vld.idx.msk [tilespmem:v27+s6+$0x0], $0xffff  }
0x3c6: {  	v33 =	vtrunc.f32 v13;
	v27 =	vtrunc.f32 v10;
	v31 =	vor.u32 v31, v32  }
0x3c7: {  	v35 =	vtrunc.f32 v15;
	v32 =	vtrunc.f32 v11;
	v36 =	vor.u32 v2, v31  }
0x3c8: {  	v37 =	vtrunc.f32 v12;
	v29 =	vcvt.f32.s32 v29;
	v38 =	vor.u32 v0, v31  }
0x3c9: {  	v33 =	vcvt.f32.s32 v33;
	v27 =	vcvt.f32.s32 v27;
	v31 =	vor.u32 v3, v31  }
0x3ca: {  	v35 =	vcvt.f32.s32 v35;
	v32 =	vcvt.f32.s32 v32;
	vm0 =	vgt.s32 v29, $0x0  }
0x3cb: {  	vm2 =	vgt.s32 v33, $0x0;
	v37 =	vcvt.f32.s32 v37;
	vm1 =	vgt.s32 v27, $0x0  }
0x3cc: {  	vm3 =	vgt.s32 v35, $0x0;
	v29 =	vnsel vm0, $0x0, v29;
	vm0 =	vgt.s32 v32, $0x0;
	v36 =	vld.idx.msk [tilespmem:v36+s6+$0x0], $0xffff  }
0x3cd: {  	v40 =	vnsel vm2, $0x0, v33;
	v27 =	vnsel vm1, $0x0, v27;
	vm1 =	vgt.s32 v37, $0x0;
	v38 =	vld.idx.msk [tilespmem:v38+s6+$0x0], $0xffff  }
0x3ce: {  	v28 =	vcvt.s32.f32 v28;
	v41 =	vnsel vm3, $0x0, v35;
	v32 =	vnsel vm0, $0x0, v32;
	v31 =	vld.idx.msk [tilespmem:v31+s6+$0x0], $0xffff  }
0x3cf: {  	v29 =	vmin.u32 v29, $0xF;
	v33 =	vmin.u32 v27, $0xF;
	v27 =	vnsel vm1, $0x0, v37  }
0x3d0: {  	v30 =	vcvt.s32.f32 v30;
	v40 =	vmin.u32 v40, $0xF;
	v28 =	vsub.f32 v34, v28  }
0x3d1: {  	v42 =	vmin.u32 v41, $0xF;
	v35 =	vmin.u32 v32, $0xF;
	v34 =	vmin.u32 v27, $0xF  }
0x3d2: {  	v30 =	vsub.f32 v39, v30;
	v27 =	vshll.u32 v29, $0x8;
	v28 =	vmul.f32 v28, v36  }
0x3d3: {  	v32 =	vshll.u32 v33, $0x4;
	v37 =	vshll.u32 v35, $0x4;
	v36 =	vshll.u32 v40, $0x8  }
0x3d4: {  	v39 =	vshll.u32 v42, $0x8;
	v28 =	vadd.f32 v28, v38;
	v30 =	vmul.f32 v30, v31  }
0x3d5: {  	v27 =	vor.u32 v27, v32;
	v41 =	vor.u32 v36, v37;
	v31 =	vshll.u32 v34, $0x4  }
.Ltmp6:
0x3d6: {  	v37 =	vor.u32 v2, v27;
	v39 =	vor.u32 v39, v31;
	v43 =	vadd.f32 v30, v28;
	(pc) =	sbr.rel @p0 .LBB2_14-.Ltmp6, $4  }
0x3d7: {  	s17 =	sadd.s32 $0x40, s17;
	v32 =	vor.u32 v0, v27;
	v38 =	vor.u32 v2, v41;
	v36 =	vor.u32 v2, v39  }
0x3d8: {  	v31 =	vor.u32 v3, v27;
	v30 =	vor.u32 v0, v41;
	v28 =	vor.u32 v3, v41;
	[tilespmem:s17+$0x10] =	vst v43  }
0x3d9: {  	v41 =	vcvt.s32.f32 v29;
	v29 =	vor.u32 v0, v39;
	v27 =	vor.u32 v3, v39  }
0x3da: {  	v25 =	vadd.f32 v26, v25;
	s19 =	sadd.s32 $0x40, s19;
	v40 =	vcvt.s32.f32 v40;
	v39 =	vcvt.s32.f32 v42  }
0x3db: {  	_ =	sdelay $0x3  }
0x3dc: {  	v26 =	vld.idx.msk [tilespmem:v37+s6+$0x0], $0xffff  }
0x3dd: {  	v51 =	vld.idx.msk [tilespmem:v38+s6+$0x0], $0xffff  }
0x3de: {  	v36 =	vld.idx.msk [tilespmem:v36+s6+$0x0], $0xffff  }
0x3df: {  	v32 =	vld.idx.msk [tilespmem:v32+s6+$0x0], $0xffff;
	v33 =	vcvt.s32.f32 v33;
	v35 =	vcvt.s32.f32 v35  }
0x3e0: {  	v31 =	vld.idx.msk [tilespmem:v31+s6+$0x0], $0xffff;
	v34 =	vcvt.s32.f32 v34;
	v4 =	vmul.f32 v4, v16  }
0x3e1: {  	v17 =	vsub.f32 v17, v41;
	v16 =	vld.idx.msk [tilespmem:v30+s6+$0x0], $0xffff;
	v8 =	vmul.f32 v8, v14;
	v5 =	vmul.f32 v5, v18  }
0x3e2: {  	v14 =	vld.idx.msk [tilespmem:v28+s6+$0x0], $0xffff;
	v7 =	vmul.f32 v7, v20;
	v13 =	vsub.f32 v13, v40;
	v15 =	vsub.f32 v15, v39  }
0x3e3: {  	v18 =	vld.idx.msk [tilespmem:v29+s6+$0x0], $0xffff;
	v9 =	vmul.f32 v9, v22;
	v10 =	vsub.f32 v10, v33;
	v11 =	vsub.f32 v11, v35  }
0x3e4: {  	v6 =	vmul.f32 v6, v24;
	v4 =	vadd.f32 v4, v19;
	v8 =	vadd.f32 v8, v21;
	v19 =	vld.idx.msk [tilespmem:v27+s6+$0x0], $0xffff  }
0x3e5: {  	v12 =	vsub.f32 v12, v34;
	v5 =	vadd.f32 v5, v23;
	v17 =	vmul.f32 v17, v26  }
0x3e6: {  	v4 =	vadd.f32 v7, v4;
	v7 =	vadd.f32 v9, v8;
	v8 =	vmul.f32 v13, v51  }
0x3e7: {  	[tilespmem:s16+$0x0] =	vst v25;
	v9 =	vmul.f32 v15, v36;
	v10 =	vmul.f32 v10, v31;
	v13 =	vadd.f32 v17, v32  }
0x3e8: {  	[tilespmem:s15+$0xFFFFFFE0] =	vst v4;
	v4 =	vadd.f32 v6, v5;
	v6 =	vmul.f32 v11, v14;
	v5 =	vadd.f32 v8, v16  }
0x3e9: {  	[tilespmem:s15+$0xFFFFFFF0] =	vst v7;
	v7 =	vadd.f32 v9, v18;
	v8 =	vmul.f32 v12, v19;
	v9 =	vadd.f32 v10, v13  }
0x3ea: {  	[tilespmem:s15+$0x0] =	vst v4;
	v4 =	vadd.f32 v6, v5  }
0x3eb: {  	v5 =	vadd.f32 v8, v7;
	[tilespmem:s17+$0xFFFFFFE0] =	vst v9  }
0x3ec: {  	[tilespmem:s17+$0xFFFFFFF0] =	vst v4  }
0x3ed: {  	[tilespmem:s17+$0x0] =	vst v5  }
0x3ee: {  	s14 =	rddreg [dreg:$0x15]  }
0x3ef: {  	[hbm4b:s14+s1] =	stream.linear.scatter [tilespmem:s7], [sflag:$0x5], $0x1000, $0x38;
	[tilespmem:$0x9400] =	vst v63  }
0x3f0: {  	_ =	swait.ge [sflag:s8], $0x1000  }
0x3f1: {  	[sflag:s8] =	ssyncset.done $0x0  }
0x3f2: {  	[sflag:s8] =	ssyncadd.s32 $0xFFFFF000  }
0x3f3: {  	_ =	swait.ge [sflag:s9], $0x1000  }
0x3f4: {  	[sflag:s9] =	ssyncset.done $0x0  }
0x3f5: {  	[sflag:s9] =	ssyncadd.s32 $0xFFFFF000  }
0x3f6: {  	[tilespmem:s31], [sflag:$0x1] =	stream.linear.gather [hbm4b:s21+s1], $0x1000, $0x38;
	[tilespmem:$0x9400] =	vst v63  }
0x3f7: {  	_ = 	snop  }
0x3f8: {  	[tilespmem:s20], [sflag:$0x3] =	stream.linear.gather [hbm4b:s23+s1], $0x1000, $0x38;
	[tilespmem:$0x9400] =	vst v63  }
0x3f9: {  	_ =	swait.ge [sflag:s12], $0x1000  }
0x3fa: {  	[sflag:s12] =	ssyncset.done $0x0  }
0x3fb: {  	s15 =	simm.s32 $0x4420;
	[sflag:s12] =	ssyncadd.s32 $0xFFFFF000  }
0x3fc: {  	s16 =	simm.s32 $0x6420;
	v4 =	vld [tilespmem:s15+$0x10]  }
0x3fd: {  	v5 =	vld [tilespmem:s16+$0x10]  }
0x3fe: {  	v6 =	vld [tilespmem:s16+$0xFFFFFFE0]  }
0x3ff: {  	v7 =	vld [tilespmem:s15+$0xFFFFFFF0]  }
0x400: {  	v8 =	vld [tilespmem:s16+$0xFFFFFFF0]  }
0x401: {  	v9 =	vld [tilespmem:s15+$0x0]  }
0x402: {  	v10 =	vld [tilespmem:s15+$0xFFFFFFE0]  }
0x403: {  	v11 =	vld [tilespmem:s16+$0x0]  }
0x404: {  	v4 =	vadd.f32 $1.000000000e+00, v4;
	v5 =	vadd.f32 $1.000000000e+00, v5  }
0x405: {  	v6 =	vadd.f32 $1.000000000e+00, v6;
	v7 =	vadd.f32 $1.000000000e+00, v7  }
0x406: {  	v8 =	vadd.f32 $1.000000000e+00, v8;
	v9 =	vadd.f32 $1.000000000e+00, v9  }
0x407: {  	v10 =	vadd.f32 $1.000000000e+00, v10;
	v4 =	vmul.f32 $8.000000000e+00, v4;
	v5 =	vmul.f32 $8.000000000e+00, v5  }
0x408: {  	v11 =	vadd.f32 $1.000000000e+00, v11;
	v6 =	vmul.f32 $8.000000000e+00, v6;
	v7 =	vmul.f32 $8.000000000e+00, v7  }
0x409: {  	v8 =	vmul.f32 $8.000000000e+00, v8;
	v9 =	vmul.f32 $8.000000000e+00, v9  }
0x40a: {  	v10 =	vmul.f32 $8.000000000e+00, v10;
	v11 =	vmul.f32 $8.000000000e+00, v11  }
0x40b: {  	v12 =	vtrunc.f32 v4;
	v13 =	vtrunc.f32 v5  }
0x40c: {  	v14 =	vtrunc.f32 v10;
	v17 =	vtrunc.f32 v6  }
0x40d: {  	v18 =	vtrunc.f32 v7;
	v19 =	vtrunc.f32 v9  }
0x40e: {  	v21 =	vtrunc.f32 v11;
	v12 =	vcvt.f32.s32 v12  }
0x40f: {  	v13 =	vcvt.f32.s32 v13;
	v14 =	vcvt.f32.s32 v14  }
0x410: {  	v17 =	vcvt.f32.s32 v17;
	v18 =	vcvt.f32.s32 v18  }
0x411: {  	v19 =	vcvt.f32.s32 v19;
	v21 =	vcvt.f32.s32 v21  }
0x412: {  	vm0 =	vgt.s32 v12, $0x0;
	vm1 =	vgt.s32 v13, $0x0;
	vm6 =	vgt.s32 v14, $0x0  }
0x413: {  	vm7 =	vgt.s32 v17, $0x0;
	v12 =	vnsel vm0, $0x0, v12;
	v13 =	vnsel vm1, $0x0, v13  }
0x414: {  	vm2 =	vgt.s32 v18, $0x0;
	v12 =	vmin.u32 v12, $0xF;
	v13 =	vmin.u32 v13, $0xF  }
0x415: {  	vm3 =	vgt.s32 v19, $0x0;
	v15 =	vshll.u32 v12, $0x8;
	v16 =	vshll.u32 v13, $0x4  }
0x416: {  	vm9 =	vgt.s32 v21, $0x0;
	v14 =	vnsel vm6, $0x0, v14;
	v15 =	vor.u32 v15, v16  }
0x417: {  	v12 =	vcvt.s32.f32 v12;
	v16 =	vtrunc.f32 v8;
	v20 =	vor.u32 v2, v15  }
0x418: {  	v22 =	vor.u32 v0, v15;
	v15 =	vor.u32 v3, v15;
	v16 =	vcvt.f32.s32 v16  }
0x419: {  	v17 =	vnsel vm7, $0x0, v17;
	v4 =	vsub.f32 v4, v12;
	v12 =	vcvt.s32.f32 v13  }
0x41a: {  	s18 =	simm.s32 $0x6460;
	v18 =	vnsel vm2, $0x0, v18;
	v19 =	vnsel vm3, $0x0, v19;
	vm8 =	vgt.s32 v16, $0x0  }
0x41b: {  	v25 =	vld [tilespmem:s18+$0x10];
	v23 =	vmin.u32 v14, $0xF;
	v5 =	vsub.f32 v5, v12;
	v16 =	vnsel vm8, $0x0, v16  }
0x41c: {  	v27 =	vld [tilespmem:s18+$0xFFFFFFE0];
	v13 =	vmin.u32 v16, $0xF;
	v16 =	vmin.u32 v19, $0xF;
	v19 =	vshll.u32 v23, $0x8  }
0x41d: {  	s17 =	simm.s32 $0x4460;
	v23 =	vcvt.s32.f32 v23;
	v14 =	vld.idx.msk [tilespmem:v15+s6+$0x0], $0xffff;
	v15 =	vmin.u32 v17, $0xF;
	v17 =	vnsel vm9, $0x0, v21  }
0x41e: {  	v28 =	vld [tilespmem:s17+$0xFFFFFFF0];
	v21 =	vshll.u32 v13, $0x4;
	v24 =	vshll.u32 v16, $0x8;
	v16 =	vcvt.s32.f32 v16  }
0x41f: {  	v20 =	vld.idx.msk [tilespmem:v20+s6+$0x0], $0xffff;
	v13 =	vcvt.s32.f32 v13;
	v17 =	vmin.u32 v17, $0xF;
	v12 =	vshll.u32 v15, $0x4  }
0x420: {  	v15 =	vcvt.s32.f32 v15;
	v10 =	vsub.f32 v10, v23;
	v23 =	vadd.f32 $1.000000000e+00, v25  }
0x421: {  	v25 =	vadd.f32 $1.000000000e+00, v27;
	v16 =	vsub.f32 v9, v16;
	v9 =	vcvt.s32.f32 v17  }
0x422: {  	v18 =	vmin.u32 v18, $0xF;
	v12 =	vor.u32 v19, v12;
	v13 =	vsub.f32 v8, v13  }
0x423: {  	v22 =	vld.idx.msk [tilespmem:v22+s6+$0x0], $0xffff;
	v15 =	vsub.f32 v6, v15;
	v25 =	vmul.f32 $8.000000000e+00, v25;
	v11 =	vsub.f32 v11, v9  }
0x424: {  	v9 =	vmul.f32 $8.000000000e+00, v23;
	v23 =	vadd.f32 $1.000000000e+00, v28;
	v4 =	vmul.f32 v4, v20  }
0x425: {  	v20 =	vshll.u32 v18, $0x8;
	v5 =	vmul.f32 v5, v14;
	v14 =	vshll.u32 v17, $0x4  }
0x426: {  	v8 =	vld [tilespmem:s17+$0xFFFFFFE0];
	v18 =	vcvt.s32.f32 v18;
	v53 =	vtrunc.f32 v25;
	v19 =	vor.u32 v20, v21  }
0x427: {  	v6 =	vld [tilespmem:s17+$0x0];
	v20 =	vor.u32 v2, v12;
	v21 =	vor.u32 v24, v14;
	v28 =	vtrunc.f32 v9  }
0x428: {  	v23 =	vmul.f32 $8.000000000e+00, v23;
	v33 =	vcvt.f32.s32 v53;
	v4 =	vadd.f32 v4, v22  }
0x429: {  	v17 =	vld [tilespmem:s18+$0x0];
	v22 =	vor.u32 v2, v19;
	v24 =	vor.u32 v2, v21;
	v26 =	vor.u32 v0, v19  }
0x42a: {  	v19 =	vor.u32 v3, v19;
	v29 =	vor.u32 v0, v21;
	v18 =	vsub.f32 v7, v18;
	v7 =	vld [tilespmem:s18+$0xFFFFFFF0]  }
0x42b: {  	v21 =	vor.u32 v3, v21;
	v28 =	vcvt.f32.s32 v28;
	v14 =	vadd.f32 v5, v4;
	v5 =	vld [tilespmem:s17+$0x10]  }
0x42c: {  	v8 =	vadd.f32 $1.000000000e+00, v8;
	v6 =	vadd.f32 $1.000000000e+00, v6;
	v54 =	vtrunc.f32 v23  }
0x42d: {  	vm13 =	vgt.s32 v33, $0x0;
	v4 =	vor.u32 v0, v12;
	v12 =	vor.u32 v3, v12  }
0x42e: {  	vm11 =	vgt.s32 v28, $0x0;
	v33 =	vnsel vm13, $0x0, v33;
	v6 =	vmul.f32 $8.000000000e+00, v6  }
0x42f: {  	v34 =	vcvt.f32.s32 v54;
	v17 =	vadd.f32 $1.000000000e+00, v17;
	v33 =	vmin.u32 v33, $0xF  }
0x430: {  	v7 =	vadd.f32 $1.000000000e+00, v7;
	v56 =	vtrunc.f32 v6;
	v5 =	vadd.f32 $1.000000000e+00, v5  }
0x431: {  	vm14 =	vgt.s32 v34, $0x0;
	v20 =	vld.idx.msk [tilespmem:v20+s6+$0x0], $0xffff;
	v17 =	vmul.f32 $8.000000000e+00, v17;
	v35 =	vcvt.f32.s32 v56  }
0x432: {  	v34 =	vnsel vm14, $0x0, v34;
	v22 =	vld.idx.msk [tilespmem:v22+s6+$0x0], $0xffff;
	v30 =	vmul.f32 $8.000000000e+00, v7;
	v5 =	vmul.f32 $8.000000000e+00, v5  }
0x433: {  	v24 =	vld.idx.msk [tilespmem:v24+s6+$0x0], $0xffff;
	v34 =	vmin.u32 v34, $0xF;
	v7 =	vmul.f32 $8.000000000e+00, v8;
	v58 =	vtrunc.f32 v17  }
0x434: {  	v63 =	vld.idx.msk [tilespmem:v4+s6+$0x0], $0xffff;
	v4 =	vshll.u32 v33, $0x4;
	v37 =	vcvt.f32.s32 v58;
	v27 =	vtrunc.f32 v5  }
0x435: {  	s14 =	simm.s32 $0x64A0;
	v19 =	vld.idx.msk [tilespmem:v19+s6+$0x0], $0xffff;
	vm6 =	vgt.s32 v35, $0x0;
	v55 =	vtrunc.f32 v30;
	v27 =	vcvt.f32.s32 v27  }
0x436: {  	v53 =	vld [tilespmem:s14+$0x10];
	v35 =	vnsel vm6, $0x0, v35;
	v10 =	vmul.f32 v10, v20;
	v32 =	vcvt.f32.s32 v55  }
0x437: {  	vm7 =	vgt.s32 v37, $0x0;
	v60 =	vmin.u32 v35, $0xF;
	vm10 =	vgt.s32 v27, $0x0  }
0x438: {  	v12 =	vld.idx.msk [tilespmem:v12+s6+$0x0], $0xffff;
	v18 =	vmul.f32 v18, v22;
	v8 =	vnsel vm10, $0x0, v27;
	v27 =	vnsel vm11, $0x0, v28  }
0x439: {  	v26 =	vld.idx.msk [tilespmem:v26+s6+$0x0], $0xffff;
	v16 =	vmul.f32 v16, v24;
	v8 =	vmin.u32 v8, $0xF;
	v27 =	vmin.u32 v27, $0xF  }
0x43a: {  	s19 =	simm.s32 $0x44A0;
	v21 =	vld.idx.msk [tilespmem:v21+s6+$0x0], $0xffff;
	v13 =	vmul.f32 v13, v19;
	v31 =	vshll.u32 v8, $0x8;
	v52 =	vshll.u32 v27, $0x4  }
0x43b: {  	v20 =	vld [tilespmem:s19+$0xFFFFFFF0];
	v19 =	vadd.f32 $1.000000000e+00, v53;
	v37 =	vnsel vm7, $0x0, v37;
	v31 =	vor.u32 v31, v52  }
0x43c: {  	v24 =	vld [tilespmem:s19+$0xFFFFFFE0];
	v46 =	vshll.u32 v60, $0x8;
	vm15 =	vgt.s32 v32, $0x0;
	v57 =	vor.u32 v2, v31  }
0x43d: {  	v12 =	vmul.f32 v15, v12;
	v15 =	vld [tilespmem:s19+$0x0];
	v59 =	vor.u32 v0, v31;
	v31 =	vor.u32 v3, v31  }
0x43e: {  	v61 =	vmin.u32 v37, $0xF;
	v10 =	vadd.f32 v10, v63;
	v28 =	vtrunc.f32 v7  }
0x43f: {  	v18 =	vadd.f32 v18, v26;
	v26 =	vmul.f32 v11, v21;
	v28 =	vcvt.f32.s32 v28  }
0x440: {  	v19 =	vmul.f32 $8.000000000e+00, v19;
	v32 =	vnsel vm15, $0x0, v32;
	v21 =	vadd.f32 v12, v10  }
0x441: {  	v12 =	vadd.f32 $1.000000000e+00, v20;
	v8 =	vcvt.s32.f32 v8;
	vm12 =	vgt.s32 v28, $0x0;
	v36 =	vld.idx.msk [tilespmem:v57+s6+$0x0], $0xffff  }
0x442: {  	v24 =	vadd.f32 $1.000000000e+00, v24;
	v15 =	vadd.f32 $1.000000000e+00, v15;
	v28 =	vnsel vm12, $0x0, v28;
	v31 =	vld.idx.msk [tilespmem:v31+s6+$0x0], $0xffff  }
0x443: {  	v5 =	vsub.f32 v5, v8;
	v8 =	vcvt.s32.f32 v27;
	v27 =	vmin.u32 v32, $0xF;
	v38 =	vld.idx.msk [tilespmem:v59+s6+$0x0], $0xffff  }
0x444: {  	v15 =	vmul.f32 $8.000000000e+00, v15;
	v28 =	vmin.u32 v28, $0xF;
	v45 =	vshll.u32 v27, $0x4  }
0x445: {  	v27 =	vcvt.s32.f32 v27;
	v62 =	vshll.u32 v28, $0x8;
	v8 =	vsub.f32 v9, v8  }
0x446: {  	v9 =	vshll.u32 v34, $0x8;
	v54 =	vtrunc.f32 v15;
	v5 =	vmul.f32 v5, v36  }
0x447: {  	v47 =	vor.u32 v9, v45;
	v9 =	vcvt.s32.f32 v60;
	v8 =	vmul.f32 v8, v31  }
0x448: {  	v31 =	vor.u32 v62, v4;
	v4 =	vshll.u32 v61, $0x4;
	v5 =	vadd.f32 v5, v38  }
0x449: {  	v29 =	vld.idx.msk [tilespmem:v29+s6+$0x0], $0xffff;
	v32 =	vcvt.f32.s32 v54;
	v42 =	vor.u32 v2, v47;
	v49 =	vor.u32 v46, v4  }
0x44a: {  	v52 =	vld [tilespmem:s19+$0x10];
	v4 =	vcvt.s32.f32 v28;
	v50 =	vadd.f32 v8, v5;
	v5 =	vcvt.s32.f32 v34  }
0x44b: {  	v58 =	vor.u32 v0, v47;
	v43 =	vor.u32 v3, v47;
	vm14 =	vgt.s32 v32, $0x0  }
0x44c: {  	v4 =	vsub.f32 v7, v4;
	v7 =	vcvt.s32.f32 v33;
	v8 =	vsub.f32 v23, v5;
	v23 =	vld [tilespmem:s14+$0xFFFFFFE0]  }
0x44d: {  	v32 =	vnsel vm14, $0x0, v32;
	v5 =	vsub.f32 v6, v9;
	v6 =	vcvt.s32.f32 v61  }
0x44e: {  	v47 =	vmin.u32 v32, $0xF;
	v7 =	vsub.f32 v25, v7;
	v25 =	vadd.f32 v16, v29  }
0x44f: {  	v48 =	vor.u32 v2, v31;
	v16 =	vadd.f32 $1.000000000e+00, v52;
	v6 =	vsub.f32 v17, v6;
	v17 =	vld [tilespmem:s14+$0xFFFFFFF0]  }
0x450: {  	v51 =	vor.u32 v0, v31;
	v22 =	vor.u32 v3, v31;
	v28 =	vor.u32 v2, v49  }
0x451: {  	v11 =	vld [tilespmem:s14+$0x0];
	v44 =	vor.u32 v0, v49;
	v16 =	vmul.f32 $8.000000000e+00, v16;
	v23 =	vadd.f32 $1.000000000e+00, v23  }
0x452: {  	v39 =	vor.u32 v3, v49;
	v9 =	vsub.f32 v30, v27;
	v61 =	vshll.u32 v47, $0x8  }
0x453: {  	v10 =	vmul.f32 $8.000000000e+00, v23;
	v23 =	vadd.f32 v13, v18;
	v13 =	vtrunc.f32 v16  }
0x454: {  	v17 =	vadd.f32 $1.000000000e+00, v17;
	v18 =	vtrunc.f32 v19;
	v20 =	vcvt.f32.s32 v13  }
0x455: {  	v25 =	vadd.f32 v26, v25;
	v18 =	vcvt.f32.s32 v18;
	v13 =	vmul.f32 $8.000000000e+00, v12  }
0x456: {  	v12 =	vadd.f32 $1.000000000e+00, v11;
	v11 =	vmul.f32 $8.000000000e+00, v17;
	v17 =	vmul.f32 $8.000000000e+00, v24  }
0x457: {  	v30 =	vtrunc.f32 v10;
	vm8 =	vgt.s32 v20, $0x0;
	vm9 =	vgt.s32 v18, $0x0  }
0x458: {  	v12 =	vmul.f32 $8.000000000e+00, v12;
	v20 =	vnsel vm8, $0x0, v20;
	v18 =	vnsel vm9, $0x0, v18  }
0x459: {  	v31 =	vtrunc.f32 v13;
	v20 =	vmin.u32 v20, $0xF;
	v18 =	vmin.u32 v18, $0xF  }
0x45a: {  	v30 =	vcvt.f32.s32 v30;
	v27 =	vshll.u32 v20, $0x8;
	v29 =	vshll.u32 v18, $0x4  }
0x45b: {  	v24 =	vtrunc.f32 v17;
	v31 =	vcvt.f32.s32 v31;
	v27 =	vor.u32 v27, v29  }
0x45c: {  	v24 =	vcvt.f32.s32 v24;
	v56 =	vtrunc.f32 v12;
	v55 =	vor.u32 v2, v27  }
0x45d: {  	vm11 =	vgt.s32 v30, $0x0;
	vm12 =	vgt.s32 v31, $0x0;
	v57 =	vor.u32 v0, v27  }
0x45e: {  	v34 =	vcvt.f32.s32 v56;
	v20 =	vcvt.s32.f32 v20;
	v27 =	vor.u32 v3, v27  }
0x45f: {  	v30 =	vnsel vm11, $0x0, v30;
	v18 =	vcvt.s32.f32 v18;
	v29 =	vtrunc.f32 v11  }
0x460: {  	vm10 =	vgt.s32 v24, $0x0;
	v31 =	vnsel vm12, $0x0, v31;
	v33 =	vmin.u32 v30, $0xF  }
0x461: {  	v29 =	vcvt.f32.s32 v29;
	v24 =	vnsel vm10, $0x0, v24;
	vm15 =	vgt.s32 v34, $0x0;
	v59 =	vld.idx.msk [tilespmem:v55+s6+$0x0], $0xffff  }
0x462: {  	v46 =	vmin.u32 v31, $0xF;
	v20 =	vsub.f32 v16, v20;
	v19 =	vsub.f32 v19, v18;
	v45 =	vld.idx.msk [tilespmem:v57+s6+$0x0], $0xffff  }
0x463: {  	s16 =	simm.s32 $0x8420;
	v30 =	vshll.u32 v33, $0x4;
	v34 =	vnsel vm15, $0x0, v34;
	v24 =	vmin.u32 v24, $0xF;
	v27 =	vld.idx.msk [tilespmem:v27+s6+$0x0], $0xffff  }
0x464: {  	[tilespmem:s16+$0x10] =	vst v14;
	v14 =	vld.idx.msk [tilespmem:v42+s6+$0x0], $0xffff;
	v31 =	vshll.u32 v46, $0x8;
	v40 =	vcvt.s32.f32 v46;
	vm13 =	vgt.s32 v29, $0x0  }
0x465: {  	[tilespmem:s16+$0xFFFFFFF0] =	vst v23;
	v23 =	vld.idx.msk [tilespmem:v44+s6+$0x0], $0xffff;
	v34 =	vmin.u32 v34, $0xF;
	v41 =	vcvt.s32.f32 v24;
	v29 =	vnsel vm13, $0x0, v29  }
0x466: {  	s15 =	simm.s32 $0x8460;
	[tilespmem:s16+$0xFFFFFFE0] =	vst v21;
	v16 =	vld.idx.msk [tilespmem:v48+s6+$0x0], $0xffff;
	v21 =	vshll.u32 v34, $0x4;
	v35 =	vmin.u32 v29, $0xF;
	v20 =	vmul.f32 v20, v59  }
0x467: {  	[tilespmem:s15+$0x10] =	vst v50;
	v18 =	vld.idx.msk [tilespmem:v28+s6+$0x0], $0xffff;
	v29 =	vshll.u32 v24, $0x8;
	v63 =	vor.u32 v61, v21;
	v60 =	vshll.u32 v35, $0x4  }
0x468: {  	v21 =	vld.idx.msk [tilespmem:v58+s6+$0x0], $0xffff;
	v29 =	vor.u32 v29, v30;
	v27 =	vmul.f32 v19, v27;
	v28 =	vadd.f32 v20, v45  }
0x469: {  	v24 =	vld.idx.msk [tilespmem:v39+s6+$0x0], $0xffff;
	v36 =	vor.u32 v2, v63;
	v62 =	vor.u32 v31, v60;
	v37 =	vor.u32 v2, v29  }
0x46a: {  	v32 =	vor.u32 v0, v29;
	v31 =	vor.u32 v3, v29;
	v19 =	vld.idx.msk [tilespmem:v51+s6+$0x0], $0xffff;
	v45 =	vadd.f32 v27, v28  }
0x46b: {  	s17 =	simm.s32 $0x84A0;
	v29 =	vor.u32 v0, v63;
	v38 =	vor.u32 v2, v62;
	v30 =	vor.u32 v0, v62;
	v20 =	vld.idx.msk [tilespmem:v22+s6+$0x0], $0xffff  }
0x46c: {  	s18 =	simm.s32 $0x8;
	s19 =	simm.s32 $0x44E0;
	v39 =	vcvt.s32.f32 v47;
	v22 =	vld.idx.msk [tilespmem:v43+s6+$0x0], $0xffff;
	v28 =	vor.u32 v3, v62;
	v27 =	vor.u32 v3, v63;
	[tilespmem:s17+$0x10] =	vst v45  }
.LBB2_16:
0x46d: {  	v42 =	vld [tilespmem:s19+$0x10];
	v17 =	vsub.f32 v17, v41;
	v26 =	vcvt.s32.f32 v33;
	v33 =	vcvt.s32.f32 v35;
	s14 =	sadd.s32 $0x40, s14  }
0x46e: {  	s18 =	sadd.s32 $0x4, s18;
	v34 =	vcvt.s32.f32 v34;
	v35 =	vld [tilespmem:s14+$0x10];
	v13 =	vsub.f32 v13, v40;
	v15 =	vsub.f32 v15, v39;
	[tilespmem:s16+$0x0] =	vst v25;
	s16 =	smov.u32 s15;
	s15 =	smov.u32 s17  }
0x46f: {  	v16 =	vmul.f32 v4, v16;
	v14 =	vmul.f32 v8, v14;
	p0 =	slt.u32 s18, $0xFC;
	v39 =	vld [tilespmem:s14+$0xFFFFFFE0];
	v10 =	vsub.f32 v10, v26;
	v4 =	vmovc v17  }
0x470: {  	v18 =	vmul.f32 v5, v18;
	v11 =	vsub.f32 v11, v33;
	v12 =	vsub.f32 v12, v34;
	v17 =	vld [tilespmem:s19+$0xFFFFFFF0];
	v8 =	vmovc v13  }
0x471: {  	v16 =	vadd.f32 v16, v19;
	v19 =	vmul.f32 v7, v20;
	v20 =	vadd.f32 v14, v21;
	v5 =	vmovc v15;
	v13 =	vld [tilespmem:s14+$0xFFFFFFF0]  }
0x472: {  	v21 =	vmul.f32 v9, v22;
	v25 =	vadd.f32 v18, v23;
	v26 =	vmul.f32 v6, v24;
	v7 =	vmovc v10;
	v15 =	vld [tilespmem:s19+$0x0]  }
0x473: {  	v9 =	vmovc v11;
	v6 =	vmov v12;
	v10 =	vadd.f32 $1.000000000e+00, v42;
	v22 =	vld [tilespmem:s14+$0x0];
	v14 =	vadd.f32 $1.000000000e+00, v35  }
0x474: {  	v18 =	vadd.f32 v19, v16;
	v11 =	vld [tilespmem:s19+$0xFFFFFFE0];
	v12 =	vadd.f32 $1.000000000e+00, v39  }
0x475: {  	v34 =	vmul.f32 $8.000000000e+00, v10;
	v17 =	vadd.f32 $1.000000000e+00, v17;
	v39 =	vmul.f32 $8.000000000e+00, v14;
	v16 =	vld.idx.msk [tilespmem:v37+s6+$0x0], $0xffff  }
0x476: {  	v10 =	vmul.f32 $8.000000000e+00, v12;
	v12 =	vadd.f32 $1.000000000e+00, v13;
	v14 =	vld.idx.msk [tilespmem:v38+s6+$0x0], $0xffff;
	[tilespmem:s16+$0xFFFFFFE0] =	vst v18;
	v13 =	vadd.f32 v21, v20  }
0x477: {  	v19 =	vtrunc.f32 v34;
	v15 =	vadd.f32 $1.000000000e+00, v15;
	v20 =	vtrunc.f32 v39;
	v18 =	vld.idx.msk [tilespmem:v36+s6+$0x0], $0xffff  }
0x478: {  	v23 =	vadd.f32 $1.000000000e+00, v22;
	v22 =	vcvt.f32.s32 v19;
	v24 =	vcvt.f32.s32 v20;
	v19 =	vld.idx.msk [tilespmem:v32+s6+$0x0], $0xffff;
	[tilespmem:s16+$0xFFFFFFF0] =	vst v13  }
0x479: {  	v13 =	vmul.f32 $8.000000000e+00, v17;
	v32 =	vadd.f32 $1.000000000e+00, v11;
	v11 =	vmul.f32 $8.000000000e+00, v12;
	v20 =	vld.idx.msk [tilespmem:v31+s6+$0x0], $0xffff  }
0x47a: {  	v15 =	vmul.f32 $8.000000000e+00, v15;
	vm0 =	vgt.s32 v22, $0x0;
	vm1 =	vgt.s32 v24, $0x0;
	v21 =	vld.idx.msk [tilespmem:v30+s6+$0x0], $0xffff  }
0x47b: {  	v17 =	vmul.f32 $8.000000000e+00, v32;
	v30 =	vnsel vm0, $0x0, v22;
	v24 =	vnsel vm1, $0x0, v24;
	v22 =	vld.idx.msk [tilespmem:v28+s6+$0x0], $0xffff  }
0x47c: {  	v12 =	vmul.f32 $8.000000000e+00, v23;
	v28 =	vmin.u32 v30, $0xF;
	v30 =	vmin.u32 v24, $0xF;
	v23 =	vld.idx.msk [tilespmem:v29+s6+$0x0], $0xffff  }
0x47d: {  	v29 =	vtrunc.f32 v17;
	v31 =	vshll.u32 v28, $0x8;
	v32 =	vshll.u32 v30, $0x4;
	v24 =	vld.idx.msk [tilespmem:v27+s6+$0x0], $0xffff  }
0x47e: {  	v33 =	vtrunc.f32 v13;
	v27 =	vtrunc.f32 v10;
	v31 =	vor.u32 v31, v32  }
0x47f: {  	v35 =	vtrunc.f32 v15;
	v32 =	vtrunc.f32 v11;
	v36 =	vor.u32 v2, v31  }
0x480: {  	v37 =	vtrunc.f32 v12;
	v29 =	vcvt.f32.s32 v29;
	v38 =	vor.u32 v0, v31  }
0x481: {  	v33 =	vcvt.f32.s32 v33;
	v27 =	vcvt.f32.s32 v27;
	v31 =	vor.u32 v3, v31  }
0x482: {  	v35 =	vcvt.f32.s32 v35;
	v32 =	vcvt.f32.s32 v32;
	vm0 =	vgt.s32 v29, $0x0  }
0x483: {  	vm2 =	vgt.s32 v33, $0x0;
	v37 =	vcvt.f32.s32 v37;
	vm1 =	vgt.s32 v27, $0x0  }
0x484: {  	vm3 =	vgt.s32 v35, $0x0;
	v29 =	vnsel vm0, $0x0, v29;
	vm0 =	vgt.s32 v32, $0x0;
	v36 =	vld.idx.msk [tilespmem:v36+s6+$0x0], $0xffff  }
0x485: {  	v40 =	vnsel vm2, $0x0, v33;
	v27 =	vnsel vm1, $0x0, v27;
	vm1 =	vgt.s32 v37, $0x0;
	v38 =	vld.idx.msk [tilespmem:v38+s6+$0x0], $0xffff  }
0x486: {  	v28 =	vcvt.s32.f32 v28;
	v41 =	vnsel vm3, $0x0, v35;
	v32 =	vnsel vm0, $0x0, v32;
	v31 =	vld.idx.msk [tilespmem:v31+s6+$0x0], $0xffff  }
0x487: {  	v29 =	vmin.u32 v29, $0xF;
	v33 =	vmin.u32 v27, $0xF;
	v27 =	vnsel vm1, $0x0, v37  }
0x488: {  	v30 =	vcvt.s32.f32 v30;
	v40 =	vmin.u32 v40, $0xF;
	v28 =	vsub.f32 v34, v28  }
0x489: {  	v42 =	vmin.u32 v41, $0xF;
	v35 =	vmin.u32 v32, $0xF;
	v34 =	vmin.u32 v27, $0xF  }
0x48a: {  	v30 =	vsub.f32 v39, v30;
	v27 =	vshll.u32 v29, $0x8;
	v28 =	vmul.f32 v28, v36  }
0x48b: {  	v32 =	vshll.u32 v33, $0x4;
	v37 =	vshll.u32 v35, $0x4;
	v36 =	vshll.u32 v40, $0x8  }
0x48c: {  	v39 =	vshll.u32 v42, $0x8;
	v28 =	vadd.f32 v28, v38;
	v30 =	vmul.f32 v30, v31  }
0x48d: {  	v27 =	vor.u32 v27, v32;
	v41 =	vor.u32 v36, v37;
	v31 =	vshll.u32 v34, $0x4  }
.Ltmp7:
0x48e: {  	v37 =	vor.u32 v2, v27;
	v39 =	vor.u32 v39, v31;
	v43 =	vadd.f32 v30, v28;
	(pc) =	sbr.rel @p0 .LBB2_16-.Ltmp7, $4  }
0x48f: {  	s17 =	sadd.s32 $0x40, s17;
	v32 =	vor.u32 v0, v27;
	v38 =	vor.u32 v2, v41;
	v36 =	vor.u32 v2, v39  }
0x490: {  	v31 =	vor.u32 v3, v27;
	v30 =	vor.u32 v0, v41;
	v28 =	vor.u32 v3, v41;
	[tilespmem:s17+$0x10] =	vst v43  }
0x491: {  	v41 =	vcvt.s32.f32 v29;
	v29 =	vor.u32 v0, v39;
	v27 =	vor.u32 v3, v39  }
0x492: {  	v25 =	vadd.f32 v26, v25;
	s19 =	sadd.s32 $0x40, s19;
	v40 =	vcvt.s32.f32 v40;
	v39 =	vcvt.s32.f32 v42  }
0x493: {  	_ =	sdelay $0x3  }
0x494: {  	v26 =	vld.idx.msk [tilespmem:v37+s6+$0x0], $0xffff  }
0x495: {  	v51 =	vld.idx.msk [tilespmem:v38+s6+$0x0], $0xffff  }
0x496: {  	v36 =	vld.idx.msk [tilespmem:v36+s6+$0x0], $0xffff  }
0x497: {  	v32 =	vld.idx.msk [tilespmem:v32+s6+$0x0], $0xffff;
	v33 =	vcvt.s32.f32 v33;
	v35 =	vcvt.s32.f32 v35  }
0x498: {  	v31 =	vld.idx.msk [tilespmem:v31+s6+$0x0], $0xffff;
	v34 =	vcvt.s32.f32 v34;
	v4 =	vmul.f32 v4, v16  }
0x499: {  	v17 =	vsub.f32 v17, v41;
	v16 =	vld.idx.msk [tilespmem:v30+s6+$0x0], $0xffff;
	v8 =	vmul.f32 v8, v14;
	v5 =	vmul.f32 v5, v18  }
0x49a: {  	v14 =	vld.idx.msk [tilespmem:v28+s6+$0x0], $0xffff;
	v7 =	vmul.f32 v7, v20;
	v13 =	vsub.f32 v13, v40;
	v15 =	vsub.f32 v15, v39  }
0x49b: {  	v18 =	vld.idx.msk [tilespmem:v29+s6+$0x0], $0xffff;
	v9 =	vmul.f32 v9, v22;
	v10 =	vsub.f32 v10, v33;
	v11 =	vsub.f32 v11, v35  }
0x49c: {  	v6 =	vmul.f32 v6, v24;
	v4 =	vadd.f32 v4, v19;
	v8 =	vadd.f32 v8, v21;
	v19 =	vld.idx.msk [tilespmem:v27+s6+$0x0], $0xffff  }
0x49d: {  	v12 =	vsub.f32 v12, v34;
	v5 =	vadd.f32 v5, v23;
	v17 =	vmul.f32 v17, v26  }
0x49e: {  	v4 =	vadd.f32 v7, v4;
	v7 =	vadd.f32 v9, v8;
	v8 =	vmul.f32 v13, v51  }
0x49f: {  	[tilespmem:s16+$0x0] =	vst v25;
	v9 =	vmul.f32 v15, v36;
	v10 =	vmul.f32 v10, v31;
	v13 =	vadd.f32 v17, v32  }
0x4a0: {  	[tilespmem:s15+$0xFFFFFFE0] =	vst v4;
	v4 =	vadd.f32 v6, v5;
	v6 =	vmul.f32 v11, v14;
	v5 =	vadd.f32 v8, v16  }
0x4a1: {  	[tilespmem:s15+$0xFFFFFFF0] =	vst v7;
	v7 =	vadd.f32 v9, v18;
	v8 =	vmul.f32 v12, v19;
	v9 =	vadd.f32 v10, v13  }
0x4a2: {  	[tilespmem:s15+$0x0] =	vst v4;
	v4 =	vadd.f32 v6, v5  }
0x4a3: {  	v5 =	vadd.f32 v8, v7;
	[tilespmem:s17+$0xFFFFFFE0] =	vst v9  }
0x4a4: {  	[tilespmem:s17+$0xFFFFFFF0] =	vst v4  }
0x4a5: {  	[tilespmem:s17+$0x0] =	vst v5  }
0x4a6: {  	s14 =	rddreg [dreg:$0x16]  }
0x4a7: {  	[hbm4b:s14+s1] =	stream.linear.scatter [tilespmem:s10], [sflag:$0x6], $0x1000, $0x38;
	[tilespmem:$0x9400] =	vst v63  }
0x4a8: {  	_ =	swait.ge [sflag:s2], $0x1000  }
0x4a9: {  	[sflag:s2] =	ssyncset.done $0x0  }
0x4aa: {  	[sflag:s2] =	ssyncadd.s32 $0xFFFFF000  }
0x4ab: {  	_ =	swait.ge [sflag:s3], $0x1000  }
0x4ac: {  	[sflag:s3] =	ssyncset.done $0x0  }
0x4ad: {  	[sflag:s3] =	ssyncadd.s32 $0xFFFFF000  }
0x4ae: {  	[tilespmem:s4], [sflag:$0x2] =	stream.linear.gather [hbm4b:s22+s1], $0x1000, $0x38;
	[tilespmem:$0x9400] =	vst v63  }
0x4af: {  	_ = 	snop  }
0x4b0: {  	[tilespmem:s5], [sflag:$0x4] =	stream.linear.gather [hbm4b:s24+s1], $0x1000, $0x38;
	[tilespmem:$0x9400] =	vst v63  }
0x4b1: {  	_ =	swait.ge [sflag:s11], $0x1000  }
0x4b2: {  	[sflag:s11] =	ssyncset.done $0x0  }
0x4b3: {  	s15 =	simm.s32 $0x3420;
	[sflag:s11] =	ssyncadd.s32 $0xFFFFF000  }
0x4b4: {  	s16 =	simm.s32 $0x5420;
	v4 =	vld [tilespmem:s15+$0x10]  }
0x4b5: {  	v5 =	vld [tilespmem:s16+$0x10]  }
0x4b6: {  	v6 =	vld [tilespmem:s16+$0xFFFFFFE0]  }
0x4b7: {  	v7 =	vld [tilespmem:s15+$0xFFFFFFF0]  }
0x4b8: {  	v8 =	vld [tilespmem:s16+$0xFFFFFFF0]  }
0x4b9: {  	v9 =	vld [tilespmem:s15+$0x0]  }
0x4ba: {  	v10 =	vld [tilespmem:s15+$0xFFFFFFE0]  }
0x4bb: {  	v11 =	vld [tilespmem:s16+$0x0]  }
0x4bc: {  	v4 =	vadd.f32 $1.000000000e+00, v4;
	v5 =	vadd.f32 $1.000000000e+00, v5  }
0x4bd: {  	v6 =	vadd.f32 $1.000000000e+00, v6;
	v7 =	vadd.f32 $1.000000000e+00, v7  }
0x4be: {  	v8 =	vadd.f32 $1.000000000e+00, v8;
	v9 =	vadd.f32 $1.000000000e+00, v9  }
0x4bf: {  	v10 =	vadd.f32 $1.000000000e+00, v10;
	v4 =	vmul.f32 $8.000000000e+00, v4;
	v5 =	vmul.f32 $8.000000000e+00, v5  }
0x4c0: {  	v11 =	vadd.f32 $1.000000000e+00, v11;
	v6 =	vmul.f32 $8.000000000e+00, v6;
	v7 =	vmul.f32 $8.000000000e+00, v7  }
0x4c1: {  	v8 =	vmul.f32 $8.000000000e+00, v8;
	v9 =	vmul.f32 $8.000000000e+00, v9  }
0x4c2: {  	v10 =	vmul.f32 $8.000000000e+00, v10;
	v11 =	vmul.f32 $8.000000000e+00, v11  }
0x4c3: {  	v12 =	vtrunc.f32 v4;
	v13 =	vtrunc.f32 v5  }
0x4c4: {  	v14 =	vtrunc.f32 v10;
	v17 =	vtrunc.f32 v6  }
0x4c5: {  	v18 =	vtrunc.f32 v7;
	v19 =	vtrunc.f32 v9  }
0x4c6: {  	v21 =	vtrunc.f32 v11;
	v12 =	vcvt.f32.s32 v12  }
0x4c7: {  	v13 =	vcvt.f32.s32 v13;
	v14 =	vcvt.f32.s32 v14  }
0x4c8: {  	v17 =	vcvt.f32.s32 v17;
	v18 =	vcvt.f32.s32 v18  }
0x4c9: {  	v19 =	vcvt.f32.s32 v19;
	v21 =	vcvt.f32.s32 v21  }
0x4ca: {  	vm0 =	vgt.s32 v12, $0x0;
	vm1 =	vgt.s32 v13, $0x0;
	vm6 =	vgt.s32 v14, $0x0  }
0x4cb: {  	vm7 =	vgt.s32 v17, $0x0;
	v12 =	vnsel vm0, $0x0, v12;
	v13 =	vnsel vm1, $0x0, v13  }
0x4cc: {  	vm2 =	vgt.s32 v18, $0x0;
	v12 =	vmin.u32 v12, $0xF;
	v13 =	vmin.u32 v13, $0xF  }
0x4cd: {  	vm3 =	vgt.s32 v19, $0x0;
	v15 =	vshll.u32 v12, $0x8;
	v16 =	vshll.u32 v13, $0x4  }
0x4ce: {  	vm9 =	vgt.s32 v21, $0x0;
	v14 =	vnsel vm6, $0x0, v14;
	v15 =	vor.u32 v15, v16  }
0x4cf: {  	v12 =	vcvt.s32.f32 v12;
	v16 =	vtrunc.f32 v8;
	v20 =	vor.u32 v2, v15  }
0x4d0: {  	v22 =	vor.u32 v0, v15;
	v15 =	vor.u32 v3, v15;
	v16 =	vcvt.f32.s32 v16  }
0x4d1: {  	v17 =	vnsel vm7, $0x0, v17;
	v4 =	vsub.f32 v4, v12;
	v12 =	vcvt.s32.f32 v13  }
0x4d2: {  	s18 =	simm.s32 $0x5460;
	v18 =	vnsel vm2, $0x0, v18;
	v19 =	vnsel vm3, $0x0, v19;
	vm8 =	vgt.s32 v16, $0x0  }
0x4d3: {  	v25 =	vld [tilespmem:s18+$0x10];
	v23 =	vmin.u32 v14, $0xF;
	v5 =	vsub.f32 v5, v12;
	v16 =	vnsel vm8, $0x0, v16  }
0x4d4: {  	v27 =	vld [tilespmem:s18+$0xFFFFFFE0];
	v13 =	vmin.u32 v16, $0xF;
	v16 =	vmin.u32 v19, $0xF;
	v19 =	vshll.u32 v23, $0x8  }
0x4d5: {  	s17 =	simm.s32 $0x3460;
	v23 =	vcvt.s32.f32 v23;
	v14 =	vld.idx.msk [tilespmem:v15+s6+$0x0], $0xffff;
	v15 =	vmin.u32 v17, $0xF;
	v17 =	vnsel vm9, $0x0, v21  }
0x4d6: {  	v28 =	vld [tilespmem:s17+$0xFFFFFFF0];
	v21 =	vshll.u32 v13, $0x4;
	v24 =	vshll.u32 v16, $0x8;
	v16 =	vcvt.s32.f32 v16  }
0x4d7: {  	v20 =	vld.idx.msk [tilespmem:v20+s6+$0x0], $0xffff;
	v13 =	vcvt.s32.f32 v13;
	v17 =	vmin.u32 v17, $0xF;
	v12 =	vshll.u32 v15, $0x4  }
0x4d8: {  	v15 =	vcvt.s32.f32 v15;
	v10 =	vsub.f32 v10, v23;
	v23 =	vadd.f32 $1.000000000e+00, v25  }
0x4d9: {  	v25 =	vadd.f32 $1.000000000e+00, v27;
	v16 =	vsub.f32 v9, v16;
	v9 =	vcvt.s32.f32 v17  }
0x4da: {  	v18 =	vmin.u32 v18, $0xF;
	v12 =	vor.u32 v19, v12;
	v13 =	vsub.f32 v8, v13  }
0x4db: {  	v22 =	vld.idx.msk [tilespmem:v22+s6+$0x0], $0xffff;
	v15 =	vsub.f32 v6, v15;
	v25 =	vmul.f32 $8.000000000e+00, v25;
	v11 =	vsub.f32 v11, v9  }
0x4dc: {  	v9 =	vmul.f32 $8.000000000e+00, v23;
	v23 =	vadd.f32 $1.000000000e+00, v28;
	v4 =	vmul.f32 v4, v20  }
0x4dd: {  	v20 =	vshll.u32 v18, $0x8;
	v5 =	vmul.f32 v5, v14;
	v14 =	vshll.u32 v17, $0x4  }
0x4de: {  	v8 =	vld [tilespmem:s17+$0xFFFFFFE0];
	v18 =	vcvt.s32.f32 v18;
	v53 =	vtrunc.f32 v25;
	v19 =	vor.u32 v20, v21  }
0x4df: {  	v6 =	vld [tilespmem:s17+$0x0];
	v20 =	vor.u32 v2, v12;
	v21 =	vor.u32 v24, v14;
	v28 =	vtrunc.f32 v9  }
0x4e0: {  	v23 =	vmul.f32 $8.000000000e+00, v23;
	v33 =	vcvt.f32.s32 v53;
	v4 =	vadd.f32 v4, v22  }
0x4e1: {  	v17 =	vld [tilespmem:s18+$0x0];
	v22 =	vor.u32 v2, v19;
	v24 =	vor.u32 v2, v21;
	v26 =	vor.u32 v0, v19  }
0x4e2: {  	v19 =	vor.u32 v3, v19;
	v29 =	vor.u32 v0, v21;
	v18 =	vsub.f32 v7, v18;
	v7 =	vld [tilespmem:s18+$0xFFFFFFF0]  }
0x4e3: {  	v21 =	vor.u32 v3, v21;
	v28 =	vcvt.f32.s32 v28;
	v14 =	vadd.f32 v5, v4;
	v5 =	vld [tilespmem:s17+$0x10]  }
0x4e4: {  	v8 =	vadd.f32 $1.000000000e+00, v8;
	v6 =	vadd.f32 $1.000000000e+00, v6;
	v54 =	vtrunc.f32 v23  }
0x4e5: {  	vm13 =	vgt.s32 v33, $0x0;
	v4 =	vor.u32 v0, v12;
	v12 =	vor.u32 v3, v12  }
0x4e6: {  	vm11 =	vgt.s32 v28, $0x0;
	v33 =	vnsel vm13, $0x0, v33;
	v6 =	vmul.f32 $8.000000000e+00, v6  }
0x4e7: {  	v34 =	vcvt.f32.s32 v54;
	v17 =	vadd.f32 $1.000000000e+00, v17;
	v33 =	vmin.u32 v33, $0xF  }
0x4e8: {  	v7 =	vadd.f32 $1.000000000e+00, v7;
	v56 =	vtrunc.f32 v6;
	v5 =	vadd.f32 $1.000000000e+00, v5  }
0x4e9: {  	vm14 =	vgt.s32 v34, $0x0;
	v20 =	vld.idx.msk [tilespmem:v20+s6+$0x0], $0xffff;
	v17 =	vmul.f32 $8.000000000e+00, v17;
	v35 =	vcvt.f32.s32 v56  }
0x4ea: {  	v34 =	vnsel vm14, $0x0, v34;
	v22 =	vld.idx.msk [tilespmem:v22+s6+$0x0], $0xffff;
	v30 =	vmul.f32 $8.000000000e+00, v7;
	v5 =	vmul.f32 $8.000000000e+00, v5  }
0x4eb: {  	v24 =	vld.idx.msk [tilespmem:v24+s6+$0x0], $0xffff;
	v34 =	vmin.u32 v34, $0xF;
	v7 =	vmul.f32 $8.000000000e+00, v8;
	v58 =	vtrunc.f32 v17  }
0x4ec: {  	v63 =	vld.idx.msk [tilespmem:v4+s6+$0x0], $0xffff;
	v4 =	vshll.u32 v33, $0x4;
	v37 =	vcvt.f32.s32 v58;
	v27 =	vtrunc.f32 v5  }
0x4ed: {  	s14 =	simm.s32 $0x54A0;
	v19 =	vld.idx.msk [tilespmem:v19+s6+$0x0], $0xffff;
	vm6 =	vgt.s32 v35, $0x0;
	v55 =	vtrunc.f32 v30;
	v27 =	vcvt.f32.s32 v27  }
0x4ee: {  	v53 =	vld [tilespmem:s14+$0x10];
	v35 =	vnsel vm6, $0x0, v35;
	v10 =	vmul.f32 v10, v20;
	v32 =	vcvt.f32.s32 v55  }
0x4ef: {  	vm7 =	vgt.s32 v37, $0x0;
	v60 =	vmin.u32 v35, $0xF;
	vm10 =	vgt.s32 v27, $0x0  }
0x4f0: {  	v12 =	vld.idx.msk [tilespmem:v12+s6+$0x0], $0xffff;
	v18 =	vmul.f32 v18, v22;
	v8 =	vnsel vm10, $0x0, v27;
	v27 =	vnsel vm11, $0x0, v28  }
0x4f1: {  	v26 =	vld.idx.msk [tilespmem:v26+s6+$0x0], $0xffff;
	v16 =	vmul.f32 v16, v24;
	v8 =	vmin.u32 v8, $0xF;
	v27 =	vmin.u32 v27, $0xF  }
0x4f2: {  	s19 =	simm.s32 $0x34A0;
	v21 =	vld.idx.msk [tilespmem:v21+s6+$0x0], $0xffff;
	v13 =	vmul.f32 v13, v19;
	v31 =	vshll.u32 v8, $0x8;
	v52 =	vshll.u32 v27, $0x4  }
0x4f3: {  	v20 =	vld [tilespmem:s19+$0xFFFFFFF0];
	v19 =	vadd.f32 $1.000000000e+00, v53;
	v37 =	vnsel vm7, $0x0, v37;
	v31 =	vor.u32 v31, v52  }
0x4f4: {  	v24 =	vld [tilespmem:s19+$0xFFFFFFE0];
	v46 =	vshll.u32 v60, $0x8;
	vm15 =	vgt.s32 v32, $0x0;
	v57 =	vor.u32 v2, v31  }
0x4f5: {  	v12 =	vmul.f32 v15, v12;
	v15 =	vld [tilespmem:s19+$0x0];
	v59 =	vor.u32 v0, v31;
	v31 =	vor.u32 v3, v31  }
0x4f6: {  	v61 =	vmin.u32 v37, $0xF;
	v10 =	vadd.f32 v10, v63;
	v28 =	vtrunc.f32 v7  }
0x4f7: {  	v18 =	vadd.f32 v18, v26;
	v26 =	vmul.f32 v11, v21;
	v28 =	vcvt.f32.s32 v28  }
0x4f8: {  	v19 =	vmul.f32 $8.000000000e+00, v19;
	v32 =	vnsel vm15, $0x0, v32;
	v21 =	vadd.f32 v12, v10  }
0x4f9: {  	v12 =	vadd.f32 $1.000000000e+00, v20;
	v8 =	vcvt.s32.f32 v8;
	vm12 =	vgt.s32 v28, $0x0;
	v36 =	vld.idx.msk [tilespmem:v57+s6+$0x0], $0xffff  }
0x4fa: {  	v24 =	vadd.f32 $1.000000000e+00, v24;
	v15 =	vadd.f32 $1.000000000e+00, v15;
	v28 =	vnsel vm12, $0x0, v28;
	v31 =	vld.idx.msk [tilespmem:v31+s6+$0x0], $0xffff  }
0x4fb: {  	v5 =	vsub.f32 v5, v8;
	v8 =	vcvt.s32.f32 v27;
	v27 =	vmin.u32 v32, $0xF;
	v38 =	vld.idx.msk [tilespmem:v59+s6+$0x0], $0xffff  }
0x4fc: {  	v15 =	vmul.f32 $8.000000000e+00, v15;
	v28 =	vmin.u32 v28, $0xF;
	v45 =	vshll.u32 v27, $0x4  }
0x4fd: {  	v27 =	vcvt.s32.f32 v27;
	v62 =	vshll.u32 v28, $0x8;
	v8 =	vsub.f32 v9, v8  }
0x4fe: {  	v9 =	vshll.u32 v34, $0x8;
	v54 =	vtrunc.f32 v15;
	v5 =	vmul.f32 v5, v36  }
0x4ff: {  	v47 =	vor.u32 v9, v45;
	v9 =	vcvt.s32.f32 v60;
	v8 =	vmul.f32 v8, v31  }
0x500: {  	v31 =	vor.u32 v62, v4;
	v4 =	vshll.u32 v61, $0x4;
	v5 =	vadd.f32 v5, v38  }
0x501: {  	v29 =	vld.idx.msk [tilespmem:v29+s6+$0x0], $0xffff;
	v32 =	vcvt.f32.s32 v54;
	v42 =	vor.u32 v2, v47;
	v49 =	vor.u32 v46, v4  }
0x502: {  	v52 =	vld [tilespmem:s19+$0x10];
	v4 =	vcvt.s32.f32 v28;
	v50 =	vadd.f32 v8, v5;
	v5 =	vcvt.s32.f32 v34  }
0x503: {  	v58 =	vor.u32 v0, v47;
	v43 =	vor.u32 v3, v47;
	vm14 =	vgt.s32 v32, $0x0  }
0x504: {  	v4 =	vsub.f32 v7, v4;
	v7 =	vcvt.s32.f32 v33;
	v8 =	vsub.f32 v23, v5;
	v23 =	vld [tilespmem:s14+$0xFFFFFFE0]  }
0x505: {  	v32 =	vnsel vm14, $0x0, v32;
	v5 =	vsub.f32 v6, v9;
	v6 =	vcvt.s32.f32 v61  }
0x506: {  	v47 =	vmin.u32 v32, $0xF;
	v7 =	vsub.f32 v25, v7;
	v25 =	vadd.f32 v16, v29  }
0x507: {  	v48 =	vor.u32 v2, v31;
	v16 =	vadd.f32 $1.000000000e+00, v52;
	v6 =	vsub.f32 v17, v6;
	v17 =	vld [tilespmem:s14+$0xFFFFFFF0]  }
0x508: {  	v51 =	vor.u32 v0, v31;
	v22 =	vor.u32 v3, v31;
	v28 =	vor.u32 v2, v49  }
0x509: {  	v11 =	vld [tilespmem:s14+$0x0];
	v44 =	vor.u32 v0, v49;
	v16 =	vmul.f32 $8.000000000e+00, v16;
	v23 =	vadd.f32 $1.000000000e+00, v23  }
0x50a: {  	v39 =	vor.u32 v3, v49;
	v9 =	vsub.f32 v30, v27;
	v61 =	vshll.u32 v47, $0x8  }
0x50b: {  	v10 =	vmul.f32 $8.000000000e+00, v23;
	v23 =	vadd.f32 v13, v18;
	v13 =	vtrunc.f32 v16  }
0x50c: {  	v17 =	vadd.f32 $1.000000000e+00, v17;
	v18 =	vtrunc.f32 v19;
	v20 =	vcvt.f32.s32 v13  }
0x50d: {  	v25 =	vadd.f32 v26, v25;
	v18 =	vcvt.f32.s32 v18;
	v13 =	vmul.f32 $8.000000000e+00, v12  }
0x50e: {  	v12 =	vadd.f32 $1.000000000e+00, v11;
	v11 =	vmul.f32 $8.000000000e+00, v17;
	v17 =	vmul.f32 $8.000000000e+00, v24  }
0x50f: {  	v30 =	vtrunc.f32 v10;
	vm8 =	vgt.s32 v20, $0x0;
	vm9 =	vgt.s32 v18, $0x0  }
0x510: {  	v12 =	vmul.f32 $8.000000000e+00, v12;
	v20 =	vnsel vm8, $0x0, v20;
	v18 =	vnsel vm9, $0x0, v18  }
0x511: {  	v31 =	vtrunc.f32 v13;
	v20 =	vmin.u32 v20, $0xF;
	v18 =	vmin.u32 v18, $0xF  }
0x512: {  	v30 =	vcvt.f32.s32 v30;
	v27 =	vshll.u32 v20, $0x8;
	v29 =	vshll.u32 v18, $0x4  }
0x513: {  	v24 =	vtrunc.f32 v17;
	v31 =	vcvt.f32.s32 v31;
	v27 =	vor.u32 v27, v29  }
0x514: {  	v24 =	vcvt.f32.s32 v24;
	v56 =	vtrunc.f32 v12;
	v55 =	vor.u32 v2, v27  }
0x515: {  	vm11 =	vgt.s32 v30, $0x0;
	vm12 =	vgt.s32 v31, $0x0;
	v57 =	vor.u32 v0, v27  }
0x516: {  	v34 =	vcvt.f32.s32 v56;
	v20 =	vcvt.s32.f32 v20;
	v27 =	vor.u32 v3, v27  }
0x517: {  	v30 =	vnsel vm11, $0x0, v30;
	v18 =	vcvt.s32.f32 v18;
	v29 =	vtrunc.f32 v11  }
0x518: {  	vm10 =	vgt.s32 v24, $0x0;
	v31 =	vnsel vm12, $0x0, v31;
	v33 =	vmin.u32 v30, $0xF  }
0x519: {  	v29 =	vcvt.f32.s32 v29;
	v24 =	vnsel vm10, $0x0, v24;
	vm15 =	vgt.s32 v34, $0x0;
	v59 =	vld.idx.msk [tilespmem:v55+s6+$0x0], $0xffff  }
0x51a: {  	v46 =	vmin.u32 v31, $0xF;
	v20 =	vsub.f32 v16, v20;
	v19 =	vsub.f32 v19, v18;
	v45 =	vld.idx.msk [tilespmem:v57+s6+$0x0], $0xffff  }
0x51b: {  	s16 =	simm.s32 $0x7420;
	v30 =	vshll.u32 v33, $0x4;
	v34 =	vnsel vm15, $0x0, v34;
	v24 =	vmin.u32 v24, $0xF;
	v27 =	vld.idx.msk [tilespmem:v27+s6+$0x0], $0xffff  }
0x51c: {  	[tilespmem:s16+$0x10] =	vst v14;
	v14 =	vld.idx.msk [tilespmem:v42+s6+$0x0], $0xffff;
	v31 =	vshll.u32 v46, $0x8;
	v40 =	vcvt.s32.f32 v46;
	vm13 =	vgt.s32 v29, $0x0  }
0x51d: {  	[tilespmem:s16+$0xFFFFFFF0] =	vst v23;
	v23 =	vld.idx.msk [tilespmem:v44+s6+$0x0], $0xffff;
	v34 =	vmin.u32 v34, $0xF;
	v41 =	vcvt.s32.f32 v24;
	v29 =	vnsel vm13, $0x0, v29  }
0x51e: {  	s15 =	simm.s32 $0x7460;
	[tilespmem:s16+$0xFFFFFFE0] =	vst v21;
	v16 =	vld.idx.msk [tilespmem:v48+s6+$0x0], $0xffff;
	v21 =	vshll.u32 v34, $0x4;
	v35 =	vmin.u32 v29, $0xF;
	v20 =	vmul.f32 v20, v59  }
0x51f: {  	[tilespmem:s15+$0x10] =	vst v50;
	v18 =	vld.idx.msk [tilespmem:v28+s6+$0x0], $0xffff;
	v29 =	vshll.u32 v24, $0x8;
	v63 =	vor.u32 v61, v21;
	v60 =	vshll.u32 v35, $0x4  }
0x520: {  	v21 =	vld.idx.msk [tilespmem:v58+s6+$0x0], $0xffff;
	v29 =	vor.u32 v29, v30;
	v27 =	vmul.f32 v19, v27;
	v28 =	vadd.f32 v20, v45  }
0x521: {  	v24 =	vld.idx.msk [tilespmem:v39+s6+$0x0], $0xffff;
	v36 =	vor.u32 v2, v63;
	v62 =	vor.u32 v31, v60;
	v37 =	vor.u32 v2, v29  }
0x522: {  	v32 =	vor.u32 v0, v29;
	v31 =	vor.u32 v3, v29;
	v19 =	vld.idx.msk [tilespmem:v51+s6+$0x0], $0xffff;
	v45 =	vadd.f32 v27, v28  }
0x523: {  	s17 =	simm.s32 $0x74A0;
	v29 =	vor.u32 v0, v63;
	v38 =	vor.u32 v2, v62;
	v30 =	vor.u32 v0, v62;
	v20 =	vld.idx.msk [tilespmem:v22+s6+$0x0], $0xffff  }
0x524: {  	s18 =	simm.s32 $0x8;
	s19 =	simm.s32 $0x34E0;
	v39 =	vcvt.s32.f32 v47;
	v22 =	vld.idx.msk [tilespmem:v43+s6+$0x0], $0xffff;
	v28 =	vor.u32 v3, v62;
	v27 =	vor.u32 v3, v63;
	[tilespmem:s17+$0x10] =	vst v45  }
.LBB2_18:
0x525: {  	v42 =	vld [tilespmem:s19+$0x10];
	v17 =	vsub.f32 v17, v41;
	v26 =	vcvt.s32.f32 v33;
	v33 =	vcvt.s32.f32 v35;
	s14 =	sadd.s32 $0x40, s14  }
0x526: {  	s18 =	sadd.s32 $0x4, s18;
	v34 =	vcvt.s32.f32 v34;
	v35 =	vld [tilespmem:s14+$0x10];
	v13 =	vsub.f32 v13, v40;
	v15 =	vsub.f32 v15, v39;
	[tilespmem:s16+$0x0] =	vst v25;
	s16 =	smov.u32 s15;
	s15 =	smov.u32 s17  }
0x527: {  	v16 =	vmul.f32 v4, v16;
	v14 =	vmul.f32 v8, v14;
	p0 =	slt.u32 s18, $0xFC;
	v39 =	vld [tilespmem:s14+$0xFFFFFFE0];
	v10 =	vsub.f32 v10, v26;
	v4 =	vmovc v17  }
0x528: {  	v18 =	vmul.f32 v5, v18;
	v11 =	vsub.f32 v11, v33;
	v12 =	vsub.f32 v12, v34;
	v17 =	vld [tilespmem:s19+$0xFFFFFFF0];
	v8 =	vmovc v13  }
0x529: {  	v16 =	vadd.f32 v16, v19;
	v19 =	vmul.f32 v7, v20;
	v20 =	vadd.f32 v14, v21;
	v5 =	vmovc v15;
	v13 =	vld [tilespmem:s14+$0xFFFFFFF0]  }
0x52a: {  	v21 =	vmul.f32 v9, v22;
	v25 =	vadd.f32 v18, v23;
	v26 =	vmul.f32 v6, v24;
	v7 =	vmovc v10;
	v15 =	vld [tilespmem:s19+$0x0]  }
0x52b: {  	v9 =	vmovc v11;
	v6 =	vmov v12;
	v10 =	vadd.f32 $1.000000000e+00, v42;
	v22 =	vld [tilespmem:s14+$0x0];
	v14 =	vadd.f32 $1.000000000e+00, v35  }
0x52c: {  	v18 =	vadd.f32 v19, v16;
	v11 =	vld [tilespmem:s19+$0xFFFFFFE0];
	v12 =	vadd.f32 $1.000000000e+00, v39  }
0x52d: {  	v34 =	vmul.f32 $8.000000000e+00, v10;
	v17 =	vadd.f32 $1.000000000e+00, v17;
	v39 =	vmul.f32 $8.000000000e+00, v14;
	v16 =	vld.idx.msk [tilespmem:v37+s6+$0x0], $0xffff  }
0x52e: {  	v10 =	vmul.f32 $8.000000000e+00, v12;
	v12 =	vadd.f32 $1.000000000e+00, v13;
	v14 =	vld.idx.msk [tilespmem:v38+s6+$0x0], $0xffff;
	[tilespmem:s16+$0xFFFFFFE0] =	vst v18;
	v13 =	vadd.f32 v21, v20  }
0x52f: {  	v19 =	vtrunc.f32 v34;
	v15 =	vadd.f32 $1.000000000e+00, v15;
	v20 =	vtrunc.f32 v39;
	v18 =	vld.idx.msk [tilespmem:v36+s6+$0x0], $0xffff  }
0x530: {  	v23 =	vadd.f32 $1.000000000e+00, v22;
	v22 =	vcvt.f32.s32 v19;
	v24 =	vcvt.f32.s32 v20;
	v19 =	vld.idx.msk [tilespmem:v32+s6+$0x0], $0xffff;
	[tilespmem:s16+$0xFFFFFFF0] =	vst v13  }
0x531: {  	v13 =	vmul.f32 $8.000000000e+00, v17;
	v32 =	vadd.f32 $1.000000000e+00, v11;
	v11 =	vmul.f32 $8.000000000e+00, v12;
	v20 =	vld.idx.msk [tilespmem:v31+s6+$0x0], $0xffff  }
0x532: {  	v15 =	vmul.f32 $8.000000000e+00, v15;
	vm0 =	vgt.s32 v22, $0x0;
	vm1 =	vgt.s32 v24, $0x0;
	v21 =	vld.idx.msk [tilespmem:v30+s6+$0x0], $0xffff  }
0x533: {  	v17 =	vmul.f32 $8.000000000e+00, v32;
	v30 =	vnsel vm0, $0x0, v22;
	v24 =	vnsel vm1, $0x0, v24;
	v22 =	vld.idx.msk [tilespmem:v28+s6+$0x0], $0xffff  }
0x534: {  	v12 =	vmul.f32 $8.000000000e+00, v23;
	v28 =	vmin.u32 v30, $0xF;
	v30 =	vmin.u32 v24, $0xF;
	v23 =	vld.idx.msk [tilespmem:v29+s6+$0x0], $0xffff  }
0x535: {  	v29 =	vtrunc.f32 v17;
	v31 =	vshll.u32 v28, $0x8;
	v32 =	vshll.u32 v30, $0x4;
	v24 =	vld.idx.msk [tilespmem:v27+s6+$0x0], $0xffff  }
0x536: {  	v33 =	vtrunc.f32 v13;
	v27 =	vtrunc.f32 v10;
	v31 =	vor.u32 v31, v32  }
0x537: {  	v35 =	vtrunc.f32 v15;
	v32 =	vtrunc.f32 v11;
	v36 =	vor.u32 v2, v31  }
0x538: {  	v37 =	vtrunc.f32 v12;
	v29 =	vcvt.f32.s32 v29;
	v38 =	vor.u32 v0, v31  }
0x539: {  	v33 =	vcvt.f32.s32 v33;
	v27 =	vcvt.f32.s32 v27;
	v31 =	vor.u32 v3, v31  }
0x53a: {  	v35 =	vcvt.f32.s32 v35;
	v32 =	vcvt.f32.s32 v32;
	vm0 =	vgt.s32 v29, $0x0  }
0x53b: {  	vm2 =	vgt.s32 v33, $0x0;
	v37 =	vcvt.f32.s32 v37;
	vm1 =	vgt.s32 v27, $0x0  }
0x53c: {  	vm3 =	vgt.s32 v35, $0x0;
	v29 =	vnsel vm0, $0x0, v29;
	vm0 =	vgt.s32 v32, $0x0;
	v36 =	vld.idx.msk [tilespmem:v36+s6+$0x0], $0xffff  }
0x53d: {  	v40 =	vnsel vm2, $0x0, v33;
	v27 =	vnsel vm1, $0x0, v27;
	vm1 =	vgt.s32 v37, $0x0;
	v38 =	vld.idx.msk [tilespmem:v38+s6+$0x0], $0xffff  }
0x53e: {  	v28 =	vcvt.s32.f32 v28;
	v41 =	vnsel vm3, $0x0, v35;
	v32 =	vnsel vm0, $0x0, v32;
	v31 =	vld.idx.msk [tilespmem:v31+s6+$0x0], $0xffff  }
0x53f: {  	v29 =	vmin.u32 v29, $0xF;
	v33 =	vmin.u32 v27, $0xF;
	v27 =	vnsel vm1, $0x0, v37  }
0x540: {  	v30 =	vcvt.s32.f32 v30;
	v40 =	vmin.u32 v40, $0xF;
	v28 =	vsub.f32 v34, v28  }
0x541: {  	v42 =	vmin.u32 v41, $0xF;
	v35 =	vmin.u32 v32, $0xF;
	v34 =	vmin.u32 v27, $0xF  }
0x542: {  	v30 =	vsub.f32 v39, v30;
	v27 =	vshll.u32 v29, $0x8;
	v28 =	vmul.f32 v28, v36  }
0x543: {  	v32 =	vshll.u32 v33, $0x4;
	v37 =	vshll.u32 v35, $0x4;
	v36 =	vshll.u32 v40, $0x8  }
0x544: {  	v39 =	vshll.u32 v42, $0x8;
	v28 =	vadd.f32 v28, v38;
	v30 =	vmul.f32 v30, v31  }
0x545: {  	v27 =	vor.u32 v27, v32;
	v41 =	vor.u32 v36, v37;
	v31 =	vshll.u32 v34, $0x4  }
.Ltmp8:
0x546: {  	v37 =	vor.u32 v2, v27;
	v39 =	vor.u32 v39, v31;
	v43 =	vadd.f32 v30, v28;
	(pc) =	sbr.rel @p0 .LBB2_18-.Ltmp8, $4  }
0x547: {  	s17 =	sadd.s32 $0x40, s17;
	v32 =	vor.u32 v0, v27;
	v38 =	vor.u32 v2, v41;
	v36 =	vor.u32 v2, v39  }
0x548: {  	v31 =	vor.u32 v3, v27;
	v30 =	vor.u32 v0, v41;
	v28 =	vor.u32 v3, v41;
	[tilespmem:s17+$0x10] =	vst v43  }
0x549: {  	v41 =	vcvt.s32.f32 v29;
	v29 =	vor.u32 v0, v39;
	v27 =	vor.u32 v3, v39  }
0x54a: {  	v25 =	vadd.f32 v26, v25;
	s19 =	sadd.s32 $0x40, s19;
	v40 =	vcvt.s32.f32 v40;
	v39 =	vcvt.s32.f32 v42  }
0x54b: {  	_ =	sdelay $0x3  }
0x54c: {  	v26 =	vld.idx.msk [tilespmem:v37+s6+$0x0], $0xffff  }
0x54d: {  	v51 =	vld.idx.msk [tilespmem:v38+s6+$0x0], $0xffff  }
0x54e: {  	v36 =	vld.idx.msk [tilespmem:v36+s6+$0x0], $0xffff  }
0x54f: {  	v32 =	vld.idx.msk [tilespmem:v32+s6+$0x0], $0xffff;
	v33 =	vcvt.s32.f32 v33;
	v35 =	vcvt.s32.f32 v35  }
0x550: {  	v31 =	vld.idx.msk [tilespmem:v31+s6+$0x0], $0xffff;
	v34 =	vcvt.s32.f32 v34;
	v4 =	vmul.f32 v4, v16  }
0x551: {  	v17 =	vsub.f32 v17, v41;
	v16 =	vld.idx.msk [tilespmem:v30+s6+$0x0], $0xffff;
	v8 =	vmul.f32 v8, v14;
	v5 =	vmul.f32 v5, v18  }
0x552: {  	v14 =	vld.idx.msk [tilespmem:v28+s6+$0x0], $0xffff;
	v7 =	vmul.f32 v7, v20;
	v13 =	vsub.f32 v13, v40;
	v15 =	vsub.f32 v15, v39  }
0x553: {  	v18 =	vld.idx.msk [tilespmem:v29+s6+$0x0], $0xffff;
	v9 =	vmul.f32 v9, v22;
	v10 =	vsub.f32 v10, v33;
	v11 =	vsub.f32 v11, v35  }
0x554: {  	v6 =	vmul.f32 v6, v24;
	v4 =	vadd.f32 v4, v19;
	v8 =	vadd.f32 v8, v21;
	v19 =	vld.idx.msk [tilespmem:v27+s6+$0x0], $0xffff  }
0x555: {  	v12 =	vsub.f32 v12, v34;
	v5 =	vadd.f32 v5, v23;
	v17 =	vmul.f32 v17, v26  }
0x556: {  	v4 =	vadd.f32 v7, v4;
	v7 =	vadd.f32 v9, v8;
	v8 =	vmul.f32 v13, v51  }
0x557: {  	[tilespmem:s16+$0x0] =	vst v25;
	v9 =	vmul.f32 v15, v36;
	v10 =	vmul.f32 v10, v31;
	v13 =	vadd.f32 v17, v32  }
0x558: {  	[tilespmem:s15+$0xFFFFFFE0] =	vst v4;
	v4 =	vadd.f32 v6, v5;
	v6 =	vmul.f32 v11, v14;
	v5 =	vadd.f32 v8, v16  }
0x559: {  	[tilespmem:s15+$0xFFFFFFF0] =	vst v7;
	v7 =	vadd.f32 v9, v18;
	v8 =	vmul.f32 v12, v19;
	v9 =	vadd.f32 v10, v13  }
0x55a: {  	[tilespmem:s15+$0x0] =	vst v4;
	v4 =	vadd.f32 v6, v5  }
0x55b: {  	v5 =	vadd.f32 v8, v7;
	[tilespmem:s17+$0xFFFFFFE0] =	vst v9  }
0x55c: {  	[tilespmem:s17+$0xFFFFFFF0] =	vst v4  }
0x55d: {  	[tilespmem:s17+$0x0] =	vst v5  }
0x55e: {  	[hbm4b:s25+s1] =	stream.linear.scatter [tilespmem:s7], [sflag:$0x5], $0x1000, $0x38;
	[tilespmem:$0x9400] =	vst v63  }
0x55f: {  	_ =	swait.ge [sflag:s8], $0x1000  }
0x560: {  	[sflag:s8] =	ssyncset.done $0x0  }
0x561: {  	[sflag:s8] =	ssyncadd.s32 $0xFFFFF000  }
0x562: {  	_ =	swait.ge [sflag:s9], $0x1000  }
0x563: {  	[sflag:s9] =	ssyncset.done $0x0  }
0x564: {  	[sflag:s9] =	ssyncadd.s32 $0xFFFFF000  }
0x565: {  	_ =	swait.ge [sflag:s12], $0x1000  }
0x566: {  	[sflag:s12] =	ssyncset.done $0x0  }
0x567: {  	s14 =	simm.s32 $0x4420;
	[sflag:s12] =	ssyncadd.s32 $0xFFFFF000  }
0x568: {  	s16 =	simm.s32 $0x6420;
	v4 =	vld [tilespmem:s14+$0x10]  }
0x569: {  	v5 =	vld [tilespmem:s16+$0x10]  }
0x56a: {  	v6 =	vld [tilespmem:s16+$0xFFFFFFE0]  }
0x56b: {  	v7 =	vld [tilespmem:s14+$0xFFFFFFF0]  }
0x56c: {  	v8 =	vld [tilespmem:s16+$0xFFFFFFF0]  }
0x56d: {  	v9 =	vld [tilespmem:s14+$0x0]  }
0x56e: {  	v10 =	vld [tilespmem:s14+$0xFFFFFFE0]  }
0x56f: {  	v11 =	vld [tilespmem:s16+$0x0]  }
0x570: {  	v4 =	vadd.f32 $1.000000000e+00, v4;
	v5 =	vadd.f32 $1.000000000e+00, v5  }
0x571: {  	v6 =	vadd.f32 $1.000000000e+00, v6;
	v7 =	vadd.f32 $1.000000000e+00, v7  }
0x572: {  	v8 =	vadd.f32 $1.000000000e+00, v8;
	v9 =	vadd.f32 $1.000000000e+00, v9  }
0x573: {  	v10 =	vadd.f32 $1.000000000e+00, v10;
	v4 =	vmul.f32 $8.000000000e+00, v4;
	v5 =	vmul.f32 $8.000000000e+00, v5  }
0x574: {  	v11 =	vadd.f32 $1.000000000e+00, v11;
	v6 =	vmul.f32 $8.000000000e+00, v6;
	v7 =	vmul.f32 $8.000000000e+00, v7  }
0x575: {  	v8 =	vmul.f32 $8.000000000e+00, v8;
	v9 =	vmul.f32 $8.000000000e+00, v9  }
0x576: {  	v10 =	vmul.f32 $8.000000000e+00, v10;
	v11 =	vmul.f32 $8.000000000e+00, v11  }
0x577: {  	v12 =	vtrunc.f32 v4;
	v13 =	vtrunc.f32 v5  }
0x578: {  	v14 =	vtrunc.f32 v10;
	v17 =	vtrunc.f32 v6  }
0x579: {  	v18 =	vtrunc.f32 v7;
	v19 =	vtrunc.f32 v9  }
0x57a: {  	v21 =	vtrunc.f32 v11;
	v12 =	vcvt.f32.s32 v12  }
0x57b: {  	v13 =	vcvt.f32.s32 v13;
	v14 =	vcvt.f32.s32 v14  }
0x57c: {  	v17 =	vcvt.f32.s32 v17;
	v18 =	vcvt.f32.s32 v18  }
0x57d: {  	v19 =	vcvt.f32.s32 v19;
	v21 =	vcvt.f32.s32 v21  }
0x57e: {  	vm0 =	vgt.s32 v12, $0x0;
	vm1 =	vgt.s32 v13, $0x0;
	vm6 =	vgt.s32 v14, $0x0  }
0x57f: {  	vm7 =	vgt.s32 v17, $0x0;
	v12 =	vnsel vm0, $0x0, v12;
	v13 =	vnsel vm1, $0x0, v13  }
0x580: {  	vm2 =	vgt.s32 v18, $0x0;
	v12 =	vmin.u32 v12, $0xF;
	v13 =	vmin.u32 v13, $0xF  }
0x581: {  	vm3 =	vgt.s32 v19, $0x0;
	v15 =	vshll.u32 v12, $0x8;
	v16 =	vshll.u32 v13, $0x4  }
0x582: {  	vm9 =	vgt.s32 v21, $0x0;
	v14 =	vnsel vm6, $0x0, v14;
	v15 =	vor.u32 v15, v16  }
0x583: {  	v12 =	vcvt.s32.f32 v12;
	v16 =	vtrunc.f32 v8;
	v20 =	vor.u32 v2, v15  }
0x584: {  	v22 =	vor.u32 v0, v15;
	v15 =	vor.u32 v3, v15;
	v16 =	vcvt.f32.s32 v16  }
0x585: {  	v17 =	vnsel vm7, $0x0, v17;
	v4 =	vsub.f32 v4, v12;
	v12 =	vcvt.s32.f32 v13  }
0x586: {  	s18 =	simm.s32 $0x6460;
	v18 =	vnsel vm2, $0x0, v18;
	v19 =	vnsel vm3, $0x0, v19;
	vm8 =	vgt.s32 v16, $0x0  }
0x587: {  	v25 =	vld [tilespmem:s18+$0x10];
	v23 =	vmin.u32 v14, $0xF;
	v5 =	vsub.f32 v5, v12;
	v16 =	vnsel vm8, $0x0, v16  }
0x588: {  	v27 =	vld [tilespmem:s18+$0xFFFFFFE0];
	v13 =	vmin.u32 v16, $0xF;
	v16 =	vmin.u32 v19, $0xF;
	v19 =	vshll.u32 v23, $0x8  }
0x589: {  	s17 =	simm.s32 $0x4460;
	v23 =	vcvt.s32.f32 v23;
	v14 =	vld.idx.msk [tilespmem:v15+s6+$0x0], $0xffff;
	v15 =	vmin.u32 v17, $0xF;
	v17 =	vnsel vm9, $0x0, v21  }
0x58a: {  	v28 =	vld [tilespmem:s17+$0xFFFFFFF0];
	v21 =	vshll.u32 v13, $0x4;
	v24 =	vshll.u32 v16, $0x8;
	v16 =	vcvt.s32.f32 v16  }
0x58b: {  	v20 =	vld.idx.msk [tilespmem:v20+s6+$0x0], $0xffff;
	v13 =	vcvt.s32.f32 v13;
	v17 =	vmin.u32 v17, $0xF;
	v12 =	vshll.u32 v15, $0x4  }
0x58c: {  	v15 =	vcvt.s32.f32 v15;
	v10 =	vsub.f32 v10, v23;
	v23 =	vadd.f32 $1.000000000e+00, v25  }
0x58d: {  	v25 =	vadd.f32 $1.000000000e+00, v27;
	v16 =	vsub.f32 v9, v16;
	v9 =	vcvt.s32.f32 v17  }
0x58e: {  	v18 =	vmin.u32 v18, $0xF;
	v12 =	vor.u32 v19, v12;
	v13 =	vsub.f32 v8, v13  }
0x58f: {  	v22 =	vld.idx.msk [tilespmem:v22+s6+$0x0], $0xffff;
	v15 =	vsub.f32 v6, v15;
	v25 =	vmul.f32 $8.000000000e+00, v25;
	v11 =	vsub.f32 v11, v9  }
0x590: {  	v9 =	vmul.f32 $8.000000000e+00, v23;
	v23 =	vadd.f32 $1.000000000e+00, v28;
	v4 =	vmul.f32 v4, v20  }
0x591: {  	v20 =	vshll.u32 v18, $0x8;
	v5 =	vmul.f32 v5, v14;
	v14 =	vshll.u32 v17, $0x4  }
0x592: {  	v8 =	vld [tilespmem:s17+$0xFFFFFFE0];
	v18 =	vcvt.s32.f32 v18;
	v53 =	vtrunc.f32 v25;
	v19 =	vor.u32 v20, v21  }
0x593: {  	v6 =	vld [tilespmem:s17+$0x0];
	v20 =	vor.u32 v2, v12;
	v21 =	vor.u32 v24, v14;
	v28 =	vtrunc.f32 v9  }
0x594: {  	v23 =	vmul.f32 $8.000000000e+00, v23;
	v33 =	vcvt.f32.s32 v53;
	v4 =	vadd.f32 v4, v22  }
0x595: {  	v17 =	vld [tilespmem:s18+$0x0];
	v22 =	vor.u32 v2, v19;
	v24 =	vor.u32 v2, v21;
	v26 =	vor.u32 v0, v19  }
0x596: {  	v19 =	vor.u32 v3, v19;
	v29 =	vor.u32 v0, v21;
	v18 =	vsub.f32 v7, v18;
	v7 =	vld [tilespmem:s18+$0xFFFFFFF0]  }
0x597: {  	v21 =	vor.u32 v3, v21;
	v28 =	vcvt.f32.s32 v28;
	v14 =	vadd.f32 v5, v4;
	v5 =	vld [tilespmem:s17+$0x10]  }
0x598: {  	v8 =	vadd.f32 $1.000000000e+00, v8;
	v6 =	vadd.f32 $1.000000000e+00, v6;
	v54 =	vtrunc.f32 v23  }
0x599: {  	vm13 =	vgt.s32 v33, $0x0;
	v4 =	vor.u32 v0, v12;
	v12 =	vor.u32 v3, v12  }
0x59a: {  	vm11 =	vgt.s32 v28, $0x0;
	v33 =	vnsel vm13, $0x0, v33;
	v6 =	vmul.f32 $8.000000000e+00, v6  }
0x59b: {  	v34 =	vcvt.f32.s32 v54;
	v17 =	vadd.f32 $1.000000000e+00, v17;
	v33 =	vmin.u32 v33, $0xF  }
0x59c: {  	v7 =	vadd.f32 $1.000000000e+00, v7;
	v56 =	vtrunc.f32 v6;
	v5 =	vadd.f32 $1.000000000e+00, v5  }
0x59d: {  	vm14 =	vgt.s32 v34, $0x0;
	v20 =	vld.idx.msk [tilespmem:v20+s6+$0x0], $0xffff;
	v17 =	vmul.f32 $8.000000000e+00, v17;
	v35 =	vcvt.f32.s32 v56  }
0x59e: {  	v34 =	vnsel vm14, $0x0, v34;
	v22 =	vld.idx.msk [tilespmem:v22+s6+$0x0], $0xffff;
	v30 =	vmul.f32 $8.000000000e+00, v7;
	v5 =	vmul.f32 $8.000000000e+00, v5  }
0x59f: {  	v24 =	vld.idx.msk [tilespmem:v24+s6+$0x0], $0xffff;
	v34 =	vmin.u32 v34, $0xF;
	v7 =	vmul.f32 $8.000000000e+00, v8;
	v58 =	vtrunc.f32 v17  }
0x5a0: {  	v63 =	vld.idx.msk [tilespmem:v4+s6+$0x0], $0xffff;
	v4 =	vshll.u32 v33, $0x4;
	v37 =	vcvt.f32.s32 v58;
	v27 =	vtrunc.f32 v5  }
0x5a1: {  	s14 =	simm.s32 $0x64A0;
	v19 =	vld.idx.msk [tilespmem:v19+s6+$0x0], $0xffff;
	vm6 =	vgt.s32 v35, $0x0;
	v55 =	vtrunc.f32 v30;
	v27 =	vcvt.f32.s32 v27  }
0x5a2: {  	v53 =	vld [tilespmem:s14+$0x10];
	v35 =	vnsel vm6, $0x0, v35;
	v10 =	vmul.f32 v10, v20;
	v32 =	vcvt.f32.s32 v55  }
0x5a3: {  	vm7 =	vgt.s32 v37, $0x0;
	v60 =	vmin.u32 v35, $0xF;
	vm10 =	vgt.s32 v27, $0x0  }
0x5a4: {  	v12 =	vld.idx.msk [tilespmem:v12+s6+$0x0], $0xffff;
	v18 =	vmul.f32 v18, v22;
	v8 =	vnsel vm10, $0x0, v27;
	v27 =	vnsel vm11, $0x0, v28  }
0x5a5: {  	v26 =	vld.idx.msk [tilespmem:v26+s6+$0x0], $0xffff;
	v16 =	vmul.f32 v16, v24;
	v8 =	vmin.u32 v8, $0xF;
	v27 =	vmin.u32 v27, $0xF  }
0x5a6: {  	s19 =	simm.s32 $0x44A0;
	v21 =	vld.idx.msk [tilespmem:v21+s6+$0x0], $0xffff;
	v13 =	vmul.f32 v13, v19;
	v31 =	vshll.u32 v8, $0x8;
	v52 =	vshll.u32 v27, $0x4  }
0x5a7: {  	v20 =	vld [tilespmem:s19+$0xFFFFFFF0];
	v19 =	vadd.f32 $1.000000000e+00, v53;
	v37 =	vnsel vm7, $0x0, v37;
	v31 =	vor.u32 v31, v52  }
0x5a8: {  	v24 =	vld [tilespmem:s19+$0xFFFFFFE0];
	v46 =	vshll.u32 v60, $0x8;
	vm15 =	vgt.s32 v32, $0x0;
	v57 =	vor.u32 v2, v31  }
0x5a9: {  	v12 =	vmul.f32 v15, v12;
	v15 =	vld [tilespmem:s19+$0x0];
	v59 =	vor.u32 v0, v31;
	v31 =	vor.u32 v3, v31  }
0x5aa: {  	v61 =	vmin.u32 v37, $0xF;
	v10 =	vadd.f32 v10, v63;
	v28 =	vtrunc.f32 v7  }
0x5ab: {  	v18 =	vadd.f32 v18, v26;
	v26 =	vmul.f32 v11, v21;
	v28 =	vcvt.f32.s32 v28  }
0x5ac: {  	v19 =	vmul.f32 $8.000000000e+00, v19;
	v32 =	vnsel vm15, $0x0, v32;
	v21 =	vadd.f32 v12, v10  }
0x5ad: {  	v12 =	vadd.f32 $1.000000000e+00, v20;
	v8 =	vcvt.s32.f32 v8;
	vm12 =	vgt.s32 v28, $0x0;
	v36 =	vld.idx.msk [tilespmem:v57+s6+$0x0], $0xffff  }
0x5ae: {  	v24 =	vadd.f32 $1.000000000e+00, v24;
	v15 =	vadd.f32 $1.000000000e+00, v15;
	v28 =	vnsel vm12, $0x0, v28;
	v31 =	vld.idx.msk [tilespmem:v31+s6+$0x0], $0xffff  }
0x5af: {  	v5 =	vsub.f32 v5, v8;
	v8 =	vcvt.s32.f32 v27;
	v27 =	vmin.u32 v32, $0xF;
	v38 =	vld.idx.msk [tilespmem:v59+s6+$0x0], $0xffff  }
0x5b0: {  	v15 =	vmul.f32 $8.000000000e+00, v15;
	v28 =	vmin.u32 v28, $0xF;
	v45 =	vshll.u32 v27, $0x4  }
0x5b1: {  	v27 =	vcvt.s32.f32 v27;
	v62 =	vshll.u32 v28, $0x8;
	v8 =	vsub.f32 v9, v8  }
0x5b2: {  	v9 =	vshll.u32 v34, $0x8;
	v54 =	vtrunc.f32 v15;
	v5 =	vmul.f32 v5, v36  }
0x5b3: {  	v47 =	vor.u32 v9, v45;
	v9 =	vcvt.s32.f32 v60;
	v8 =	vmul.f32 v8, v31  }
0x5b4: {  	v31 =	vor.u32 v62, v4;
	v4 =	vshll.u32 v61, $0x4;
	v5 =	vadd.f32 v5, v38  }
0x5b5: {  	v29 =	vld.idx.msk [tilespmem:v29+s6+$0x0], $0xffff;
	v32 =	vcvt.f32.s32 v54;
	v42 =	vor.u32 v2, v47;
	v49 =	vor.u32 v46, v4  }
0x5b6: {  	v52 =	vld [tilespmem:s19+$0x10];
	v4 =	vcvt.s32.f32 v28;
	v50 =	vadd.f32 v8, v5;
	v5 =	vcvt.s32.f32 v34  }
0x5b7: {  	v58 =	vor.u32 v0, v47;
	v43 =	vor.u32 v3, v47;
	vm14 =	vgt.s32 v32, $0x0  }
0x5b8: {  	v4 =	vsub.f32 v7, v4;
	v7 =	vcvt.s32.f32 v33;
	v8 =	vsub.f32 v23, v5;
	v23 =	vld [tilespmem:s14+$0xFFFFFFE0]  }
0x5b9: {  	v32 =	vnsel vm14, $0x0, v32;
	v5 =	vsub.f32 v6, v9;
	v6 =	vcvt.s32.f32 v61  }
0x5ba: {  	v47 =	vmin.u32 v32, $0xF;
	v7 =	vsub.f32 v25, v7;
	v25 =	vadd.f32 v16, v29  }
0x5bb: {  	v48 =	vor.u32 v2, v31;
	v16 =	vadd.f32 $1.000000000e+00, v52;
	v6 =	vsub.f32 v17, v6;
	v17 =	vld [tilespmem:s14+$0xFFFFFFF0]  }
0x5bc: {  	v51 =	vor.u32 v0, v31;
	v22 =	vor.u32 v3, v31;
	v28 =	vor.u32 v2, v49  }
0x5bd: {  	v11 =	vld [tilespmem:s14+$0x0];
	v44 =	vor.u32 v0, v49;
	v16 =	vmul.f32 $8.000000000e+00, v16;
	v23 =	vadd.f32 $1.000000000e+00, v23  }
0x5be: {  	v39 =	vor.u32 v3, v49;
	v9 =	vsub.f32 v30, v27;
	v61 =	vshll.u32 v47, $0x8  }
0x5bf: {  	v10 =	vmul.f32 $8.000000000e+00, v23;
	v23 =	vadd.f32 v13, v18;
	v13 =	vtrunc.f32 v16  }
0x5c0: {  	v17 =	vadd.f32 $1.000000000e+00, v17;
	v18 =	vtrunc.f32 v19;
	v20 =	vcvt.f32.s32 v13  }
0x5c1: {  	v25 =	vadd.f32 v26, v25;
	v18 =	vcvt.f32.s32 v18;
	v13 =	vmul.f32 $8.000000000e+00, v12  }
0x5c2: {  	v12 =	vadd.f32 $1.000000000e+00, v11;
	v11 =	vmul.f32 $8.000000000e+00, v17;
	v17 =	vmul.f32 $8.000000000e+00, v24  }
0x5c3: {  	v30 =	vtrunc.f32 v10;
	vm8 =	vgt.s32 v20, $0x0;
	vm9 =	vgt.s32 v18, $0x0  }
0x5c4: {  	v12 =	vmul.f32 $8.000000000e+00, v12;
	v20 =	vnsel vm8, $0x0, v20;
	v18 =	vnsel vm9, $0x0, v18  }
0x5c5: {  	v31 =	vtrunc.f32 v13;
	v20 =	vmin.u32 v20, $0xF;
	v18 =	vmin.u32 v18, $0xF  }
0x5c6: {  	v30 =	vcvt.f32.s32 v30;
	v27 =	vshll.u32 v20, $0x8;
	v29 =	vshll.u32 v18, $0x4  }
0x5c7: {  	v24 =	vtrunc.f32 v17;
	v31 =	vcvt.f32.s32 v31;
	v27 =	vor.u32 v27, v29  }
0x5c8: {  	v24 =	vcvt.f32.s32 v24;
	v56 =	vtrunc.f32 v12;
	v55 =	vor.u32 v2, v27  }
0x5c9: {  	vm11 =	vgt.s32 v30, $0x0;
	vm12 =	vgt.s32 v31, $0x0;
	v57 =	vor.u32 v0, v27  }
0x5ca: {  	v34 =	vcvt.f32.s32 v56;
	v20 =	vcvt.s32.f32 v20;
	v27 =	vor.u32 v3, v27  }
0x5cb: {  	v30 =	vnsel vm11, $0x0, v30;
	v18 =	vcvt.s32.f32 v18;
	v29 =	vtrunc.f32 v11  }
0x5cc: {  	vm10 =	vgt.s32 v24, $0x0;
	v31 =	vnsel vm12, $0x0, v31;
	v33 =	vmin.u32 v30, $0xF  }
0x5cd: {  	v29 =	vcvt.f32.s32 v29;
	v24 =	vnsel vm10, $0x0, v24;
	vm15 =	vgt.s32 v34, $0x0;
	v59 =	vld.idx.msk [tilespmem:v55+s6+$0x0], $0xffff  }
0x5ce: {  	v46 =	vmin.u32 v31, $0xF;
	v20 =	vsub.f32 v16, v20;
	v19 =	vsub.f32 v19, v18;
	v45 =	vld.idx.msk [tilespmem:v57+s6+$0x0], $0xffff  }
0x5cf: {  	s16 =	simm.s32 $0x8420;
	v30 =	vshll.u32 v33, $0x4;
	v34 =	vnsel vm15, $0x0, v34;
	v24 =	vmin.u32 v24, $0xF;
	v27 =	vld.idx.msk [tilespmem:v27+s6+$0x0], $0xffff  }
0x5d0: {  	[tilespmem:s16+$0x10] =	vst v14;
	v14 =	vld.idx.msk [tilespmem:v42+s6+$0x0], $0xffff;
	v31 =	vshll.u32 v46, $0x8;
	v40 =	vcvt.s32.f32 v46;
	vm13 =	vgt.s32 v29, $0x0  }
0x5d1: {  	[tilespmem:s16+$0xFFFFFFF0] =	vst v23;
	v23 =	vld.idx.msk [tilespmem:v44+s6+$0x0], $0xffff;
	v34 =	vmin.u32 v34, $0xF;
	v41 =	vcvt.s32.f32 v24;
	v29 =	vnsel vm13, $0x0, v29  }
0x5d2: {  	s15 =	simm.s32 $0x8460;
	[tilespmem:s16+$0xFFFFFFE0] =	vst v21;
	v16 =	vld.idx.msk [tilespmem:v48+s6+$0x0], $0xffff;
	v21 =	vshll.u32 v34, $0x4;
	v35 =	vmin.u32 v29, $0xF;
	v20 =	vmul.f32 v20, v59  }
0x5d3: {  	[tilespmem:s15+$0x10] =	vst v50;
	v18 =	vld.idx.msk [tilespmem:v28+s6+$0x0], $0xffff;
	v29 =	vshll.u32 v24, $0x8;
	v63 =	vor.u32 v61, v21;
	v60 =	vshll.u32 v35, $0x4  }
0x5d4: {  	v21 =	vld.idx.msk [tilespmem:v58+s6+$0x0], $0xffff;
	v29 =	vor.u32 v29, v30;
	v27 =	vmul.f32 v19, v27;
	v28 =	vadd.f32 v20, v45  }
0x5d5: {  	v24 =	vld.idx.msk [tilespmem:v39+s6+$0x0], $0xffff;
	v36 =	vor.u32 v2, v63;
	v62 =	vor.u32 v31, v60;
	v37 =	vor.u32 v2, v29  }
0x5d6: {  	v32 =	vor.u32 v0, v29;
	v31 =	vor.u32 v3, v29;
	v19 =	vld.idx.msk [tilespmem:v51+s6+$0x0], $0xffff;
	v45 =	vadd.f32 v27, v28  }
0x5d7: {  	s17 =	simm.s32 $0x84A0;
	v29 =	vor.u32 v0, v63;
	v38 =	vor.u32 v2, v62;
	v30 =	vor.u32 v0, v62;
	v20 =	vld.idx.msk [tilespmem:v22+s6+$0x0], $0xffff  }
0x5d8: {  	s18 =	simm.s32 $0x8;
	s19 =	simm.s32 $0x44E0;
	v39 =	vcvt.s32.f32 v47;
	v22 =	vld.idx.msk [tilespmem:v43+s6+$0x0], $0xffff;
	v28 =	vor.u32 v3, v62;
	v27 =	vor.u32 v3, v63;
	[tilespmem:s17+$0x10] =	vst v45  }
.LBB2_20:
0x5d9: {  	v42 =	vld [tilespmem:s19+$0x10];
	v17 =	vsub.f32 v17, v41;
	v26 =	vcvt.s32.f32 v33;
	v33 =	vcvt.s32.f32 v35;
	s14 =	sadd.s32 $0x40, s14  }
0x5da: {  	s18 =	sadd.s32 $0x4, s18;
	v34 =	vcvt.s32.f32 v34;
	v35 =	vld [tilespmem:s14+$0x10];
	v13 =	vsub.f32 v13, v40;
	v15 =	vsub.f32 v15, v39;
	[tilespmem:s16+$0x0] =	vst v25;
	s16 =	smov.u32 s15;
	s15 =	smov.u32 s17  }
0x5db: {  	v16 =	vmul.f32 v4, v16;
	v14 =	vmul.f32 v8, v14;
	p0 =	slt.u32 s18, $0xFC;
	v39 =	vld [tilespmem:s14+$0xFFFFFFE0];
	v10 =	vsub.f32 v10, v26;
	v4 =	vmovc v17  }
0x5dc: {  	v18 =	vmul.f32 v5, v18;
	v11 =	vsub.f32 v11, v33;
	v12 =	vsub.f32 v12, v34;
	v17 =	vld [tilespmem:s19+$0xFFFFFFF0];
	v8 =	vmovc v13  }
0x5dd: {  	v16 =	vadd.f32 v16, v19;
	v19 =	vmul.f32 v7, v20;
	v20 =	vadd.f32 v14, v21;
	v5 =	vmovc v15;
	v13 =	vld [tilespmem:s14+$0xFFFFFFF0]  }
0x5de: {  	v21 =	vmul.f32 v9, v22;
	v25 =	vadd.f32 v18, v23;
	v26 =	vmul.f32 v6, v24;
	v7 =	vmovc v10;
	v15 =	vld [tilespmem:s19+$0x0]  }
0x5df: {  	v9 =	vmovc v11;
	v6 =	vmov v12;
	v10 =	vadd.f32 $1.000000000e+00, v42;
	v22 =	vld [tilespmem:s14+$0x0];
	v14 =	vadd.f32 $1.000000000e+00, v35  }
0x5e0: {  	v18 =	vadd.f32 v19, v16;
	v11 =	vld [tilespmem:s19+$0xFFFFFFE0];
	v12 =	vadd.f32 $1.000000000e+00, v39  }
0x5e1: {  	v34 =	vmul.f32 $8.000000000e+00, v10;
	v17 =	vadd.f32 $1.000000000e+00, v17;
	v39 =	vmul.f32 $8.000000000e+00, v14;
	v16 =	vld.idx.msk [tilespmem:v37+s6+$0x0], $0xffff  }
0x5e2: {  	v10 =	vmul.f32 $8.000000000e+00, v12;
	v12 =	vadd.f32 $1.000000000e+00, v13;
	v14 =	vld.idx.msk [tilespmem:v38+s6+$0x0], $0xffff;
	[tilespmem:s16+$0xFFFFFFE0] =	vst v18;
	v13 =	vadd.f32 v21, v20  }
0x5e3: {  	v19 =	vtrunc.f32 v34;
	v15 =	vadd.f32 $1.000000000e+00, v15;
	v20 =	vtrunc.f32 v39;
	v18 =	vld.idx.msk [tilespmem:v36+s6+$0x0], $0xffff  }
0x5e4: {  	v23 =	vadd.f32 $1.000000000e+00, v22;
	v22 =	vcvt.f32.s32 v19;
	v24 =	vcvt.f32.s32 v20;
	v19 =	vld.idx.msk [tilespmem:v32+s6+$0x0], $0xffff;
	[tilespmem:s16+$0xFFFFFFF0] =	vst v13  }
0x5e5: {  	v13 =	vmul.f32 $8.000000000e+00, v17;
	v32 =	vadd.f32 $1.000000000e+00, v11;
	v11 =	vmul.f32 $8.000000000e+00, v12;
	v20 =	vld.idx.msk [tilespmem:v31+s6+$0x0], $0xffff  }
0x5e6: {  	v15 =	vmul.f32 $8.000000000e+00, v15;
	vm0 =	vgt.s32 v22, $0x0;
	vm1 =	vgt.s32 v24, $0x0;
	v21 =	vld.idx.msk [tilespmem:v30+s6+$0x0], $0xffff  }
0x5e7: {  	v17 =	vmul.f32 $8.000000000e+00, v32;
	v30 =	vnsel vm0, $0x0, v22;
	v24 =	vnsel vm1, $0x0, v24;
	v22 =	vld.idx.msk [tilespmem:v28+s6+$0x0], $0xffff  }
0x5e8: {  	v12 =	vmul.f32 $8.000000000e+00, v23;
	v28 =	vmin.u32 v30, $0xF;
	v30 =	vmin.u32 v24, $0xF;
	v23 =	vld.idx.msk [tilespmem:v29+s6+$0x0], $0xffff  }
0x5e9: {  	v29 =	vtrunc.f32 v17;
	v31 =	vshll.u32 v28, $0x8;
	v32 =	vshll.u32 v30, $0x4;
	v24 =	vld.idx.msk [tilespmem:v27+s6+$0x0], $0xffff  }
0x5ea: {  	v33 =	vtrunc.f32 v13;
	v27 =	vtrunc.f32 v10;
	v31 =	vor.u32 v31, v32  }
0x5eb: {  	v35 =	vtrunc.f32 v15;
	v32 =	vtrunc.f32 v11;
	v36 =	vor.u32 v2, v31  }
0x5ec: {  	v37 =	vtrunc.f32 v12;
	v29 =	vcvt.f32.s32 v29;
	v38 =	vor.u32 v0, v31  }
0x5ed: {  	v33 =	vcvt.f32.s32 v33;
	v27 =	vcvt.f32.s32 v27;
	v31 =	vor.u32 v3, v31  }
0x5ee: {  	v35 =	vcvt.f32.s32 v35;
	v32 =	vcvt.f32.s32 v32;
	vm0 =	vgt.s32 v29, $0x0  }
0x5ef: {  	vm2 =	vgt.s32 v33, $0x0;
	v37 =	vcvt.f32.s32 v37;
	vm1 =	vgt.s32 v27, $0x0  }
0x5f0: {  	vm3 =	vgt.s32 v35, $0x0;
	v29 =	vnsel vm0, $0x0, v29;
	vm0 =	vgt.s32 v32, $0x0;
	v36 =	vld.idx.msk [tilespmem:v36+s6+$0x0], $0xffff  }
0x5f1: {  	v40 =	vnsel vm2, $0x0, v33;
	v27 =	vnsel vm1, $0x0, v27;
	vm1 =	vgt.s32 v37, $0x0;
	v38 =	vld.idx.msk [tilespmem:v38+s6+$0x0], $0xffff  }
0x5f2: {  	v28 =	vcvt.s32.f32 v28;
	v41 =	vnsel vm3, $0x0, v35;
	v32 =	vnsel vm0, $0x0, v32;
	v31 =	vld.idx.msk [tilespmem:v31+s6+$0x0], $0xffff  }
0x5f3: {  	v29 =	vmin.u32 v29, $0xF;
	v33 =	vmin.u32 v27, $0xF;
	v27 =	vnsel vm1, $0x0, v37  }
0x5f4: {  	v30 =	vcvt.s32.f32 v30;
	v40 =	vmin.u32 v40, $0xF;
	v28 =	vsub.f32 v34, v28  }
0x5f5: {  	v42 =	vmin.u32 v41, $0xF;
	v35 =	vmin.u32 v32, $0xF;
	v34 =	vmin.u32 v27, $0xF  }
0x5f6: {  	v30 =	vsub.f32 v39, v30;
	v27 =	vshll.u32 v29, $0x8;
	v28 =	vmul.f32 v28, v36  }
0x5f7: {  	v32 =	vshll.u32 v33, $0x4;
	v37 =	vshll.u32 v35, $0x4;
	v36 =	vshll.u32 v40, $0x8  }
0x5f8: {  	v39 =	vshll.u32 v42, $0x8;
	v28 =	vadd.f32 v28, v38;
	v30 =	vmul.f32 v30, v31  }
0x5f9: {  	v27 =	vor.u32 v27, v32;
	v41 =	vor.u32 v36, v37;
	v31 =	vshll.u32 v34, $0x4  }
.Ltmp9:
0x5fa: {  	v37 =	vor.u32 v2, v27;
	v39 =	vor.u32 v39, v31;
	v43 =	vadd.f32 v30, v28;
	(pc) =	sbr.rel @p0 .LBB2_20-.Ltmp9, $4  }
0x5fb: {  	s17 =	sadd.s32 $0x40, s17;
	v32 =	vor.u32 v0, v27;
	v38 =	vor.u32 v2, v41;
	v36 =	vor.u32 v2, v39  }
0x5fc: {  	v31 =	vor.u32 v3, v27;
	v30 =	vor.u32 v0, v41;
	v28 =	vor.u32 v3, v41;
	[tilespmem:s17+$0x10] =	vst v43  }
0x5fd: {  	v41 =	vcvt.s32.f32 v29;
	v29 =	vor.u32 v0, v39;
	v27 =	vor.u32 v3, v39  }
0x5fe: {  	v25 =	vadd.f32 v26, v25;
	s19 =	sadd.s32 $0x40, s19;
	v40 =	vcvt.s32.f32 v40;
	v39 =	vcvt.s32.f32 v42  }
0x5ff: {  	_ =	sdelay $0x3  }
0x600: {  	v26 =	vld.idx.msk [tilespmem:v37+s6+$0x0], $0xffff  }
0x601: {  	v51 =	vld.idx.msk [tilespmem:v38+s6+$0x0], $0xffff  }
0x602: {  	v36 =	vld.idx.msk [tilespmem:v36+s6+$0x0], $0xffff  }
0x603: {  	v32 =	vld.idx.msk [tilespmem:v32+s6+$0x0], $0xffff;
	v33 =	vcvt.s32.f32 v33;
	v35 =	vcvt.s32.f32 v35  }
0x604: {  	v31 =	vld.idx.msk [tilespmem:v31+s6+$0x0], $0xffff;
	v34 =	vcvt.s32.f32 v34;
	v4 =	vmul.f32 v4, v16  }
0x605: {  	v17 =	vsub.f32 v17, v41;
	v52 =	vld.idx.msk [tilespmem:v30+s6+$0x0], $0xffff;
	v8 =	vmul.f32 v8, v14;
	v5 =	vmul.f32 v5, v18  }
0x606: {  	v53 =	vld.idx.msk [tilespmem:v28+s6+$0x0], $0xffff;
	v7 =	vmul.f32 v7, v20;
	v13 =	vsub.f32 v13, v40;
	v15 =	vsub.f32 v15, v39  }
0x607: {  	v54 =	vld.idx.msk [tilespmem:v29+s6+$0x0], $0xffff;
	v9 =	vmul.f32 v9, v22;
	v10 =	vsub.f32 v10, v33;
	v11 =	vsub.f32 v11, v35  }
0x608: {  	v55 =	vld.idx.msk [tilespmem:v27+s6+$0x0], $0xffff;
	v6 =	vmul.f32 v6, v24;
	v4 =	vadd.f32 v4, v19;
	v8 =	vadd.f32 v8, v21  }
0x609: {  	v12 =	vsub.f32 v12, v34;
	v5 =	vadd.f32 v5, v23;
	v17 =	vmul.f32 v17, v26  }
0x60a: {  	v4 =	vadd.f32 v7, v4;
	v56 =	vadd.f32 v9, v8;
	v57 =	vmul.f32 v13, v51  }
0x60b: {  	[tilespmem:s16+$0x0] =	vst v25;
	v58 =	vmul.f32 v15, v36;
	v10 =	vmul.f32 v10, v31;
	v59 =	vadd.f32 v17, v32  }
0x60c: {  	v60 =	vmul.f32 v11, v53;
	[tilespmem:s15+$0xFFFFFFE0] =	vst v4;
	v4 =	vadd.f32 v6, v5;
	v5 =	vadd.f32 v57, v52  }
0x60d: {  	v62 =	vmul.f32 v12, v55;
	[tilespmem:s15+$0xFFFFFFF0] =	vst v56;
	v61 =	vadd.f32 v58, v54;
	v63 =	vadd.f32 v10, v59  }
0x60e: {  	[tilespmem:s15+$0x0] =	vst v4;
	v4 =	vadd.f32 v60, v5  }
0x60f: {  	v5 =	vadd.f32 v62, v61;
	[tilespmem:s17+$0xFFFFFFE0] =	vst v63  }
0x610: {  	[tilespmem:s17+$0xFFFFFFF0] =	vst v4  }
0x611: {  	s13 =	sadd.s32 $0x1, s13;
	[tilespmem:s17+$0x0] =	vst v5  }
0x612: {  	[hbm4b:s26+s1] =	stream.linear.scatter [tilespmem:s10], [sflag:$0x6], $0x1000, $0x38;
	[tilespmem:$0x9400] =	vst v63  }
0x613: {  	p0 =	sne.s32 s13, s30;
	_ =	swait.ge [sflag:s11], $0x1000  }
.Ltmp10:
0x614: {  	[sflag:s11] =	ssyncset.done $0x0;
	(pc) =	sbr.rel @p0 .LBB2_1-.Ltmp10, $4  }
0x615: {  	[sflag:s11] =	ssyncadd.s32 $0xFFFFF000  }
0x616: {  	_ =	swait.ge [sflag:s12], $0x1000  }
0x617: {  	[sflag:s12] =	ssyncset.done $0x0  }
0x618: {  	[sflag:s12] =	ssyncadd.s32 $0xFFFFF000  }
0x619: {  	_ =	sfence.sel $0x180000  }
0x61a: {  	[bflag:$0x0] =	sbarrier.arrive $0xFFFF  }
0x61b: {  	_ =	strace $0x90000047  }
0x61c: {  	s0 =	stileid.u32;
	[bflag:$0x2] =	sbarrier.arrive $0xFFFF  }
0x61d: {  	p0 =	sne.s32 s0, $0x0;
	s0 =	rddreg [dreg:$0x4]  }
0x61e: {  	s0 =	sadd.s32 @!p0 $0x100000, s0  }
0x61f: {  	[sflag:s0] =	ssyncadd.tile.s32 @!p0 $0x1;
	_ =	shalt  }
.Lfunc_end2:
_tile_overlayer_lowered:
.L_overlay_start_2:
0x620: {  	(tag) =	ssettag $0x2  }
0x621: {  	s0 =	rddreg [dreg:$0x0];
	s2 =	stileid.u32  }
0x622: {  	s1 =	rddreg [dreg:$0x1];
	p0 =	sne.s32 s2, $0x0  }
0x623: {  	s3 =	rddreg [dreg:$0x2];
	[bflag:$0x3] =	sbarrier.arrive $0xFFFF;
	s2 =	simm.s32 @!p0 $0x1C07  }
0x624: {  	[timem:s3], [sflag:s2] =	dma.local @!p0 [hbm:s0], s1  }
0x625: {  	s0 =	simm.s32 @!p0 $0x7  }
0x626: {  	_ =	swait.ge @!p0 [sflag:s0], s1  }
0x627: {  	s1 =	ssub.s32 @!p0 $0x0, s1;
	[sflag:s0] =	ssyncset.done @!p0 $0x0  }
0x628: {  	[sflag:s0] =	ssyncadd.s32 @!p0 s1  }
0x629: {  	[bflag:$0x3] =	sbarrier.arrive $0xFFFF  }
0x62a: {  	_ =	shalt  }

</sc_bundles>
